<compile_context>
chip_gen: v7x
topology: tpu7x:2x2x1
jax: 0.10.2.dev20260603
libtpu: 0.0.44.dev20260713+nightly
codegen_flags: <defaults>
</compile_context>

<pallas_src>
import functools

import jax
import jax.numpy as jnp
from jax import lax
from jax.experimental import pallas as pl
from jax.experimental.pallas import tpu as pltpu
from jax.experimental.pallas import tpu_sc as plsc

N_TOK = 16384
N_EMBD = 2048
N_EXPERTS = 16
TOP_K = 2

TILE = 1024

_info = plsc.get_sparse_core_info()
_NC, _NS = _info.num_cores, _info.num_subcores
_NW = _NC * _NS
_TPW = N_TOK // _NW


def _logits_krn(x_ref, w_ref, b_ref, epst_ref, noisyt_ref):
    x = x_ref[...]
    y = jnp.dot(x, w_ref[...], preferred_element_type=jnp.float32)
    yt = y.T + b_ref[...]
    logits = yt[:N_EXPERTS, :]
    nlog = yt[N_EXPERTS:, :]
    noisyt_ref[...] = logits + epst_ref[...] * jax.nn.softplus(nlog)


def _route_sc_krn(noisy_hbm, routt_hbm, i1_hbm, i2_hbm, g1t_hbm,
                  nz_v, routt_v, i1_v, i2_v, g1t_v):
    wid = lax.axis_index("s") * _NC + lax.axis_index("c")
    base = wid * _TPW
    for e in range(N_EXPERTS):
        pltpu.sync_copy(noisy_hbm.at[e, pl.ds(base, _TPW)],
                        nz_v.at[pl.ds(e * _TPW, _TPW)])

    def body(tb, carry):
        t0 = tb * 16
        r = [nz_v[pl.ds(e * _TPW + t0, 16)] for e in range(N_EXPERTS)]
        m1 = r[0]
        for e in range(1, N_EXPERTS):
            m1 = jnp.maximum(m1, r[e])
        i1 = jnp.full((16,), N_EXPERTS - 1, jnp.int32)
        for e in range(N_EXPERTS - 2, -1, -1):
            i1 = jnp.where(r[e] == m1, e, i1)
        m2 = None
        for e in range(N_EXPERTS):
            masked = jnp.where(i1 == e, -jnp.inf, r[e])
            m2 = masked if m2 is None else jnp.maximum(m2, masked)
        i2 = jnp.full((16,), N_EXPERTS - 1, jnp.int32)
        for e in range(N_EXPERTS - 2, -1, -1):
            i2 = jnp.where((r[e] == m2) & (i1 != e), e, i2)
        ex = []
        s = None
        for e in range(N_EXPERTS):
            t = jnp.exp(r[e] - m1)
            ex.append(t)
            s = t if s is None else s + t
        rs = 1.0 / s
        d = 1.0 / (1.0 + jnp.exp(m2 - m1))
        for e in range(N_EXPERTS):
            g1t_v[pl.ds(e * _TPW + t0, 16)] = ex[e] * rs
            keep = (i1 == e) | (i2 == e)
            routt_v[pl.ds(e * _TPW + t0, 16)] = jnp.where(keep, ex[e] * d, 0.0)
        i1_v[pl.ds(t0, 16)] = i1
        i2_v[pl.ds(t0, 16)] = i2
        return carry

    lax.fori_loop(0, _TPW // 16, body, 0)

    for e in range(N_EXPERTS):
        pltpu.sync_copy(g1t_v.at[pl.ds(e * _TPW, _TPW)],
                        g1t_hbm.at[e, pl.ds(base, _TPW)])
        pltpu.sync_copy(routt_v.at[pl.ds(e * _TPW, _TPW)],
                        routt_hbm.at[e, pl.ds(base, _TPW)])
    pltpu.sync_copy(i1_v, i1_hbm.at[pl.ds(base, _TPW)])
    pltpu.sync_copy(i2_v, i2_hbm.at[pl.ds(base, _TPW)])


@functools.partial(jax.jit, static_argnames=())
def kernel(mh_output, W_route, b_route, W_noise, b_noise, noise_eps):
    grid = (N_TOK // TILE,)
    W = jnp.concatenate([W_route, W_noise], axis=1)
    b = jnp.concatenate([b_route, b_noise]).reshape(2 * N_EXPERTS, 1)
    epst = noise_eps.T
    noisyt = pl.pallas_call(
        _logits_krn,
        grid=grid,
        compiler_params=pltpu.CompilerParams(
            dimension_semantics=("parallel",)),
        in_specs=[
            pl.BlockSpec((TILE, N_EMBD), lambda i: (i, 0)),
            pl.BlockSpec((N_EMBD, 2 * N_EXPERTS), lambda i: (0, 0)),
            pl.BlockSpec((2 * N_EXPERTS, 1), lambda i: (0, 0)),
            pl.BlockSpec((N_EXPERTS, TILE), lambda i: (0, i)),
        ],
        out_specs=pl.BlockSpec((N_EXPERTS, TILE), lambda i: (0, i)),
        out_shape=jax.ShapeDtypeStruct((N_EXPERTS, N_TOK), jnp.float32),
    )(mh_output, W, b, epst)

    route = pl.kernel(
        _route_sc_krn,
        mesh=plsc.VectorSubcoreMesh(core_axis_name="c", subcore_axis_name="s"),
        out_type=[
            jax.ShapeDtypeStruct((N_EXPERTS, N_TOK), jnp.float32),
            jax.ShapeDtypeStruct((N_TOK,), jnp.int32),
            jax.ShapeDtypeStruct((N_TOK,), jnp.int32),
            jax.ShapeDtypeStruct((N_EXPERTS, N_TOK), jnp.float32),
        ],
        scratch_types=[
            pltpu.VMEM((N_EXPERTS * _TPW,), jnp.float32),
            pltpu.VMEM((N_EXPERTS * _TPW,), jnp.float32),
            pltpu.VMEM((_TPW,), jnp.int32),
            pltpu.VMEM((_TPW,), jnp.int32),
            pltpu.VMEM((N_EXPERTS * _TPW,), jnp.float32),
        ],
    )
    routt, i1, i2, g1t = route(noisyt)
    return (routt.T, jnp.stack([i1, i2], axis=1), g1t.T)

# --- scband reference (transcript-rebuilt; emitter-appended) ---
"""Pipeline reference for scband-noisy-topk-router-52561809768844 (READ-ONLY COPY).

The authoritative reference and input builder live on the scoring server;
editing this copy changes nothing except your own understanding.
"""

import jax, jax.numpy as jnp
import numpy as np

N_TOK = 16384
N_EMBD = 2048
N_EXPERTS = 16
TOP_K = 2


def setup_inputs(seed: int = 0) -> dict:
    key = jax.random.key(seed)
    k1, k2, k3, k4, k5, k6 = jax.random.split(key, 6)
    mh_output = jax.random.normal(k1, (N_TOK, N_EMBD), dtype=jnp.float32)
    lim = 1.0 / np.sqrt(N_EMBD)
    W_route = jax.random.uniform(k2, (N_EMBD, N_EXPERTS), minval=-lim, maxval=lim, dtype=jnp.float32)
    b_route = jax.random.uniform(k3, (N_EXPERTS,), minval=-lim, maxval=lim, dtype=jnp.float32)
    W_noise = jax.random.uniform(k4, (N_EMBD, N_EXPERTS), minval=-lim, maxval=lim, dtype=jnp.float32)
    b_noise = jax.random.uniform(k5, (N_EXPERTS,), minval=-lim, maxval=lim, dtype=jnp.float32)
    # deterministic stand-in for torch.randn_like inside forward
    noise_eps = jax.random.normal(k6, (N_TOK, N_EXPERTS), dtype=jnp.float32)
    return {"mh_output": mh_output, "W_route": W_route, "b_route": b_route,
            "W_noise": W_noise, "b_noise": b_noise, "noise_eps": noise_eps}


def reference(mh_output, W_route, b_route, W_noise, b_noise, noise_eps):
    logits = mh_output @ W_route + b_route
    noise_logits = mh_output @ W_noise + b_noise
    noise = noise_eps * jax.nn.softplus(noise_logits)
    noisy_logits = logits + noise
    gate1 = jax.nn.softmax(noisy_logits, axis=-1)
    top_k_logits, indices = jax.lax.top_k(noisy_logits, TOP_K)
    # scatter top-k values into a -inf tensor == mask non-topk entries with -inf
    mask = jax.nn.one_hot(indices, N_EXPERTS, dtype=jnp.float32).sum(axis=-2) > 0
    sparse_logits = jnp.where(mask, noisy_logits, -jnp.inf)
    router_output = jax.nn.softmax(sparse_logits, axis=-1)
    return (router_output, indices, gate1)

if __name__ == "__main__":
    import jax
    _d = setup_inputs()
    print(jax.jit(kernel)(*tuple(_d.values())))

</pallas_src>

<mosaic_0001>
#map = affine_map<(d0, d1) -> (0, 0)>
#map1 = affine_map<(d0, d1) -> (0)>
module attributes {stable_mosaic.version = 14 : i64} {
  func.func @_route_sc_krn(%arg0: i32, %arg1: i32, %arg2: memref<16x16384xf32, #tpu.memory_space<hbm>>, %arg3: memref<16x16384xf32, #tpu.memory_space<hbm>>, %arg4: memref<16384xi32, #tpu.memory_space<hbm>>, %arg5: memref<16384xi32, #tpu.memory_space<hbm>>, %arg6: memref<16x16384xf32, #tpu.memory_space<hbm>>, %arg7: memref<8192xf32, #tpu.memory_space<vmem>>, %arg8: memref<8192xf32, #tpu.memory_space<vmem>>, %arg9: memref<512xi32, #tpu.memory_space<vmem>>, %arg10: memref<512xi32, #tpu.memory_space<vmem>>, %arg11: memref<8192xf32, #tpu.memory_space<vmem>>) attributes {dimension_semantics = [#tpu.dimension_semantics<core_parallel>, #tpu.dimension_semantics<subcore_parallel>], iteration_bounds = array<i64: 2, 16>, scalar_prefetch = 0 : i64, scratch_operands = 5 : i64, tpu.core_type = #tpu.core_type<sc_vector_subcore>, window_params = [{transform_indices = #map}, {transform_indices = #map}, {transform_indices = #map1}, {transform_indices = #map1}, {transform_indices = #map}]} {
    %mul3A = arith.constant 2 : i32
    %mul3A_0 = arith.muli %arg1, %mul3A : i32
    %add3A = arith.addi %mul3A_0, %arg0 : i32
    %mul3A_1 = arith.constant 512 : i32
    %mul3A_2 = arith.muli %add3A, %mul3A_1 : i32
    %run_scoped3A = arith.constant 0 : i32
    "tpu.region"() ({
      %run_scoped3A_55 = tpu.sem_alloc : memref<!tpu.dma_semaphore, #tpu.memory_space<semaphore_mem>>
      %dma_start3A = arith.constant 0 : i32
      %dma_start3A_56 = tpu.memref_slice %arg7[%dma_start3A] : memref<8192xf32, #tpu.memory_space<vmem>> -> memref<512xf32, #tpu.memory_space<vmem>>
      %dma_start3A_57 = tpu.memref_slice %arg2[%run_scoped3A, %mul3A_2] : memref<16x16384xf32, #tpu.memory_space<hbm>> -> memref<1x512xf32, #tpu.memory_space<hbm>>
      %dma_start3A_58 = tpu.memref_squeeze %dma_start3A_57 : memref<1x512xf32, #tpu.memory_space<hbm>> -> memref<512xf32, #tpu.memory_space<hbm>>
      %dma_start3A_59 = arith.constant 0 : i32
      %dma_start3A_60 = tpu.memref_slice %arg7[%dma_start3A_59] : memref<8192xf32, #tpu.memory_space<vmem>> -> memref<512xf32, #tpu.memory_space<vmem>>
      %dma_start3A_61 = tpu.memref_slice %arg2[%run_scoped3A, %mul3A_2] : memref<16x16384xf32, #tpu.memory_space<hbm>> -> memref<1x512xf32, #tpu.memory_space<hbm>>
      %dma_start3A_62 = tpu.memref_squeeze %dma_start3A_61 : memref<1x512xf32, #tpu.memory_space<hbm>> -> memref<512xf32, #tpu.memory_space<hbm>>
      tpu.enqueue_dma source(%dma_start3A_62 : memref<512xf32, #tpu.memory_space<hbm>>) target(%dma_start3A_60 : memref<512xf32, #tpu.memory_space<vmem>>) target_semaphore(%run_scoped3A_55 : memref<!tpu.dma_semaphore, #tpu.memory_space<semaphore_mem>>)
      %dma_wait3A = arith.constant 0 : i32
      %dma_wait3A_63 = tpu.memref_slice %arg7[%dma_wait3A] : memref<8192xf32, #tpu.memory_space<vmem>> -> memref<512xf32, #tpu.memory_space<vmem>>
      %dma_wait3A_64 = tpu.memref_slice %arg2[%run_scoped3A, %mul3A_2] : memref<16x16384xf32, #tpu.memory_space<hbm>> -> memref<1x512xf32, #tpu.memory_space<hbm>>
      %dma_wait3A_65 = tpu.memref_squeeze %dma_wait3A_64 : memref<1x512xf32, #tpu.memory_space<hbm>> -> memref<512xf32, #tpu.memory_space<hbm>>
      %dma_wait3A_66 = arith.constant 0 : i32
      %dma_wait3A_67 = tpu.memref_slice %arg7[%dma_wait3A_66] : memref<8192xf32, #tpu.memory_space<vmem>> -> memref<512xf32, #tpu.memory_space<vmem>>
      %dma_wait3A_68 = tpu.memref_slice %arg2[%run_scoped3A, %mul3A_2] : memref<16x16384xf32, #tpu.memory_space<hbm>> -> memref<1x512xf32, #tpu.memory_space<hbm>>
      %dma_wait3A_69 = tpu.memref_squeeze %dma_wait3A_68 : memref<1x512xf32, #tpu.memory_space<hbm>> -> memref<512xf32, #tpu.memory_space<hbm>>
      tpu.wait_dma2 semaphore(%run_scoped3A_55 : memref<!tpu.dma_semaphore, #tpu.memory_space<semaphore_mem>>) src(%dma_wait3A_69 : memref<512xf32, #tpu.memory_space<hbm>>) dst(%dma_wait3A_67 : memref<512xf32, #tpu.memory_space<vmem>>)
      tpu.yield
    }) : () -> ()
    %run_scoped3A_3 = arith.constant 1 : i32
    "tpu.region"() ({
      %run_scoped3A_55 = tpu.sem_alloc : memref<!tpu.dma_semaphore, #tpu.memory_space<semaphore_mem>>
      %dma_start3A = arith.constant 512 : i32
      %dma_start3A_56 = tpu.memref_slice %arg7[%dma_start3A] : memref<8192xf32, #tpu.memory_space<vmem>> -> memref<512xf32, #tpu.memory_space<vmem>>
      %dma_start3A_57 = tpu.memref_slice %arg2[%run_scoped3A_3, %mul3A_2] : memref<16x16384xf32, #tpu.memory_space<hbm>> -> memref<1x512xf32, #tpu.memory_space<hbm>>
      %dma_start3A_58 = tpu.memref_squeeze %dma_start3A_57 : memref<1x512xf32, #tpu.memory_space<hbm>> -> memref<512xf32, #tpu.memory_space<hbm>>
      %dma_start3A_59 = arith.constant 512 : i32
      %dma_start3A_60 = tpu.memref_slice %arg7[%dma_start3A_59] : memref<8192xf32, #tpu.memory_space<vmem>> -> memref<512xf32, #tpu.memory_space<vmem>>
      %dma_start3A_61 = tpu.memref_slice %arg2[%run_scoped3A_3, %mul3A_2] : memref<16x16384xf32, #tpu.memory_space<hbm>> -> memref<1x512xf32, #tpu.memory_space<hbm>>
      %dma_start3A_62 = tpu.memref_squeeze %dma_start3A_61 : memref<1x512xf32, #tpu.memory_space<hbm>> -> memref<512xf32, #tpu.memory_space<hbm>>
      tpu.enqueue_dma source(%dma_start3A_62 : memref<512xf32, #tpu.memory_space<hbm>>) target(%dma_start3A_60 : memref<512xf32, #tpu.memory_space<vmem>>) target_semaphore(%run_scoped3A_55 : memref<!tpu.dma_semaphore, #tpu.memory_space<semaphore_mem>>)
      %dma_wait3A = arith.constant 512 : i32
      %dma_wait3A_63 = tpu.memref_slice %arg7[%dma_wait3A] : memref<8192xf32, #tpu.memory_space<vmem>> -> memref<512xf32, #tpu.memory_space<vmem>>
      %dma_wait3A_64 = tpu.memref_slice %arg2[%run_scoped3A_3, %mul3A_2] : memref<16x16384xf32, #tpu.memory_space<hbm>> -> memref<1x512xf32, #tpu.memory_space<hbm>>
      %dma_wait3A_65 = tpu.memref_squeeze %dma_wait3A_64 : memref<1x512xf32, #tpu.memory_space<hbm>> -> memref<512xf32, #tpu.memory_space<hbm>>
      %dma_wait3A_66 = arith.constant 512 : i32
      %dma_wait3A_67 = tpu.memref_slice %arg7[%dma_wait3A_66] : memref<8192xf32, #tpu.memory_space<vmem>> -> memref<512xf32, #tpu.memory_space<vmem>>
      %dma_wait3A_68 = tpu.memref_slice %arg2[%run_scoped3A_3, %mul3A_2] : memref<16x16384xf32, #tpu.memory_space<hbm>> -> memref<1x512xf32, #tpu.memory_space<hbm>>
      %dma_wait3A_69 = tpu.memref_squeeze %dma_wait3A_68 : memref<1x512xf32, #tpu.memory_space<hbm>> -> memref<512xf32, #tpu.memory_space<hbm>>
      tpu.wait_dma2 semaphore(%run_scoped3A_55 : memref<!tpu.dma_semaphore, #tpu.memory_space<semaphore_mem>>) src(%dma_wait3A_69 : memref<512xf32, #tpu.memory_space<hbm>>) dst(%dma_wait3A_67 : memref<512xf32, #tpu.memory_space<vmem>>)
      tpu.yield
    }) : () -> ()
    %run_scoped3A_4 = arith.constant 2 : i32
    "tpu.region"() ({
      %run_scoped3A_55 = tpu.sem_alloc : memref<!tpu.dma_semaphore, #tpu.memory_space<semaphore_mem>>
      %dma_start3A = arith.constant 1024 : i32
      %dma_start3A_56 = tpu.memref_slice %arg7[%dma_start3A] : memref<8192xf32, #tpu.memory_space<vmem>> -> memref<512xf32, #tpu.memory_space<vmem>>
      %dma_start3A_57 = tpu.memref_slice %arg2[%run_scoped3A_4, %mul3A_2] : memref<16x16384xf32, #tpu.memory_space<hbm>> -> memref<1x512xf32, #tpu.memory_space<hbm>>
      %dma_start3A_58 = tpu.memref_squeeze %dma_start3A_57 : memref<1x512xf32, #tpu.memory_space<hbm>> -> memref<512xf32, #tpu.memory_space<hbm>>
      %dma_start3A_59 = arith.constant 1024 : i32
      %dma_start3A_60 = tpu.memref_slice %arg7[%dma_start3A_59] : memref<8192xf32, #tpu.memory_space<vmem>> -> memref<512xf32, #tpu.memory_space<vmem>>
      %dma_start3A_61 = tpu.memref_slice %arg2[%run_scoped3A_4, %mul3A_2] : memref<16x16384xf32, #tpu.memory_space<hbm>> -> memref<1x512xf32, #tpu.memory_space<hbm>>
      %dma_start3A_62 = tpu.memref_squeeze %dma_start3A_61 : memref<1x512xf32, #tpu.memory_space<hbm>> -> memref<512xf32, #tpu.memory_space<hbm>>
      tpu.enqueue_dma source(%dma_start3A_62 : memref<512xf32, #tpu.memory_space<hbm>>) target(%dma_start3A_60 : memref<512xf32, #tpu.memory_space<vmem>>) target_semaphore(%run_scoped3A_55 : memref<!tpu.dma_semaphore, #tpu.memory_space<semaphore_mem>>)
      %dma_wait3A = arith.constant 1024 : i32
      %dma_wait3A_63 = tpu.memref_slice %arg7[%dma_wait3A] : memref<8192xf32, #tpu.memory_space<vmem>> -> memref<512xf32, #tpu.memory_space<vmem>>
      %dma_wait3A_64 = tpu.memref_slice %arg2[%run_scoped3A_4, %mul3A_2] : memref<16x16384xf32, #tpu.memory_space<hbm>> -> memref<1x512xf32, #tpu.memory_space<hbm>>
      %dma_wait3A_65 = tpu.memref_squeeze %dma_wait3A_64 : memref<1x512xf32, #tpu.memory_space<hbm>> -> memref<512xf32, #tpu.memory_space<hbm>>
      %dma_wait3A_66 = arith.constant 1024 : i32
      %dma_wait3A_67 = tpu.memref_slice %arg7[%dma_wait3A_66] : memref<8192xf32, #tpu.memory_space<vmem>> -> memref<512xf32, #tpu.memory_space<vmem>>
      %dma_wait3A_68 = tpu.memref_slice %arg2[%run_scoped3A_4, %mul3A_2] : memref<16x16384xf32, #tpu.memory_space<hbm>> -> memref<1x512xf32, #tpu.memory_space<hbm>>
      %dma_wait3A_69 = tpu.memref_squeeze %dma_wait3A_68 : memref<1x512xf32, #tpu.memory_space<hbm>> -> memref<512xf32, #tpu.memory_space<hbm>>
      tpu.wait_dma2 semaphore(%run_scoped3A_55 : memref<!tpu.dma_semaphore, #tpu.memory_space<semaphore_mem>>) src(%dma_wait3A_69 : memref<512xf32, #tpu.memory_space<hbm>>) dst(%dma_wait3A_67 : memref<512xf32, #tpu.memory_space<vmem>>)
      tpu.yield
    }) : () -> ()
    %run_scoped3A_5 = arith.constant 3 : i32
    "tpu.region"() ({
      %run_scoped3A_55 = tpu.sem_alloc : memref<!tpu.dma_semaphore, #tpu.memory_space<semaphore_mem>>
      %dma_start3A = arith.constant 1536 : i32
      %dma_start3A_56 = tpu.memref_slice %arg7[%dma_start3A] : memref<8192xf32, #tpu.memory_space<vmem>> -> memref<512xf32, #tpu.memory_space<vmem>>
      %dma_start3A_57 = tpu.memref_slice %arg2[%run_scoped3A_5, %mul3A_2] : memref<16x16384xf32, #tpu.memory_space<hbm>> -> memref<1x512xf32, #tpu.memory_space<hbm>>
      %dma_start3A_58 = tpu.memref_squeeze %dma_start3A_57 : memref<1x512xf32, #tpu.memory_space<hbm>> -> memref<512xf32, #tpu.memory_space<hbm>>
      %dma_start3A_59 = arith.constant 1536 : i32
      %dma_start3A_60 = tpu.memref_slice %arg7[%dma_start3A_59] : memref<8192xf32, #tpu.memory_space<vmem>> -> memref<512xf32, #tpu.memory_space<vmem>>
      %dma_start3A_61 = tpu.memref_slice %arg2[%run_scoped3A_5, %mul3A_2] : memref<16x16384xf32, #tpu.memory_space<hbm>> -> memref<1x512xf32, #tpu.memory_space<hbm>>
      %dma_start3A_62 = tpu.memref_squeeze %dma_start3A_61 : memref<1x512xf32, #tpu.memory_space<hbm>> -> memref<512xf32, #tpu.memory_space<hbm>>
      tpu.enqueue_dma source(%dma_start3A_62 : memref<512xf32, #tpu.memory_space<hbm>>) target(%dma_start3A_60 : memref<512xf32, #tpu.memory_space<vmem>>) target_semaphore(%run_scoped3A_55 : memref<!tpu.dma_semaphore, #tpu.memory_space<semaphore_mem>>)
      %dma_wait3A = arith.constant 1536 : i32
      %dma_wait3A_63 = tpu.memref_slice %arg7[%dma_wait3A] : memref<8192xf32, #tpu.memory_space<vmem>> -> memref<512xf32, #tpu.memory_space<vmem>>
      %dma_wait3A_64 = tpu.memref_slice %arg2[%run_scoped3A_5, %mul3A_2] : memref<16x16384xf32, #tpu.memory_space<hbm>> -> memref<1x512xf32, #tpu.memory_space<hbm>>
      %dma_wait3A_65 = tpu.memref_squeeze %dma_wait3A_64 : memref<1x512xf32, #tpu.memory_space<hbm>> -> memref<512xf32, #tpu.memory_space<hbm>>
      %dma_wait3A_66 = arith.constant 1536 : i32
      %dma_wait3A_67 = tpu.memref_slice %arg7[%dma_wait3A_66] : memref<8192xf32, #tpu.memory_space<vmem>> -> memref<512xf32, #tpu.memory_space<vmem>>
      %dma_wait3A_68 = tpu.memref_slice %arg2[%run_scoped3A_5, %mul3A_2] : memref<16x16384xf32, #tpu.memory_space<hbm>> -> memref<1x512xf32, #tpu.memory_space<hbm>>
      %dma_wait3A_69 = tpu.memref_squeeze %dma_wait3A_68 : memref<1x512xf32, #tpu.memory_space<hbm>> -> memref<512xf32, #tpu.memory_space<hbm>>
      tpu.wait_dma2 semaphore(%run_scoped3A_55 : memref<!tpu.dma_semaphore, #tpu.memory_space<semaphore_mem>>) src(%dma_wait3A_69 : memref<512xf32, #tpu.memory_space<hbm>>) dst(%dma_wait3A_67 : memref<512xf32, #tpu.memory_space<vmem>>)
      tpu.yield
    }) : () -> ()
    %run_scoped3A_6 = arith.constant 4 : i32
    "tpu.region"() ({
      %run_scoped3A_55 = tpu.sem_alloc : memref<!tpu.dma_semaphore, #tpu.memory_space<semaphore_mem>>
      %dma_start3A = arith.constant 2048 : i32
      %dma_start3A_56 = tpu.memref_slice %arg7[%dma_start3A] : memref<8192xf32, #tpu.memory_space<vmem>> -> memref<512xf32, #tpu.memory_space<vmem>>
      %dma_start3A_57 = tpu.memref_slice %arg2[%run_scoped3A_6, %mul3A_2] : memref<16x16384xf32, #tpu.memory_space<hbm>> -> memref<1x512xf32, #tpu.memory_space<hbm>>
      %dma_start3A_58 = tpu.memref_squeeze %dma_start3A_57 : memref<1x512xf32, #tpu.memory_space<hbm>> -> memref<512xf32, #tpu.memory_space<hbm>>
      %dma_start3A_59 = arith.constant 2048 : i32
      %dma_start3A_60 = tpu.memref_slice %arg7[%dma_start3A_59] : memref<8192xf32, #tpu.memory_space<vmem>> -> memref<512xf32, #tpu.memory_space<vmem>>
      %dma_start3A_61 = tpu.memref_slice %arg2[%run_scoped3A_6, %mul3A_2] : memref<16x16384xf32, #tpu.memory_space<hbm>> -> memref<1x512xf32, #tpu.memory_space<hbm>>
      %dma_start3A_62 = tpu.memref_squeeze %dma_start3A_61 : memref<1x512xf32, #tpu.memory_space<hbm>> -> memref<512xf32, #tpu.memory_space<hbm>>
      tpu.enqueue_dma source(%dma_start3A_62 : memref<512xf32, #tpu.memory_space<hbm>>) target(%dma_start3A_60 : memref<512xf32, #tpu.memory_space<vmem>>) target_semaphore(%run_scoped3A_55 : memref<!tpu.dma_semaphore, #tpu.memory_space<semaphore_mem>>)
      %dma_wait3A = arith.constant 2048 : i32
      %dma_wait3A_63 = tpu.memref_slice %arg7[%dma_wait3A] : memref<8192xf32, #tpu.memory_space<vmem>> -> memref<512xf32, #tpu.memory_space<vmem>>
      %dma_wait3A_64 = tpu.memref_slice %arg2[%run_scoped3A_6, %mul3A_2] : memref<16x16384xf32, #tpu.memory_space<hbm>> -> memref<1x512xf32, #tpu.memory_space<hbm>>
      %dma_wait3A_65 = tpu.memref_squeeze %dma_wait3A_64 : memref<1x512xf32, #tpu.memory_space<hbm>> -> memref<512xf32, #tpu.memory_space<hbm>>
      %dma_wait3A_66 = arith.constant 2048 : i32
      %dma_wait3A_67 = tpu.memref_slice %arg7[%dma_wait3A_66] : memref<8192xf32, #tpu.memory_space<vmem>> -> memref<512xf32, #tpu.memory_space<vmem>>
      %dma_wait3A_68 = tpu.memref_slice %arg2[%run_scoped3A_6, %mul3A_2] : memref<16x16384xf32, #tpu.memory_space<hbm>> -> memref<1x512xf32, #tpu.memory_space<hbm>>
      %dma_wait3A_69 = tpu.memref_squeeze %dma_wait3A_68 : memref<1x512xf32, #tpu.memory_space<hbm>> -> memref<512xf32, #tpu.memory_space<hbm>>
      tpu.wait_dma2 semaphore(%run_scoped3A_55 : memref<!tpu.dma_semaphore, #tpu.memory_space<semaphore_mem>>) src(%dma_wait3A_69 : memref<512xf32, #tpu.memory_space<hbm>>) dst(%dma_wait3A_67 : memref<512xf32, #tpu.memory_space<vmem>>)
      tpu.yield
    }) : () -> ()
    %run_scoped3A_7 = arith.constant 5 : i32
    "tpu.region"() ({
      %run_scoped3A_55 = tpu.sem_alloc : memref<!tpu.dma_semaphore, #tpu.memory_space<semaphore_mem>>
      %dma_start3A = arith.constant 2560 : i32
      %dma_start3A_56 = tpu.memref_slice %arg7[%dma_start3A] : memref<8192xf32, #tpu.memory_space<vmem>> -> memref<512xf32, #tpu.memory_space<vmem>>
      %dma_start3A_57 = tpu.memref_slice %arg2[%run_scoped3A_7, %mul3A_2] : memref<16x16384xf32, #tpu.memory_space<hbm>> -> memref<1x512xf32, #tpu.memory_space<hbm>>
      %dma_start3A_58 = tpu.memref_squeeze %dma_start3A_57 : memref<1x512xf32, #tpu.memory_space<hbm>> -> memref<512xf32, #tpu.memory_space<hbm>>
      %dma_start3A_59 = arith.constant 2560 : i32
      %dma_start3A_60 = tpu.memref_slice %arg7[%dma_start3A_59] : memref<8192xf32, #tpu.memory_space<vmem>> -> memref<512xf32, #tpu.memory_space<vmem>>
      %dma_start3A_61 = tpu.memref_slice %arg2[%run_scoped3A_7, %mul3A_2] : memref<16x16384xf32, #tpu.memory_space<hbm>> -> memref<1x512xf32, #tpu.memory_space<hbm>>
      %dma_start3A_62 = tpu.memref_squeeze %dma_start3A_61 : memref<1x512xf32, #tpu.memory_space<hbm>> -> memref<512xf32, #tpu.memory_space<hbm>>
      tpu.enqueue_dma source(%dma_start3A_62 : memref<512xf32, #tpu.memory_space<hbm>>) target(%dma_start3A_60 : memref<512xf32, #tpu.memory_space<vmem>>) target_semaphore(%run_scoped3A_55 : memref<!tpu.dma_semaphore, #tpu.memory_space<semaphore_mem>>)
      %dma_wait3A = arith.constant 2560 : i32
      %dma_wait3A_63 = tpu.memref_slice %arg7[%dma_wait3A] : memref<8192xf32, #tpu.memory_space<vmem>> -> memref<512xf32, #tpu.memory_space<vmem>>
      %dma_wait3A_64 = tpu.memref_slice %arg2[%run_scoped3A_7, %mul3A_2] : memref<16x16384xf32, #tpu.memory_space<hbm>> -> memref<1x512xf32, #tpu.memory_space<hbm>>
      %dma_wait3A_65 = tpu.memref_squeeze %dma_wait3A_64 : memref<1x512xf32, #tpu.memory_space<hbm>> -> memref<512xf32, #tpu.memory_space<hbm>>
      %dma_wait3A_66 = arith.constant 2560 : i32
      %dma_wait3A_67 = tpu.memref_slice %arg7[%dma_wait3A_66] : memref<8192xf32, #tpu.memory_space<vmem>> -> memref<512xf32, #tpu.memory_space<vmem>>
      %dma_wait3A_68 = tpu.memref_slice %arg2[%run_scoped3A_7, %mul3A_2] : memref<16x16384xf32, #tpu.memory_space<hbm>> -> memref<1x512xf32, #tpu.memory_space<hbm>>
      %dma_wait3A_69 = tpu.memref_squeeze %dma_wait3A_68 : memref<1x512xf32, #tpu.memory_space<hbm>> -> memref<512xf32, #tpu.memory_space<hbm>>
      tpu.wait_dma2 semaphore(%run_scoped3A_55 : memref<!tpu.dma_semaphore, #tpu.memory_space<semaphore_mem>>) src(%dma_wait3A_69 : memref<512xf32, #tpu.memory_space<hbm>>) dst(%dma_wait3A_67 : memref<512xf32, #tpu.memory_space<vmem>>)
      tpu.yield
    }) : () -> ()
    %run_scoped3A_8 = arith.constant 6 : i32
    "tpu.region"() ({
      %run_scoped3A_55 = tpu.sem_alloc : memref<!tpu.dma_semaphore, #tpu.memory_space<semaphore_mem>>
      %dma_start3A = arith.constant 3072 : i32
      %dma_start3A_56 = tpu.memref_slice %arg7[%dma_start3A] : memref<8192xf32, #tpu.memory_space<vmem>> -> memref<512xf32, #tpu.memory_space<vmem>>
      %dma_start3A_57 = tpu.memref_slice %arg2[%run_scoped3A_8, %mul3A_2] : memref<16x16384xf32, #tpu.memory_space<hbm>> -> memref<1x512xf32, #tpu.memory_space<hbm>>
      %dma_start3A_58 = tpu.memref_squeeze %dma_start3A_57 : memref<1x512xf32, #tpu.memory_space<hbm>> -> memref<512xf32, #tpu.memory_space<hbm>>
      %dma_start3A_59 = arith.constant 3072 : i32
      %dma_start3A_60 = tpu.memref_slice %arg7[%dma_start3A_59] : memref<8192xf32, #tpu.memory_space<vmem>> -> memref<512xf32, #tpu.memory_space<vmem>>
      %dma_start3A_61 = tpu.memref_slice %arg2[%run_scoped3A_8, %mul3A_2] : memref<16x16384xf32, #tpu.memory_space<hbm>> -> memref<1x512xf32, #tpu.memory_space<hbm>>
      %dma_start3A_62 = tpu.memref_squeeze %dma_start3A_61 : memref<1x512xf32, #tpu.memory_space<hbm>> -> memref<512xf32, #tpu.memory_space<hbm>>
      tpu.enqueue_dma source(%dma_start3A_62 : memref<512xf32, #tpu.memory_space<hbm>>) target(%dma_start3A_60 : memref<512xf32, #tpu.memory_space<vmem>>) target_semaphore(%run_scoped3A_55 : memref<!tpu.dma_semaphore, #tpu.memory_space<semaphore_mem>>)
      %dma_wait3A = arith.constant 3072 : i32
      %dma_wait3A_63 = tpu.memref_slice %arg7[%dma_wait3A] : memref<8192xf32, #tpu.memory_space<vmem>> -> memref<512xf32, #tpu.memory_space<vmem>>
      %dma_wait3A_64 = tpu.memref_slice %arg2[%run_scoped3A_8, %mul3A_2] : memref<16x16384xf32, #tpu.memory_space<hbm>> -> memref<1x512xf32, #tpu.memory_space<hbm>>
      %dma_wait3A_65 = tpu.memref_squeeze %dma_wait3A_64 : memref<1x512xf32, #tpu.memory_space<hbm>> -> memref<512xf32, #tpu.memory_space<hbm>>
      %dma_wait3A_66 = arith.constant 3072 : i32
      %dma_wait3A_67 = tpu.memref_slice %arg7[%dma_wait3A_66] : memref<8192xf32, #tpu.memory_space<vmem>> -> memref<512xf32, #tpu.memory_space<vmem>>
      %dma_wait3A_68 = tpu.memref_slice %arg2[%run_scoped3A_8, %mul3A_2] : memref<16x16384xf32, #tpu.memory_space<hbm>> -> memref<1x512xf32, #tpu.memory_space<hbm>>
      %dma_wait3A_69 = tpu.memref_squeeze %dma_wait3A_68 : memref<1x512xf32, #tpu.memory_space<hbm>> -> memref<512xf32, #tpu.memory_space<hbm>>
      tpu.wait_dma2 semaphore(%run_scoped3A_55 : memref<!tpu.dma_semaphore, #tpu.memory_space<semaphore_mem>>) src(%dma_wait3A_69 : memref<512xf32, #tpu.memory_space<hbm>>) dst(%dma_wait3A_67 : memref<512xf32, #tpu.memory_space<vmem>>)
      tpu.yield
    }) : () -> ()
    %run_scoped3A_9 = arith.constant 7 : i32
    "tpu.region"() ({
      %run_scoped3A_55 = tpu.sem_alloc : memref<!tpu.dma_semaphore, #tpu.memory_space<semaphore_mem>>
      %dma_start3A = arith.constant 3584 : i32
      %dma_start3A_56 = tpu.memref_slice %arg7[%dma_start3A] : memref<8192xf32, #tpu.memory_space<vmem>> -> memref<512xf32, #tpu.memory_space<vmem>>
      %dma_start3A_57 = tpu.memref_slice %arg2[%run_scoped3A_9, %mul3A_2] : memref<16x16384xf32, #tpu.memory_space<hbm>> -> memref<1x512xf32, #tpu.memory_space<hbm>>
      %dma_start3A_58 = tpu.memref_squeeze %dma_start3A_57 : memref<1x512xf32, #tpu.memory_space<hbm>> -> memref<512xf32, #tpu.memory_space<hbm>>
      %dma_start3A_59 = arith.constant 3584 : i32
      %dma_start3A_60 = tpu.memref_slice %arg7[%dma_start3A_59] : memref<8192xf32, #tpu.memory_space<vmem>> -> memref<512xf32, #tpu.memory_space<vmem>>
      %dma_start3A_61 = tpu.memref_slice %arg2[%run_scoped3A_9, %mul3A_2] : memref<16x16384xf32, #tpu.memory_space<hbm>> -> memref<1x512xf32, #tpu.memory_space<hbm>>
      %dma_start3A_62 = tpu.memref_squeeze %dma_start3A_61 : memref<1x512xf32, #tpu.memory_space<hbm>> -> memref<512xf32, #tpu.memory_space<hbm>>
      tpu.enqueue_dma source(%dma_start3A_62 : memref<512xf32, #tpu.memory_space<hbm>>) target(%dma_start3A_60 : memref<512xf32, #tpu.memory_space<vmem>>) target_semaphore(%run_scoped3A_55 : memref<!tpu.dma_semaphore, #tpu.memory_space<semaphore_mem>>)
      %dma_wait3A = arith.constant 3584 : i32
      %dma_wait3A_63 = tpu.memref_slice %arg7[%dma_wait3A] : memref<8192xf32, #tpu.memory_space<vmem>> -> memref<512xf32, #tpu.memory_space<vmem>>
      %dma_wait3A_64 = tpu.memref_slice %arg2[%run_scoped3A_9, %mul3A_2] : memref<16x16384xf32, #tpu.memory_space<hbm>> -> memref<1x512xf32, #tpu.memory_space<hbm>>
      %dma_wait3A_65 = tpu.memref_squeeze %dma_wait3A_64 : memref<1x512xf32, #tpu.memory_space<hbm>> -> memref<512xf32, #tpu.memory_space<hbm>>
      %dma_wait3A_66 = arith.constant 3584 : i32
      %dma_wait3A_67 = tpu.memref_slice %arg7[%dma_wait3A_66] : memref<8192xf32, #tpu.memory_space<vmem>> -> memref<512xf32, #tpu.memory_space<vmem>>
      %dma_wait3A_68 = tpu.memref_slice %arg2[%run_scoped3A_9, %mul3A_2] : memref<16x16384xf32, #tpu.memory_space<hbm>> -> memref<1x512xf32, #tpu.memory_space<hbm>>
      %dma_wait3A_69 = tpu.memref_squeeze %dma_wait3A_68 : memref<1x512xf32, #tpu.memory_space<hbm>> -> memref<512xf32, #tpu.memory_space<hbm>>
      tpu.wait_dma2 semaphore(%run_scoped3A_55 : memref<!tpu.dma_semaphore, #tpu.memory_space<semaphore_mem>>) src(%dma_wait3A_69 : memref<512xf32, #tpu.memory_space<hbm>>) dst(%dma_wait3A_67 : memref<512xf32, #tpu.memory_space<vmem>>)
      tpu.yield
    }) : () -> ()
    %run_scoped3A_10 = arith.constant 8 : i32
    "tpu.region"() ({
      %run_scoped3A_55 = tpu.sem_alloc : memref<!tpu.dma_semaphore, #tpu.memory_space<semaphore_mem>>
      %dma_start3A = arith.constant 4096 : i32
      %dma_start3A_56 = tpu.memref_slice %arg7[%dma_start3A] : memref<8192xf32, #tpu.memory_space<vmem>> -> memref<512xf32, #tpu.memory_space<vmem>>
      %dma_start3A_57 = tpu.memref_slice %arg2[%run_scoped3A_10, %mul3A_2] : memref<16x16384xf32, #tpu.memory_space<hbm>> -> memref<1x512xf32, #tpu.memory_space<hbm>>
      %dma_start3A_58 = tpu.memref_squeeze %dma_start3A_57 : memref<1x512xf32, #tpu.memory_space<hbm>> -> memref<512xf32, #tpu.memory_space<hbm>>
      %dma_start3A_59 = arith.constant 4096 : i32
      %dma_start3A_60 = tpu.memref_slice %arg7[%dma_start3A_59] : memref<8192xf32, #tpu.memory_space<vmem>> -> memref<512xf32, #tpu.memory_space<vmem>>
      %dma_start3A_61 = tpu.memref_slice %arg2[%run_scoped3A_10, %mul3A_2] : memref<16x16384xf32, #tpu.memory_space<hbm>> -> memref<1x512xf32, #tpu.memory_space<hbm>>
      %dma_start3A_62 = tpu.memref_squeeze %dma_start3A_61 : memref<1x512xf32, #tpu.memory_space<hbm>> -> memref<512xf32, #tpu.memory_space<hbm>>
      tpu.enqueue_dma source(%dma_start3A_62 : memref<512xf32, #tpu.memory_space<hbm>>) target(%dma_start3A_60 : memref<512xf32, #tpu.memory_space<vmem>>) target_semaphore(%run_scoped3A_55 : memref<!tpu.dma_semaphore, #tpu.memory_space<semaphore_mem>>)
      %dma_wait3A = arith.constant 4096 : i32
      %dma_wait3A_63 = tpu.memref_slice %arg7[%dma_wait3A] : memref<8192xf32, #tpu.memory_space<vmem>> -> memref<512xf32, #tpu.memory_space<vmem>>
      %dma_wait3A_64 = tpu.memref_slice %arg2[%run_scoped3A_10, %mul3A_2] : memref<16x16384xf32, #tpu.memory_space<hbm>> -> memref<1x512xf32, #tpu.memory_space<hbm>>
      %dma_wait3A_65 = tpu.memref_squeeze %dma_wait3A_64 : memref<1x512xf32, #tpu.memory_space<hbm>> -> memref<512xf32, #tpu.memory_space<hbm>>
      %dma_wait3A_66 = arith.constant 4096 : i32
      %dma_wait3A_67 = tpu.memref_slice %arg7[%dma_wait3A_66] : memref<8192xf32, #tpu.memory_space<vmem>> -> memref<512xf32, #tpu.memory_space<vmem>>
      %dma_wait3A_68 = tpu.memref_slice %arg2[%run_scoped3A_10, %mul3A_2] : memref<16x16384xf32, #tpu.memory_space<hbm>> -> memref<1x512xf32, #tpu.memory_space<hbm>>
      %dma_wait3A_69 = tpu.memref_squeeze %dma_wait3A_68 : memref<1x512xf32, #tpu.memory_space<hbm>> -> memref<512xf32, #tpu.memory_space<hbm>>
      tpu.wait_dma2 semaphore(%run_scoped3A_55 : memref<!tpu.dma_semaphore, #tpu.memory_space<semaphore_mem>>) src(%dma_wait3A_69 : memref<512xf32, #tpu.memory_space<hbm>>) dst(%dma_wait3A_67 : memref<512xf32, #tpu.memory_space<vmem>>)
      tpu.yield
    }) : () -> ()
    %run_scoped3A_11 = arith.constant 9 : i32
    "tpu.region"() ({
      %run_scoped3A_55 = tpu.sem_alloc : memref<!tpu.dma_semaphore, #tpu.memory_space<semaphore_mem>>
      %dma_start3A = arith.constant 4608 : i32
      %dma_start3A_56 = tpu.memref_slice %arg7[%dma_start3A] : memref<8192xf32, #tpu.memory_space<vmem>> -> memref<512xf32, #tpu.memory_space<vmem>>
      %dma_start3A_57 = tpu.memref_slice %arg2[%run_scoped3A_11, %mul3A_2] : memref<16x16384xf32, #tpu.memory_space<hbm>> -> memref<1x512xf32, #tpu.memory_space<hbm>>
      %dma_start3A_58 = tpu.memref_squeeze %dma_start3A_57 : memref<1x512xf32, #tpu.memory_space<hbm>> -> memref<512xf32, #tpu.memory_space<hbm>>
      %dma_start3A_59 = arith.constant 4608 : i32
      %dma_start3A_60 = tpu.memref_slice %arg7[%dma_start3A_59] : memref<8192xf32, #tpu.memory_space<vmem>> -> memref<512xf32, #tpu.memory_space<vmem>>
      %dma_start3A_61 = tpu.memref_slice %arg2[%run_scoped3A_11, %mul3A_2] : memref<16x16384xf32, #tpu.memory_space<hbm>> -> memref<1x512xf32, #tpu.memory_space<hbm>>
      %dma_start3A_62 = tpu.memref_squeeze %dma_start3A_61 : memref<1x512xf32, #tpu.memory_space<hbm>> -> memref<512xf32, #tpu.memory_space<hbm>>
      tpu.enqueue_dma source(%dma_start3A_62 : memref<512xf32, #tpu.memory_space<hbm>>) target(%dma_start3A_60 : memref<512xf32, #tpu.memory_space<vmem>>) target_semaphore(%run_scoped3A_55 : memref<!tpu.dma_semaphore, #tpu.memory_space<semaphore_mem>>)
      %dma_wait3A = arith.constant 4608 : i32
      %dma_wait3A_63 = tpu.memref_slice %arg7[%dma_wait3A] : memref<8192xf32, #tpu.memory_space<vmem>> -> memref<512xf32, #tpu.memory_space<vmem>>
      %dma_wait3A_64 = tpu.memref_slice %arg2[%run_scoped3A_11, %mul3A_2] : memref<16x16384xf32, #tpu.memory_space<hbm>> -> memref<1x512xf32, #tpu.memory_space<hbm>>
      %dma_wait3A_65 = tpu.memref_squeeze %dma_wait3A_64 : memref<1x512xf32, #tpu.memory_space<hbm>> -> memref<512xf32, #tpu.memory_space<hbm>>
      %dma_wait3A_66 = arith.constant 4608 : i32
      %dma_wait3A_67 = tpu.memref_slice %arg7[%dma_wait3A_66] : memref<8192xf32, #tpu.memory_space<vmem>> -> memref<512xf32, #tpu.memory_space<vmem>>
      %dma_wait3A_68 = tpu.memref_slice %arg2[%run_scoped3A_11, %mul3A_2] : memref<16x16384xf32, #tpu.memory_space<hbm>> -> memref<1x512xf32, #tpu.memory_space<hbm>>
      %dma_wait3A_69 = tpu.memref_squeeze %dma_wait3A_68 : memref<1x512xf32, #tpu.memory_space<hbm>> -> memref<512xf32, #tpu.memory_space<hbm>>
      tpu.wait_dma2 semaphore(%run_scoped3A_55 : memref<!tpu.dma_semaphore, #tpu.memory_space<semaphore_mem>>) src(%dma_wait3A_69 : memref<512xf32, #tpu.memory_space<hbm>>) dst(%dma_wait3A_67 : memref<512xf32, #tpu.memory_space<vmem>>)
      tpu.yield
    }) : () -> ()
    %run_scoped3A_12 = arith.constant 10 : i32
    "tpu.region"() ({
      %run_scoped3A_55 = tpu.sem_alloc : memref<!tpu.dma_semaphore, #tpu.memory_space<semaphore_mem>>
      %dma_start3A = arith.constant 5120 : i32
      %dma_start3A_56 = tpu.memref_slice %arg7[%dma_start3A] : memref<8192xf32, #tpu.memory_space<vmem>> -> memref<512xf32, #tpu.memory_space<vmem>>
      %dma_start3A_57 = tpu.memref_slice %arg2[%run_scoped3A_12, %mul3A_2] : memref<16x16384xf32, #tpu.memory_space<hbm>> -> memref<1x512xf32, #tpu.memory_space<hbm>>
      %dma_start3A_58 = tpu.memref_squeeze %dma_start3A_57 : memref<1x512xf32, #tpu.memory_space<hbm>> -> memref<512xf32, #tpu.memory_space<hbm>>
      %dma_start3A_59 = arith.constant 5120 : i32
      %dma_start3A_60 = tpu.memref_slice %arg7[%dma_start3A_59] : memref<8192xf32, #tpu.memory_space<vmem>> -> memref<512xf32, #tpu.memory_space<vmem>>
      %dma_start3A_61 = tpu.memref_slice %arg2[%run_scoped3A_12, %mul3A_2] : memref<16x16384xf32, #tpu.memory_space<hbm>> -> memref<1x512xf32, #tpu.memory_space<hbm>>
      %dma_start3A_62 = tpu.memref_squeeze %dma_start3A_61 : memref<1x512xf32, #tpu.memory_space<hbm>> -> memref<512xf32, #tpu.memory_space<hbm>>
      tpu.enqueue_dma source(%dma_start3A_62 : memref<512xf32, #tpu.memory_space<hbm>>) target(%dma_start3A_60 : memref<512xf32, #tpu.memory_space<vmem>>) target_semaphore(%run_scoped3A_55 : memref<!tpu.dma_semaphore, #tpu.memory_space<semaphore_mem>>)
      %dma_wait3A = arith.constant 5120 : i32
      %dma_wait3A_63 = tpu.memref_slice %arg7[%dma_wait3A] : memref<8192xf32, #tpu.memory_space<vmem>> -> memref<512xf32, #tpu.memory_space<vmem>>
      %dma_wait3A_64 = tpu.memref_slice %arg2[%run_scoped3A_12, %mul3A_2] : memref<16x16384xf32, #tpu.memory_space<hbm>> -> memref<1x512xf32, #tpu.memory_space<hbm>>
      %dma_wait3A_65 = tpu.memref_squeeze %dma_wait3A_64 : memref<1x512xf32, #tpu.memory_space<hbm>> -> memref<512xf32, #tpu.memory_space<hbm>>
      %dma_wait3A_66 = arith.constant 5120 : i32
      %dma_wait3A_67 = tpu.memref_slice %arg7[%dma_wait3A_66] : memref<8192xf32, #tpu.memory_space<vmem>> -> memref<512xf32, #tpu.memory_space<vmem>>
      %dma_wait3A_68 = tpu.memref_slice %arg2[%run_scoped3A_12, %mul3A_2] : memref<16x16384xf32, #tpu.memory_space<hbm>> -> memref<1x512xf32, #tpu.memory_space<hbm>>
      %dma_wait3A_69 = tpu.memref_squeeze %dma_wait3A_68 : memref<1x512xf32, #tpu.memory_space<hbm>> -> memref<512xf32, #tpu.memory_space<hbm>>
      tpu.wait_dma2 semaphore(%run_scoped3A_55 : memref<!tpu.dma_semaphore, #tpu.memory_space<semaphore_mem>>) src(%dma_wait3A_69 : memref<512xf32, #tpu.memory_space<hbm>>) dst(%dma_wait3A_67 : memref<512xf32, #tpu.memory_space<vmem>>)
      tpu.yield
    }) : () -> ()
    %run_scoped3A_13 = arith.constant 11 : i32
    "tpu.region"() ({
      %run_scoped3A_55 = tpu.sem_alloc : memref<!tpu.dma_semaphore, #tpu.memory_space<semaphore_mem>>
      %dma_start3A = arith.constant 5632 : i32
      %dma_start3A_56 = tpu.memref_slice %arg7[%dma_start3A] : memref<8192xf32, #tpu.memory_space<vmem>> -> memref<512xf32, #tpu.memory_space<vmem>>
      %dma_start3A_57 = tpu.memref_slice %arg2[%run_scoped3A_13, %mul3A_2] : memref<16x16384xf32, #tpu.memory_space<hbm>> -> memref<1x512xf32, #tpu.memory_space<hbm>>
      %dma_start3A_58 = tpu.memref_squeeze %dma_start3A_57 : memref<1x512xf32, #tpu.memory_space<hbm>> -> memref<512xf32, #tpu.memory_space<hbm>>
      %dma_start3A_59 = arith.constant 5632 : i32
      %dma_start3A_60 = tpu.memref_slice %arg7[%dma_start3A_59] : memref<8192xf32, #tpu.memory_space<vmem>> -> memref<512xf32, #tpu.memory_space<vmem>>
      %dma_start3A_61 = tpu.memref_slice %arg2[%run_scoped3A_13, %mul3A_2] : memref<16x16384xf32, #tpu.memory_space<hbm>> -> memref<1x512xf32, #tpu.memory_space<hbm>>
      %dma_start3A_62 = tpu.memref_squeeze %dma_start3A_61 : memref<1x512xf32, #tpu.memory_space<hbm>> -> memref<512xf32, #tpu.memory_space<hbm>>
      tpu.enqueue_dma source(%dma_start3A_62 : memref<512xf32, #tpu.memory_space<hbm>>) target(%dma_start3A_60 : memref<512xf32, #tpu.memory_space<vmem>>) target_semaphore(%run_scoped3A_55 : memref<!tpu.dma_semaphore, #tpu.memory_space<semaphore_mem>>)
      %dma_wait3A = arith.constant 5632 : i32
      %dma_wait3A_63 = tpu.memref_slice %arg7[%dma_wait3A] : memref<8192xf32, #tpu.memory_space<vmem>> -> memref<512xf32, #tpu.memory_space<vmem>>
      %dma_wait3A_64 = tpu.memref_slice %arg2[%run_scoped3A_13, %mul3A_2] : memref<16x16384xf32, #tpu.memory_space<hbm>> -> memref<1x512xf32, #tpu.memory_space<hbm>>
      %dma_wait3A_65 = tpu.memref_squeeze %dma_wait3A_64 : memref<1x512xf32, #tpu.memory_space<hbm>> -> memref<512xf32, #tpu.memory_space<hbm>>
      %dma_wait3A_66 = arith.constant 5632 : i32
      %dma_wait3A_67 = tpu.memref_slice %arg7[%dma_wait3A_66] : memref<8192xf32, #tpu.memory_space<vmem>> -> memref<512xf32, #tpu.memory_space<vmem>>
      %dma_wait3A_68 = tpu.memref_slice %arg2[%run_scoped3A_13, %mul3A_2] : memref<16x16384xf32, #tpu.memory_space<hbm>> -> memref<1x512xf32, #tpu.memory_space<hbm>>
      %dma_wait3A_69 = tpu.memref_squeeze %dma_wait3A_68 : memref<1x512xf32, #tpu.memory_space<hbm>> -> memref<512xf32, #tpu.memory_space<hbm>>
      tpu.wait_dma2 semaphore(%run_scoped3A_55 : memref<!tpu.dma_semaphore, #tpu.memory_space<semaphore_mem>>) src(%dma_wait3A_69 : memref<512xf32, #tpu.memory_space<hbm>>) dst(%dma_wait3A_67 : memref<512xf32, #tpu.memory_space<vmem>>)
      tpu.yield
    }) : () -> ()
    %run_scoped3A_14 = arith.constant 12 : i32
    "tpu.region"() ({
      %run_scoped3A_55 = tpu.sem_alloc : memref<!tpu.dma_semaphore, #tpu.memory_space<semaphore_mem>>
      %dma_start3A = arith.constant 6144 : i32
      %dma_start3A_56 = tpu.memref_slice %arg7[%dma_start3A] : memref<8192xf32, #tpu.memory_space<vmem>> -> memref<512xf32, #tpu.memory_space<vmem>>
      %dma_start3A_57 = tpu.memref_slice %arg2[%run_scoped3A_14, %mul3A_2] : memref<16x16384xf32, #tpu.memory_space<hbm>> -> memref<1x512xf32, #tpu.memory_space<hbm>>
      %dma_start3A_58 = tpu.memref_squeeze %dma_start3A_57 : memref<1x512xf32, #tpu.memory_space<hbm>> -> memref<512xf32, #tpu.memory_space<hbm>>
      %dma_start3A_59 = arith.constant 6144 : i32
      %dma_start3A_60 = tpu.memref_slice %arg7[%dma_start3A_59] : memref<8192xf32, #tpu.memory_space<vmem>> -> memref<512xf32, #tpu.memory_space<vmem>>
      %dma_start3A_61 = tpu.memref_slice %arg2[%run_scoped3A_14, %mul3A_2] : memref<16x16384xf32, #tpu.memory_space<hbm>> -> memref<1x512xf32, #tpu.memory_space<hbm>>
      %dma_start3A_62 = tpu.memref_squeeze %dma_start3A_61 : memref<1x512xf32, #tpu.memory_space<hbm>> -> memref<512xf32, #tpu.memory_space<hbm>>
      tpu.enqueue_dma source(%dma_start3A_62 : memref<512xf32, #tpu.memory_space<hbm>>) target(%dma_start3A_60 : memref<512xf32, #tpu.memory_space<vmem>>) target_semaphore(%run_scoped3A_55 : memref<!tpu.dma_semaphore, #tpu.memory_space<semaphore_mem>>)
      %dma_wait3A = arith.constant 6144 : i32
      %dma_wait3A_63 = tpu.memref_slice %arg7[%dma_wait3A] : memref<8192xf32, #tpu.memory_space<vmem>> -> memref<512xf32, #tpu.memory_space<vmem>>
      %dma_wait3A_64 = tpu.memref_slice %arg2[%run_scoped3A_14, %mul3A_2] : memref<16x16384xf32, #tpu.memory_space<hbm>> -> memref<1x512xf32, #tpu.memory_space<hbm>>
      %dma_wait3A_65 = tpu.memref_squeeze %dma_wait3A_64 : memref<1x512xf32, #tpu.memory_space<hbm>> -> memref<512xf32, #tpu.memory_space<hbm>>
      %dma_wait3A_66 = arith.constant 6144 : i32
      %dma_wait3A_67 = tpu.memref_slice %arg7[%dma_wait3A_66] : memref<8192xf32, #tpu.memory_space<vmem>> -> memref<512xf32, #tpu.memory_space<vmem>>
      %dma_wait3A_68 = tpu.memref_slice %arg2[%run_scoped3A_14, %mul3A_2] : memref<16x16384xf32, #tpu.memory_space<hbm>> -> memref<1x512xf32, #tpu.memory_space<hbm>>
      %dma_wait3A_69 = tpu.memref_squeeze %dma_wait3A_68 : memref<1x512xf32, #tpu.memory_space<hbm>> -> memref<512xf32, #tpu.memory_space<hbm>>
      tpu.wait_dma2 semaphore(%run_scoped3A_55 : memref<!tpu.dma_semaphore, #tpu.memory_space<semaphore_mem>>) src(%dma_wait3A_69 : memref<512xf32, #tpu.memory_space<hbm>>) dst(%dma_wait3A_67 : memref<512xf32, #tpu.memory_space<vmem>>)
      tpu.yield
    }) : () -> ()
    %run_scoped3A_15 = arith.constant 13 : i32
    "tpu.region"() ({
      %run_scoped3A_55 = tpu.sem_alloc : memref<!tpu.dma_semaphore, #tpu.memory_space<semaphore_mem>>
      %dma_start3A = arith.constant 6656 : i32
      %dma_start3A_56 = tpu.memref_slice %arg7[%dma_start3A] : memref<8192xf32, #tpu.memory_space<vmem>> -> memref<512xf32, #tpu.memory_space<vmem>>
      %dma_start3A_57 = tpu.memref_slice %arg2[%run_scoped3A_15, %mul3A_2] : memref<16x16384xf32, #tpu.memory_space<hbm>> -> memref<1x512xf32, #tpu.memory_space<hbm>>
      %dma_start3A_58 = tpu.memref_squeeze %dma_start3A_57 : memref<1x512xf32, #tpu.memory_space<hbm>> -> memref<512xf32, #tpu.memory_space<hbm>>
      %dma_start3A_59 = arith.constant 6656 : i32
      %dma_start3A_60 = tpu.memref_slice %arg7[%dma_start3A_59] : memref<8192xf32, #tpu.memory_space<vmem>> -> memref<512xf32, #tpu.memory_space<vmem>>
      %dma_start3A_61 = tpu.memref_slice %arg2[%run_scoped3A_15, %mul3A_2] : memref<16x16384xf32, #tpu.memory_space<hbm>> -> memref<1x512xf32, #tpu.memory_space<hbm>>
      %dma_start3A_62 = tpu.memref_squeeze %dma_start3A_61 : memref<1x512xf32, #tpu.memory_space<hbm>> -> memref<512xf32, #tpu.memory_space<hbm>>
      tpu.enqueue_dma source(%dma_start3A_62 : memref<512xf32, #tpu.memory_space<hbm>>) target(%dma_start3A_60 : memref<512xf32, #tpu.memory_space<vmem>>) target_semaphore(%run_scoped3A_55 : memref<!tpu.dma_semaphore, #tpu.memory_space<semaphore_mem>>)
      %dma_wait3A = arith.constant 6656 : i32
      %dma_wait3A_63 = tpu.memref_slice %arg7[%dma_wait3A] : memref<8192xf32, #tpu.memory_space<vmem>> -> memref<512xf32, #tpu.memory_space<vmem>>
      %dma_wait3A_64 = tpu.memref_slice %arg2[%run_scoped3A_15, %mul3A_2] : memref<16x16384xf32, #tpu.memory_space<hbm>> -> memref<1x512xf32, #tpu.memory_space<hbm>>
      %dma_wait3A_65 = tpu.memref_squeeze %dma_wait3A_64 : memref<1x512xf32, #tpu.memory_space<hbm>> -> memref<512xf32, #tpu.memory_space<hbm>>
      %dma_wait3A_66 = arith.constant 6656 : i32
      %dma_wait3A_67 = tpu.memref_slice %arg7[%dma_wait3A_66] : memref<8192xf32, #tpu.memory_space<vmem>> -> memref<512xf32, #tpu.memory_space<vmem>>
      %dma_wait3A_68 = tpu.memref_slice %arg2[%run_scoped3A_15, %mul3A_2] : memref<16x16384xf32, #tpu.memory_space<hbm>> -> memref<1x512xf32, #tpu.memory_space<hbm>>
      %dma_wait3A_69 = tpu.memref_squeeze %dma_wait3A_68 : memref<1x512xf32, #tpu.memory_space<hbm>> -> memref<512xf32, #tpu.memory_space<hbm>>
      tpu.wait_dma2 semaphore(%run_scoped3A_55 : memref<!tpu.dma_semaphore, #tpu.memory_space<semaphore_mem>>) src(%dma_wait3A_69 : memref<512xf32, #tpu.memory_space<hbm>>) dst(%dma_wait3A_67 : memref<512xf32, #tpu.memory_space<vmem>>)
      tpu.yield
    }) : () -> ()
    %run_scoped3A_16 = arith.constant 14 : i32
    "tpu.region"() ({
      %run_scoped3A_55 = tpu.sem_alloc : memref<!tpu.dma_semaphore, #tpu.memory_space<semaphore_mem>>
      %dma_start3A = arith.constant 7168 : i32
      %dma_start3A_56 = tpu.memref_slice %arg7[%dma_start3A] : memref<8192xf32, #tpu.memory_space<vmem>> -> memref<512xf32, #tpu.memory_space<vmem>>
      %dma_start3A_57 = tpu.memref_slice %arg2[%run_scoped3A_16, %mul3A_2] : memref<16x16384xf32, #tpu.memory_space<hbm>> -> memref<1x512xf32, #tpu.memory_space<hbm>>
      %dma_start3A_58 = tpu.memref_squeeze %dma_start3A_57 : memref<1x512xf32, #tpu.memory_space<hbm>> -> memref<512xf32, #tpu.memory_space<hbm>>
      %dma_start3A_59 = arith.constant 7168 : i32
      %dma_start3A_60 = tpu.memref_slice %arg7[%dma_start3A_59] : memref<8192xf32, #tpu.memory_space<vmem>> -> memref<512xf32, #tpu.memory_space<vmem>>
      %dma_start3A_61 = tpu.memref_slice %arg2[%run_scoped3A_16, %mul3A_2] : memref<16x16384xf32, #tpu.memory_space<hbm>> -> memref<1x512xf32, #tpu.memory_space<hbm>>
      %dma_start3A_62 = tpu.memref_squeeze %dma_start3A_61 : memref<1x512xf32, #tpu.memory_space<hbm>> -> memref<512xf32, #tpu.memory_space<hbm>>
      tpu.enqueue_dma source(%dma_start3A_62 : memref<512xf32, #tpu.memory_space<hbm>>) target(%dma_start3A_60 : memref<512xf32, #tpu.memory_space<vmem>>) target_semaphore(%run_scoped3A_55 : memref<!tpu.dma_semaphore, #tpu.memory_space<semaphore_mem>>)
      %dma_wait3A = arith.constant 7168 : i32
      %dma_wait3A_63 = tpu.memref_slice %arg7[%dma_wait3A] : memref<8192xf32, #tpu.memory_space<vmem>> -> memref<512xf32, #tpu.memory_space<vmem>>
      %dma_wait3A_64 = tpu.memref_slice %arg2[%run_scoped3A_16, %mul3A_2] : memref<16x16384xf32, #tpu.memory_space<hbm>> -> memref<1x512xf32, #tpu.memory_space<hbm>>
      %dma_wait3A_65 = tpu.memref_squeeze %dma_wait3A_64 : memref<1x512xf32, #tpu.memory_space<hbm>> -> memref<512xf32, #tpu.memory_space<hbm>>
      %dma_wait3A_66 = arith.constant 7168 : i32
      %dma_wait3A_67 = tpu.memref_slice %arg7[%dma_wait3A_66] : memref<8192xf32, #tpu.memory_space<vmem>> -> memref<512xf32, #tpu.memory_space<vmem>>
      %dma_wait3A_68 = tpu.memref_slice %arg2[%run_scoped3A_16, %mul3A_2] : memref<16x16384xf32, #tpu.memory_space<hbm>> -> memref<1x512xf32, #tpu.memory_space<hbm>>
      %dma_wait3A_69 = tpu.memref_squeeze %dma_wait3A_68 : memref<1x512xf32, #tpu.memory_space<hbm>> -> memref<512xf32, #tpu.memory_space<hbm>>
      tpu.wait_dma2 semaphore(%run_scoped3A_55 : memref<!tpu.dma_semaphore, #tpu.memory_space<semaphore_mem>>) src(%dma_wait3A_69 : memref<512xf32, #tpu.memory_space<hbm>>) dst(%dma_wait3A_67 : memref<512xf32, #tpu.memory_space<vmem>>)
      tpu.yield
    }) : () -> ()
    %run_scoped3A_17 = arith.constant 15 : i32
    "tpu.region"() ({
      %run_scoped3A_55 = tpu.sem_alloc : memref<!tpu.dma_semaphore, #tpu.memory_space<semaphore_mem>>
      %dma_start3A = arith.constant 7680 : i32
      %dma_start3A_56 = tpu.memref_slice %arg7[%dma_start3A] : memref<8192xf32, #tpu.memory_space<vmem>> -> memref<512xf32, #tpu.memory_space<vmem>>
      %dma_start3A_57 = tpu.memref_slice %arg2[%run_scoped3A_17, %mul3A_2] : memref<16x16384xf32, #tpu.memory_space<hbm>> -> memref<1x512xf32, #tpu.memory_space<hbm>>
      %dma_start3A_58 = tpu.memref_squeeze %dma_start3A_57 : memref<1x512xf32, #tpu.memory_space<hbm>> -> memref<512xf32, #tpu.memory_space<hbm>>
      %dma_start3A_59 = arith.constant 7680 : i32
      %dma_start3A_60 = tpu.memref_slice %arg7[%dma_start3A_59] : memref<8192xf32, #tpu.memory_space<vmem>> -> memref<512xf32, #tpu.memory_space<vmem>>
      %dma_start3A_61 = tpu.memref_slice %arg2[%run_scoped3A_17, %mul3A_2] : memref<16x16384xf32, #tpu.memory_space<hbm>> -> memref<1x512xf32, #tpu.memory_space<hbm>>
      %dma_start3A_62 = tpu.memref_squeeze %dma_start3A_61 : memref<1x512xf32, #tpu.memory_space<hbm>> -> memref<512xf32, #tpu.memory_space<hbm>>
      tpu.enqueue_dma source(%dma_start3A_62 : memref<512xf32, #tpu.memory_space<hbm>>) target(%dma_start3A_60 : memref<512xf32, #tpu.memory_space<vmem>>) target_semaphore(%run_scoped3A_55 : memref<!tpu.dma_semaphore, #tpu.memory_space<semaphore_mem>>)
      %dma_wait3A = arith.constant 7680 : i32
      %dma_wait3A_63 = tpu.memref_slice %arg7[%dma_wait3A] : memref<8192xf32, #tpu.memory_space<vmem>> -> memref<512xf32, #tpu.memory_space<vmem>>
      %dma_wait3A_64 = tpu.memref_slice %arg2[%run_scoped3A_17, %mul3A_2] : memref<16x16384xf32, #tpu.memory_space<hbm>> -> memref<1x512xf32, #tpu.memory_space<hbm>>
      %dma_wait3A_65 = tpu.memref_squeeze %dma_wait3A_64 : memref<1x512xf32, #tpu.memory_space<hbm>> -> memref<512xf32, #tpu.memory_space<hbm>>
      %dma_wait3A_66 = arith.constant 7680 : i32
      %dma_wait3A_67 = tpu.memref_slice %arg7[%dma_wait3A_66] : memref<8192xf32, #tpu.memory_space<vmem>> -> memref<512xf32, #tpu.memory_space<vmem>>
      %dma_wait3A_68 = tpu.memref_slice %arg2[%run_scoped3A_17, %mul3A_2] : memref<16x16384xf32, #tpu.memory_space<hbm>> -> memref<1x512xf32, #tpu.memory_space<hbm>>
      %dma_wait3A_69 = tpu.memref_squeeze %dma_wait3A_68 : memref<1x512xf32, #tpu.memory_space<hbm>> -> memref<512xf32, #tpu.memory_space<hbm>>
      tpu.wait_dma2 semaphore(%run_scoped3A_55 : memref<!tpu.dma_semaphore, #tpu.memory_space<semaphore_mem>>) src(%dma_wait3A_69 : memref<512xf32, #tpu.memory_space<hbm>>) dst(%dma_wait3A_67 : memref<512xf32, #tpu.memory_space<vmem>>)
      tpu.yield
    }) : () -> ()
    %scan3A = arith.constant 0 : i32
    %scan3A_18 = arith.constant 0 : i32
    %scan3A_19 = arith.constant 32 : i32
    %scan3A_20 = arith.addi %scan3A_18, %scan3A_19 : i32
    %scan3A_21 = arith.constant 1 : i32
    scf.for %scan3A_55 = %scan3A_18 to %scan3A_20 step %scan3A_21  : i32 {
      %mul3A_56 = arith.constant 16 : i32
      %mul3A_57 = arith.muli %scan3A_55, %mul3A_56 : i32
      %add3A_58 = arith.constant 0 : i32
      %add3A_59 = arith.addi %add3A_58, %mul3A_57 : i32
      %get3A = arith.index_cast %add3A_59 : i32 to index
      %get3A_60 = tpu.vector_load %arg7[%get3A] {strides = array<i32>} : memref<8192xf32, #tpu.memory_space<vmem>>, vector<16xf32>,
      %get3A_61 = vector.shape_cast %get3A_60 : vector<16xf32> to vector<16xf32>
      %add3A_62 = arith.constant 512 : i32
      %add3A_63 = arith.addi %add3A_62, %mul3A_57 : i32
      %get3A_64 = arith.index_cast %add3A_63 : i32 to index
      %get3A_65 = tpu.vector_load %arg7[%get3A_64] {strides = array<i32>} : memref<8192xf32, #tpu.memory_space<vmem>>, vector<16xf32>,
      %get3A_66 = vector.shape_cast %get3A_65 : vector<16xf32> to vector<16xf32>
      %add3A_67 = arith.constant 1024 : i32
      %add3A_68 = arith.addi %add3A_67, %mul3A_57 : i32
      %get3A_69 = arith.index_cast %add3A_68 : i32 to index
      %get3A_70 = tpu.vector_load %arg7[%get3A_69] {strides = array<i32>} : memref<8192xf32, #tpu.memory_space<vmem>>, vector<16xf32>,
      %get3A_71 = vector.shape_cast %get3A_70 : vector<16xf32> to vector<16xf32>
      %add3A_72 = arith.constant 1536 : i32
      %add3A_73 = arith.addi %add3A_72, %mul3A_57 : i32
      %get3A_74 = arith.index_cast %add3A_73 : i32 to index
      %get3A_75 = tpu.vector_load %arg7[%get3A_74] {strides = array<i32>} : memref<8192xf32, #tpu.memory_space<vmem>>, vector<16xf32>,
      %get3A_76 = vector.shape_cast %get3A_75 : vector<16xf32> to vector<16xf32>
      %add3A_77 = arith.constant 2048 : i32
      %add3A_78 = arith.addi %add3A_77, %mul3A_57 : i32
      %get3A_79 = arith.index_cast %add3A_78 : i32 to index
      %get3A_80 = tpu.vector_load %arg7[%get3A_79] {strides = array<i32>} : memref<8192xf32, #tpu.memory_space<vmem>>, vector<16xf32>,
      %get3A_81 = vector.shape_cast %get3A_80 : vector<16xf32> to vector<16xf32>
      %add3A_82 = arith.constant 2560 : i32
      %add3A_83 = arith.addi %add3A_82, %mul3A_57 : i32
      %get3A_84 = arith.index_cast %add3A_83 : i32 to index
      %get3A_85 = tpu.vector_load %arg7[%get3A_84] {strides = array<i32>} : memref<8192xf32, #tpu.memory_space<vmem>>, vector<16xf32>,
      %get3A_86 = vector.shape_cast %get3A_85 : vector<16xf32> to vector<16xf32>
      %add3A_87 = arith.constant 3072 : i32
      %add3A_88 = arith.addi %add3A_87, %mul3A_57 : i32
      %get3A_89 = arith.index_cast %add3A_88 : i32 to index
      %get3A_90 = tpu.vector_load %arg7[%get3A_89] {strides = array<i32>} : memref<8192xf32, #tpu.memory_space<vmem>>, vector<16xf32>,
      %get3A_91 = vector.shape_cast %get3A_90 : vector<16xf32> to vector<16xf32>
      %add3A_92 = arith.constant 3584 : i32
      %add3A_93 = arith.addi %add3A_92, %mul3A_57 : i32
      %get3A_94 = arith.index_cast %add3A_93 : i32 to index
      %get3A_95 = tpu.vector_load %arg7[%get3A_94] {strides = array<i32>} : memref<8192xf32, #tpu.memory_space<vmem>>, vector<16xf32>,
      %get3A_96 = vector.shape_cast %get3A_95 : vector<16xf32> to vector<16xf32>
      %add3A_97 = arith.constant 4096 : i32
      %add3A_98 = arith.addi %add3A_97, %mul3A_57 : i32
      %get3A_99 = arith.index_cast %add3A_98 : i32 to index
      %get3A_100 = tpu.vector_load %arg7[%get3A_99] {strides = array<i32>} : memref<8192xf32, #tpu.memory_space<vmem>>, vector<16xf32>,
      %get3A_101 = vector.shape_cast %get3A_100 : vector<16xf32> to vector<16xf32>
      %add3A_102 = arith.constant 4608 : i32
      %add3A_103 = arith.addi %add3A_102, %mul3A_57 : i32
      %get3A_104 = arith.index_cast %add3A_103 : i32 to index
      %get3A_105 = tpu.vector_load %arg7[%get3A_104] {strides = array<i32>} : memref<8192xf32, #tpu.memory_space<vmem>>, vector<16xf32>,
      %get3A_106 = vector.shape_cast %get3A_105 : vector<16xf32> to vector<16xf32>
      %add3A_107 = arith.constant 5120 : i32
      %add3A_108 = arith.addi %add3A_107, %mul3A_57 : i32
      %get3A_109 = arith.index_cast %add3A_108 : i32 to index
      %get3A_110 = tpu.vector_load %arg7[%get3A_109] {strides = array<i32>} : memref<8192xf32, #tpu.memory_space<vmem>>, vector<16xf32>,
      %get3A_111 = vector.shape_cast %get3A_110 : vector<16xf32> to vector<16xf32>
      %add3A_112 = arith.constant 5632 : i32
      %add3A_113 = arith.addi %add3A_112, %mul3A_57 : i32
      %get3A_114 = arith.index_cast %add3A_113 : i32 to index
      %get3A_115 = tpu.vector_load %arg7[%get3A_114] {strides = array<i32>} : memref<8192xf32, #tpu.memory_space<vmem>>, vector<16xf32>,
      %get3A_116 = vector.shape_cast %get3A_115 : vector<16xf32> to vector<16xf32>
      %add3A_117 = arith.constant 6144 : i32
      %add3A_118 = arith.addi %add3A_117, %mul3A_57 : i32
      %get3A_119 = arith.index_cast %add3A_118 : i32 to index
      %get3A_120 = tpu.vector_load %arg7[%get3A_119] {strides = array<i32>} : memref<8192xf32, #tpu.memory_space<vmem>>, vector<16xf32>,
      %get3A_121 = vector.shape_cast %get3A_120 : vector<16xf32> to vector<16xf32>
      %add3A_122 = arith.constant 6656 : i32
      %add3A_123 = arith.addi %add3A_122, %mul3A_57 : i32
      %get3A_124 = arith.index_cast %add3A_123 : i32 to index
      %get3A_125 = tpu.vector_load %arg7[%get3A_124] {strides = array<i32>} : memref<8192xf32, #tpu.memory_space<vmem>>, vector<16xf32>,
      %get3A_126 = vector.shape_cast %get3A_125 : vector<16xf32> to vector<16xf32>
      %add3A_127 = arith.constant 7168 : i32
      %add3A_128 = arith.addi %add3A_127, %mul3A_57 : i32
      %get3A_129 = arith.index_cast %add3A_128 : i32 to index
      %get3A_130 = tpu.vector_load %arg7[%get3A_129] {strides = array<i32>} : memref<8192xf32, #tpu.memory_space<vmem>>, vector<16xf32>,
      %get3A_131 = vector.shape_cast %get3A_130 : vector<16xf32> to vector<16xf32>
      %add3A_132 = arith.constant 7680 : i32
      %add3A_133 = arith.addi %add3A_132, %mul3A_57 : i32
      %get3A_134 = arith.index_cast %add3A_133 : i32 to index
      %get3A_135 = tpu.vector_load %arg7[%get3A_134] {strides = array<i32>} : memref<8192xf32, #tpu.memory_space<vmem>>, vector<16xf32>,
      %get3A_136 = vector.shape_cast %get3A_135 : vector<16xf32> to vector<16xf32>
      %max3A = arith.maximumf %get3A_61, %get3A_66 : vector<16xf32>
      %max3A_137 = arith.maximumf %max3A, %get3A_71 : vector<16xf32>
      %max3A_138 = arith.maximumf %max3A_137, %get3A_76 : vector<16xf32>
      %max3A_139 = arith.maximumf %max3A_138, %get3A_81 : vector<16xf32>
      %max3A_140 = arith.maximumf %max3A_139, %get3A_86 : vector<16xf32>
      %max3A_141 = arith.maximumf %max3A_140, %get3A_91 : vector<16xf32>
      %max3A_142 = arith.maximumf %max3A_141, %get3A_96 : vector<16xf32>
      %max3A_143 = arith.maximumf %max3A_142, %get3A_101 : vector<16xf32>
      %max3A_144 = arith.maximumf %max3A_143, %get3A_106 : vector<16xf32>
      %max3A_145 = arith.maximumf %max3A_144, %get3A_111 : vector<16xf32>
      %max3A_146 = arith.maximumf %max3A_145, %get3A_116 : vector<16xf32>
      %max3A_147 = arith.maximumf %max3A_146, %get3A_121 : vector<16xf32>
      %max3A_148 = arith.maximumf %max3A_147, %get3A_126 : vector<16xf32>
      %max3A_149 = arith.maximumf %max3A_148, %get3A_131 : vector<16xf32>
      %max3A_150 = arith.maximumf %max3A_149, %get3A_136 : vector<16xf32>
      %broadcast_in_dim3A = arith.constant 15 : i32
      %broadcast_in_dim3A_151 = vector.broadcast %broadcast_in_dim3A : i32 to vector<16xi32>
      %eq3A = arith.cmpf oeq, %get3A_131, %max3A_150 : vector<16xf32>
      %jit3A = arith.constant 14 : i32
      %broadcast_in_dim3A_152 = vector.broadcast %jit3A : i32 to vector<16xi32>
      %select_n3A = arith.select %eq3A, %broadcast_in_dim3A_152, %broadcast_in_dim3A_151 : vector<16xi1>, vector<16xi32>
      %eq3A_153 = arith.cmpf oeq, %get3A_126, %max3A_150 : vector<16xf32>
      %jit3A_154 = arith.constant 13 : i32
      %broadcast_in_dim3A_155 = vector.broadcast %jit3A_154 : i32 to vector<16xi32>
      %select_n3A_156 = arith.select %eq3A_153, %broadcast_in_dim3A_155, %select_n3A : vector<16xi1>, vector<16xi32>
      %eq3A_157 = arith.cmpf oeq, %get3A_121, %max3A_150 : vector<16xf32>
      %jit3A_158 = arith.constant 12 : i32
      %broadcast_in_dim3A_159 = vector.broadcast %jit3A_158 : i32 to vector<16xi32>
      %select_n3A_160 = arith.select %eq3A_157, %broadcast_in_dim3A_159, %select_n3A_156 : vector<16xi1>, vector<16xi32>
      %eq3A_161 = arith.cmpf oeq, %get3A_116, %max3A_150 : vector<16xf32>
      %jit3A_162 = arith.constant 11 : i32
      %broadcast_in_dim3A_163 = vector.broadcast %jit3A_162 : i32 to vector<16xi32>
      %select_n3A_164 = arith.select %eq3A_161, %broadcast_in_dim3A_163, %select_n3A_160 : vector<16xi1>, vector<16xi32>
      %eq3A_165 = arith.cmpf oeq, %get3A_111, %max3A_150 : vector<16xf32>
      %jit3A_166 = arith.constant 10 : i32
      %broadcast_in_dim3A_167 = vector.broadcast %jit3A_166 : i32 to vector<16xi32>
      %select_n3A_168 = arith.select %eq3A_165, %broadcast_in_dim3A_167, %select_n3A_164 : vector<16xi1>, vector<16xi32>
      %eq3A_169 = arith.cmpf oeq, %get3A_106, %max3A_150 : vector<16xf32>
      %jit3A_170 = arith.constant 9 : i32
      %broadcast_in_dim3A_171 = vector.broadcast %jit3A_170 : i32 to vector<16xi32>
      %select_n3A_172 = arith.select %eq3A_169, %broadcast_in_dim3A_171, %select_n3A_168 : vector<16xi1>, vector<16xi32>
      %eq3A_173 = arith.cmpf oeq, %get3A_101, %max3A_150 : vector<16xf32>
      %jit3A_174 = arith.constant 8 : i32
      %broadcast_in_dim3A_175 = vector.broadcast %jit3A_174 : i32 to vector<16xi32>
      %select_n3A_176 = arith.select %eq3A_173, %broadcast_in_dim3A_175, %select_n3A_172 : vector<16xi1>, vector<16xi32>
      %eq3A_177 = arith.cmpf oeq, %get3A_96, %max3A_150 : vector<16xf32>
      %jit3A_178 = arith.constant 7 : i32
      %broadcast_in_dim3A_179 = vector.broadcast %jit3A_178 : i32 to vector<16xi32>
      %select_n3A_180 = arith.select %eq3A_177, %broadcast_in_dim3A_179, %select_n3A_176 : vector<16xi1>, vector<16xi32>
      %eq3A_181 = arith.cmpf oeq, %get3A_91, %max3A_150 : vector<16xf32>
      %jit3A_182 = arith.constant 6 : i32
      %broadcast_in_dim3A_183 = vector.broadcast %jit3A_182 : i32 to vector<16xi32>
      %select_n3A_184 = arith.select %eq3A_181, %broadcast_in_dim3A_183, %select_n3A_180 : vector<16xi1>, vector<16xi32>
      %eq3A_185 = arith.cmpf oeq, %get3A_86, %max3A_150 : vector<16xf32>
      %jit3A_186 = arith.constant 5 : i32
      %broadcast_in_dim3A_187 = vector.broadcast %jit3A_186 : i32 to vector<16xi32>
      %select_n3A_188 = arith.select %eq3A_185, %broadcast_in_dim3A_187, %select_n3A_184 : vector<16xi1>, vector<16xi32>
      %eq3A_189 = arith.cmpf oeq, %get3A_81, %max3A_150 : vector<16xf32>
      %jit3A_190 = arith.constant 4 : i32
      %broadcast_in_dim3A_191 = vector.broadcast %jit3A_190 : i32 to vector<16xi32>
      %select_n3A_192 = arith.select %eq3A_189, %broadcast_in_dim3A_191, %select_n3A_188 : vector<16xi1>, vector<16xi32>
      %eq3A_193 = arith.cmpf oeq, %get3A_76, %max3A_150 : vector<16xf32>
      %jit3A_194 = arith.constant 3 : i32
      %broadcast_in_dim3A_195 = vector.broadcast %jit3A_194 : i32 to vector<16xi32>
      %select_n3A_196 = arith.select %eq3A_193, %broadcast_in_dim3A_195, %select_n3A_192 : vector<16xi1>, vector<16xi32>
      %eq3A_197 = arith.cmpf oeq, %get3A_71, %max3A_150 : vector<16xf32>
      %jit3A_198 = arith.constant 2 : i32
      %broadcast_in_dim3A_199 = vector.broadcast %jit3A_198 : i32 to vector<16xi32>
      %select_n3A_200 = arith.select %eq3A_197, %broadcast_in_dim3A_199, %select_n3A_196 : vector<16xi1>, vector<16xi32>
      %eq3A_201 = arith.cmpf oeq, %get3A_66, %max3A_150 : vector<16xf32>
      %jit3A_202 = arith.constant 1 : i32
      %broadcast_in_dim3A_203 = vector.broadcast %jit3A_202 : i32 to vector<16xi32>
      %select_n3A_204 = arith.select %eq3A_201, %broadcast_in_dim3A_203, %select_n3A_200 : vector<16xi1>, vector<16xi32>
      %eq3A_205 = arith.cmpf oeq, %get3A_61, %max3A_150 : vector<16xf32>
      %jit3A_206 = arith.constant 0 : i32
      %broadcast_in_dim3A_207 = vector.broadcast %jit3A_206 : i32 to vector<16xi32>
      %select_n3A_208 = arith.select %eq3A_205, %broadcast_in_dim3A_207, %select_n3A_204 : vector<16xi1>, vector<16xi32>
      %eq3A_209 = arith.constant 0 : i32
      %eq3A_210 = vector.broadcast %eq3A_209 : i32 to vector<16xi32>
      %eq3A_211 = arith.cmpi eq, %select_n3A_208, %eq3A_210 : vector<16xi32>
      %jit3A_212 = arith.constant 0xFF800000 : f32
      %broadcast_in_dim3A_213 = vector.broadcast %jit3A_212 : f32 to vector<16xf32>
      %select_n3A_214 = arith.select %eq3A_211, %broadcast_in_dim3A_213, %get3A_61 : vector<16xi1>, vector<16xf32>
      %eq3A_215 = arith.constant 1 : i32
      %eq3A_216 = vector.broadcast %eq3A_215 : i32 to vector<16xi32>
      %eq3A_217 = arith.cmpi eq, %select_n3A_208, %eq3A_216 : vector<16xi32>
      %jit3A_218 = arith.constant 0xFF800000 : f32
      %broadcast_in_dim3A_219 = vector.broadcast %jit3A_218 : f32 to vector<16xf32>
      %select_n3A_220 = arith.select %eq3A_217, %broadcast_in_dim3A_219, %get3A_66 : vector<16xi1>, vector<16xf32>
      %max3A_221 = arith.maximumf %select_n3A_214, %select_n3A_220 : vector<16xf32>
      %eq3A_222 = arith.constant 2 : i32
      %eq3A_223 = vector.broadcast %eq3A_222 : i32 to vector<16xi32>
      %eq3A_224 = arith.cmpi eq, %select_n3A_208, %eq3A_223 : vector<16xi32>
      %jit3A_225 = arith.constant 0xFF800000 : f32
      %broadcast_in_dim3A_226 = vector.broadcast %jit3A_225 : f32 to vector<16xf32>
      %select_n3A_227 = arith.select %eq3A_224, %broadcast_in_dim3A_226, %get3A_71 : vector<16xi1>, vector<16xf32>
      %max3A_228 = arith.maximumf %max3A_221, %select_n3A_227 : vector<16xf32>
      %eq3A_229 = arith.constant 3 : i32
      %eq3A_230 = vector.broadcast %eq3A_229 : i32 to vector<16xi32>
      %eq3A_231 = arith.cmpi eq, %select_n3A_208, %eq3A_230 : vector<16xi32>
      %jit3A_232 = arith.constant 0xFF800000 : f32
      %broadcast_in_dim3A_233 = vector.broadcast %jit3A_232 : f32 to vector<16xf32>
      %select_n3A_234 = arith.select %eq3A_231, %broadcast_in_dim3A_233, %get3A_76 : vector<16xi1>, vector<16xf32>
      %max3A_235 = arith.maximumf %max3A_228, %select_n3A_234 : vector<16xf32>
      %eq3A_236 = arith.constant 4 : i32
      %eq3A_237 = vector.broadcast %eq3A_236 : i32 to vector<16xi32>
      %eq3A_238 = arith.cmpi eq, %select_n3A_208, %eq3A_237 : vector<16xi32>
      %jit3A_239 = arith.constant 0xFF800000 : f32
      %broadcast_in_dim3A_240 = vector.broadcast %jit3A_239 : f32 to vector<16xf32>
      %select_n3A_241 = arith.select %eq3A_238, %broadcast_in_dim3A_240, %get3A_81 : vector<16xi1>, vector<16xf32>
      %max3A_242 = arith.maximumf %max3A_235, %select_n3A_241 : vector<16xf32>
      %eq3A_243 = arith.constant 5 : i32
      %eq3A_244 = vector.broadcast %eq3A_243 : i32 to vector<16xi32>
      %eq3A_245 = arith.cmpi eq, %select_n3A_208, %eq3A_244 : vector<16xi32>
      %jit3A_246 = arith.constant 0xFF800000 : f32
      %broadcast_in_dim3A_247 = vector.broadcast %jit3A_246 : f32 to vector<16xf32>
      %select_n3A_248 = arith.select %eq3A_245, %broadcast_in_dim3A_247, %get3A_86 : vector<16xi1>, vector<16xf32>
      %max3A_249 = arith.maximumf %max3A_242, %select_n3A_248 : vector<16xf32>
      %eq3A_250 = arith.constant 6 : i32
      %eq3A_251 = vector.broadcast %eq3A_250 : i32 to vector<16xi32>
      %eq3A_252 = arith.cmpi eq, %select_n3A_208, %eq3A_251 : vector<16xi32>
      %jit3A_253 = arith.constant 0xFF800000 : f32
      %broadcast_in_dim3A_254 = vector.broadcast %jit3A_253 : f32 to vector<16xf32>
      %select_n3A_255 = arith.select %eq3A_252, %broadcast_in_dim3A_254, %get3A_91 : vector<16xi1>, vector<16xf32>
      %max3A_256 = arith.maximumf %max3A_249, %select_n3A_255 : vector<16xf32>
      %eq3A_257 = arith.constant 7 : i32
      %eq3A_258 = vector.broadcast %eq3A_257 : i32 to vector<16xi32>
      %eq3A_259 = arith.cmpi eq, %select_n3A_208, %eq3A_258 : vector<16xi32>
      %jit3A_260 = arith.constant 0xFF800000 : f32
      %broadcast_in_dim3A_261 = vector.broadcast %jit3A_260 : f32 to vector<16xf32>
      %select_n3A_262 = arith.select %eq3A_259, %broadcast_in_dim3A_261, %get3A_96 : vector<16xi1>, vector<16xf32>
      %max3A_263 = arith.maximumf %max3A_256, %select_n3A_262 : vector<16xf32>
      %eq3A_264 = arith.constant 8 : i32
      %eq3A_265 = vector.broadcast %eq3A_264 : i32 to vector<16xi32>
      %eq3A_266 = arith.cmpi eq, %select_n3A_208, %eq3A_265 : vector<16xi32>
      %jit3A_267 = arith.constant 0xFF800000 : f32
      %broadcast_in_dim3A_268 = vector.broadcast %jit3A_267 : f32 to vector<16xf32>
      %select_n3A_269 = arith.select %eq3A_266, %broadcast_in_dim3A_268, %get3A_101 : vector<16xi1>, vector<16xf32>
      %max3A_270 = arith.maximumf %max3A_263, %select_n3A_269 : vector<16xf32>
      %eq3A_271 = arith.constant 9 : i32
      %eq3A_272 = vector.broadcast %eq3A_271 : i32 to vector<16xi32>
      %eq3A_273 = arith.cmpi eq, %select_n3A_208, %eq3A_272 : vector<16xi32>
      %jit3A_274 = arith.constant 0xFF800000 : f32
      %broadcast_in_dim3A_275 = vector.broadcast %jit3A_274 : f32 to vector<16xf32>
      %select_n3A_276 = arith.select %eq3A_273, %broadcast_in_dim3A_275, %get3A_106 : vector<16xi1>, vector<16xf32>
      %max3A_277 = arith.maximumf %max3A_270, %select_n3A_276 : vector<16xf32>
      %eq3A_278 = arith.constant 10 : i32
      %eq3A_279 = vector.broadcast %eq3A_278 : i32 to vector<16xi32>
      %eq3A_280 = arith.cmpi eq, %select_n3A_208, %eq3A_279 : vector<16xi32>
      %jit3A_281 = arith.constant 0xFF800000 : f32
      %broadcast_in_dim3A_282 = vector.broadcast %jit3A_281 : f32 to vector<16xf32>
      %select_n3A_283 = arith.select %eq3A_280, %broadcast_in_dim3A_282, %get3A_111 : vector<16xi1>, vector<16xf32>
      %max3A_284 = arith.maximumf %max3A_277, %select_n3A_283 : vector<16xf32>
      %eq3A_285 = arith.constant 11 : i32
      %eq3A_286 = vector.broadcast %eq3A_285 : i32 to vector<16xi32>
      %eq3A_287 = arith.cmpi eq, %select_n3A_208, %eq3A_286 : vector<16xi32>
      %jit3A_288 = arith.constant 0xFF800000 : f32
      %broadcast_in_dim3A_289 = vector.broadcast %jit3A_288 : f32 to vector<16xf32>
      %select_n3A_290 = arith.select %eq3A_287, %broadcast_in_dim3A_289, %get3A_116 : vector<16xi1>, vector<16xf32>
      %max3A_291 = arith.maximumf %max3A_284, %select_n3A_290 : vector<16xf32>
      %eq3A_292 = arith.constant 12 : i32
      %eq3A_293 = vector.broadcast %eq3A_292 : i32 to vector<16xi32>
      %eq3A_294 = arith.cmpi eq, %select_n3A_208, %eq3A_293 : vector<16xi32>
      %jit3A_295 = arith.constant 0xFF800000 : f32
      %broadcast_in_dim3A_296 = vector.broadcast %jit3A_295 : f32 to vector<16xf32>
      %select_n3A_297 = arith.select %eq3A_294, %broadcast_in_dim3A_296, %get3A_121 : vector<16xi1>, vector<16xf32>
      %max3A_298 = arith.maximumf %max3A_291, %select_n3A_297 : vector<16xf32>
      %eq3A_299 = arith.constant 13 : i32
      %eq3A_300 = vector.broadcast %eq3A_299 : i32 to vector<16xi32>
      %eq3A_301 = arith.cmpi eq, %select_n3A_208, %eq3A_300 : vector<16xi32>
      %jit3A_302 = arith.constant 0xFF800000 : f32
      %broadcast_in_dim3A_303 = vector.broadcast %jit3A_302 : f32 to vector<16xf32>
      %select_n3A_304 = arith.select %eq3A_301, %broadcast_in_dim3A_303, %get3A_126 : vector<16xi1>, vector<16xf32>
      %max3A_305 = arith.maximumf %max3A_298, %select_n3A_304 : vector<16xf32>
      %eq3A_306 = arith.constant 14 : i32
      %eq3A_307 = vector.broadcast %eq3A_306 : i32 to vector<16xi32>
      %eq3A_308 = arith.cmpi eq, %select_n3A_208, %eq3A_307 : vector<16xi32>
      %jit3A_309 = arith.constant 0xFF800000 : f32
      %broadcast_in_dim3A_310 = vector.broadcast %jit3A_309 : f32 to vector<16xf32>
      %select_n3A_311 = arith.select %eq3A_308, %broadcast_in_dim3A_310, %get3A_131 : vector<16xi1>, vector<16xf32>
      %max3A_312 = arith.maximumf %max3A_305, %select_n3A_311 : vector<16xf32>
      %eq3A_313 = arith.constant 15 : i32
      %eq3A_314 = vector.broadcast %eq3A_313 : i32 to vector<16xi32>
      %eq3A_315 = arith.cmpi eq, %select_n3A_208, %eq3A_314 : vector<16xi32>
      %jit3A_316 = arith.constant 0xFF800000 : f32
      %broadcast_in_dim3A_317 = vector.broadcast %jit3A_316 : f32 to vector<16xf32>
      %select_n3A_318 = arith.select %eq3A_315, %broadcast_in_dim3A_317, %get3A_136 : vector<16xi1>, vector<16xf32>
      %max3A_319 = arith.maximumf %max3A_312, %select_n3A_318 : vector<16xf32>
      %broadcast_in_dim3A_320 = arith.constant 15 : i32
      %broadcast_in_dim3A_321 = vector.broadcast %broadcast_in_dim3A_320 : i32 to vector<16xi32>
      %eq3A_322 = arith.cmpf oeq, %get3A_131, %max3A_319 : vector<16xf32>
      %ne3A = arith.constant 14 : i32
      %ne3A_323 = vector.broadcast %ne3A : i32 to vector<16xi32>
      %ne3A_324 = arith.cmpi ne, %select_n3A_208, %ne3A_323 : vector<16xi32>
      %and3A = arith.andi %eq3A_322, %ne3A_324 : vector<16xi1>
      %jit3A_325 = arith.constant 14 : i32
      %broadcast_in_dim3A_326 = vector.broadcast %jit3A_325 : i32 to vector<16xi32>
      %select_n3A_327 = arith.select %and3A, %broadcast_in_dim3A_326, %broadcast_in_dim3A_321 : vector<16xi1>, vector<16xi32>
      %eq3A_328 = arith.cmpf oeq, %get3A_126, %max3A_319 : vector<16xf32>
      %ne3A_329 = arith.constant 13 : i32
      %ne3A_330 = vector.broadcast %ne3A_329 : i32 to vector<16xi32>
      %ne3A_331 = arith.cmpi ne, %select_n3A_208, %ne3A_330 : vector<16xi32>
      %and3A_332 = arith.andi %eq3A_328, %ne3A_331 : vector<16xi1>
      %jit3A_333 = arith.constant 13 : i32
      %broadcast_in_dim3A_334 = vector.broadcast %jit3A_333 : i32 to vector<16xi32>
      %select_n3A_335 = arith.select %and3A_332, %broadcast_in_dim3A_334, %select_n3A_327 : vector<16xi1>, vector<16xi32>
      %eq3A_336 = arith.cmpf oeq, %get3A_121, %max3A_319 : vector<16xf32>
      %ne3A_337 = arith.constant 12 : i32
      %ne3A_338 = vector.broadcast %ne3A_337 : i32 to vector<16xi32>
      %ne3A_339 = arith.cmpi ne, %select_n3A_208, %ne3A_338 : vector<16xi32>
      %and3A_340 = arith.andi %eq3A_336, %ne3A_339 : vector<16xi1>
      %jit3A_341 = arith.constant 12 : i32
      %broadcast_in_dim3A_342 = vector.broadcast %jit3A_341 : i32 to vector<16xi32>
      %select_n3A_343 = arith.select %and3A_340, %broadcast_in_dim3A_342, %select_n3A_335 : vector<16xi1>, vector<16xi32>
      %eq3A_344 = arith.cmpf oeq, %get3A_116, %max3A_319 : vector<16xf32>
      %ne3A_345 = arith.constant 11 : i32
      %ne3A_346 = vector.broadcast %ne3A_345 : i32 to vector<16xi32>
      %ne3A_347 = arith.cmpi ne, %select_n3A_208, %ne3A_346 : vector<16xi32>
      %and3A_348 = arith.andi %eq3A_344, %ne3A_347 : vector<16xi1>
      %jit3A_349 = arith.constant 11 : i32
      %broadcast_in_dim3A_350 = vector.broadcast %jit3A_349 : i32 to vector<16xi32>
      %select_n3A_351 = arith.select %and3A_348, %broadcast_in_dim3A_350, %select_n3A_343 : vector<16xi1>, vector<16xi32>
      %eq3A_352 = arith.cmpf oeq, %get3A_111, %max3A_319 : vector<16xf32>
      %ne3A_353 = arith.constant 10 : i32
      %ne3A_354 = vector.broadcast %ne3A_353 : i32 to vector<16xi32>
      %ne3A_355 = arith.cmpi ne, %select_n3A_208, %ne3A_354 : vector<16xi32>
      %and3A_356 = arith.andi %eq3A_352, %ne3A_355 : vector<16xi1>
      %jit3A_357 = arith.constant 10 : i32
      %broadcast_in_dim3A_358 = vector.broadcast %jit3A_357 : i32 to vector<16xi32>
      %select_n3A_359 = arith.select %and3A_356, %broadcast_in_dim3A_358, %select_n3A_351 : vector<16xi1>, vector<16xi32>
      %eq3A_360 = arith.cmpf oeq, %get3A_106, %max3A_319 : vector<16xf32>
      %ne3A_361 = arith.constant 9 : i32
      %ne3A_362 = vector.broadcast %ne3A_361 : i32 to vector<16xi32>
      %ne3A_363 = arith.cmpi ne, %select_n3A_208, %ne3A_362 : vector<16xi32>
      %and3A_364 = arith.andi %eq3A_360, %ne3A_363 : vector<16xi1>
      %jit3A_365 = arith.constant 9 : i32
      %broadcast_in_dim3A_366 = vector.broadcast %jit3A_365 : i32 to vector<16xi32>
      %select_n3A_367 = arith.select %and3A_364, %broadcast_in_dim3A_366, %select_n3A_359 : vector<16xi1>, vector<16xi32>
      %eq3A_368 = arith.cmpf oeq, %get3A_101, %max3A_319 : vector<16xf32>
      %ne3A_369 = arith.constant 8 : i32
      %ne3A_370 = vector.broadcast %ne3A_369 : i32 to vector<16xi32>
      %ne3A_371 = arith.cmpi ne, %select_n3A_208, %ne3A_370 : vector<16xi32>
      %and3A_372 = arith.andi %eq3A_368, %ne3A_371 : vector<16xi1>
      %jit3A_373 = arith.constant 8 : i32
      %broadcast_in_dim3A_374 = vector.broadcast %jit3A_373 : i32 to vector<16xi32>
      %select_n3A_375 = arith.select %and3A_372, %broadcast_in_dim3A_374, %select_n3A_367 : vector<16xi1>, vector<16xi32>
      %eq3A_376 = arith.cmpf oeq, %get3A_96, %max3A_319 : vector<16xf32>
      %ne3A_377 = arith.constant 7 : i32
      %ne3A_378 = vector.broadcast %ne3A_377 : i32 to vector<16xi32>
      %ne3A_379 = arith.cmpi ne, %select_n3A_208, %ne3A_378 : vector<16xi32>
      %and3A_380 = arith.andi %eq3A_376, %ne3A_379 : vector<16xi1>
      %jit3A_381 = arith.constant 7 : i32
      %broadcast_in_dim3A_382 = vector.broadcast %jit3A_381 : i32 to vector<16xi32>
      %select_n3A_383 = arith.select %and3A_380, %broadcast_in_dim3A_382, %select_n3A_375 : vector<16xi1>, vector<16xi32>
      %eq3A_384 = arith.cmpf oeq, %get3A_91, %max3A_319 : vector<16xf32>
      %ne3A_385 = arith.constant 6 : i32
      %ne3A_386 = vector.broadcast %ne3A_385 : i32 to vector<16xi32>
      %ne3A_387 = arith.cmpi ne, %select_n3A_208, %ne3A_386 : vector<16xi32>
      %and3A_388 = arith.andi %eq3A_384, %ne3A_387 : vector<16xi1>
      %jit3A_389 = arith.constant 6 : i32
      %broadcast_in_dim3A_390 = vector.broadcast %jit3A_389 : i32 to vector<16xi32>
      %select_n3A_391 = arith.select %and3A_388, %broadcast_in_dim3A_390, %select_n3A_383 : vector<16xi1>, vector<16xi32>
      %eq3A_392 = arith.cmpf oeq, %get3A_86, %max3A_319 : vector<16xf32>
      %ne3A_393 = arith.constant 5 : i32
      %ne3A_394 = vector.broadcast %ne3A_393 : i32 to vector<16xi32>
      %ne3A_395 = arith.cmpi ne, %select_n3A_208, %ne3A_394 : vector<16xi32>
      %and3A_396 = arith.andi %eq3A_392, %ne3A_395 : vector<16xi1>
      %jit3A_397 = arith.constant 5 : i32
      %broadcast_in_dim3A_398 = vector.broadcast %jit3A_397 : i32 to vector<16xi32>
      %select_n3A_399 = arith.select %and3A_396, %broadcast_in_dim3A_398, %select_n3A_391 : vector<16xi1>, vector<16xi32>
      %eq3A_400 = arith.cmpf oeq, %get3A_81, %max3A_319 : vector<16xf32>
      %ne3A_401 = arith.constant 4 : i32
      %ne3A_402 = vector.broadcast %ne3A_401 : i32 to vector<16xi32>
      %ne3A_403 = arith.cmpi ne, %select_n3A_208, %ne3A_402 : vector<16xi32>
      %and3A_404 = arith.andi %eq3A_400, %ne3A_403 : vector<16xi1>
      %jit3A_405 = arith.constant 4 : i32
      %broadcast_in_dim3A_406 = vector.broadcast %jit3A_405 : i32 to vector<16xi32>
      %select_n3A_407 = arith.select %and3A_404, %broadcast_in_dim3A_406, %select_n3A_399 : vector<16xi1>, vector<16xi32>
      %eq3A_408 = arith.cmpf oeq, %get3A_76, %max3A_319 : vector<16xf32>
      %ne3A_409 = arith.constant 3 : i32
      %ne3A_410 = vector.broadcast %ne3A_409 : i32 to vector<16xi32>
      %ne3A_411 = arith.cmpi ne, %select_n3A_208, %ne3A_410 : vector<16xi32>
      %and3A_412 = arith.andi %eq3A_408, %ne3A_411 : vector<16xi1>
      %jit3A_413 = arith.constant 3 : i32
      %broadcast_in_dim3A_414 = vector.broadcast %jit3A_413 : i32 to vector<16xi32>
      %select_n3A_415 = arith.select %and3A_412, %broadcast_in_dim3A_414, %select_n3A_407 : vector<16xi1>, vector<16xi32>
      %eq3A_416 = arith.cmpf oeq, %get3A_71, %max3A_319 : vector<16xf32>
      %ne3A_417 = arith.constant 2 : i32
      %ne3A_418 = vector.broadcast %ne3A_417 : i32 to vector<16xi32>
      %ne3A_419 = arith.cmpi ne, %select_n3A_208, %ne3A_418 : vector<16xi32>
      %and3A_420 = arith.andi %eq3A_416, %ne3A_419 : vector<16xi1>
      %jit3A_421 = arith.constant 2 : i32
      %broadcast_in_dim3A_422 = vector.broadcast %jit3A_421 : i32 to vector<16xi32>
      %select_n3A_423 = arith.select %and3A_420, %broadcast_in_dim3A_422, %select_n3A_415 : vector<16xi1>, vector<16xi32>
      %eq3A_424 = arith.cmpf oeq, %get3A_66, %max3A_319 : vector<16xf32>
      %ne3A_425 = arith.constant 1 : i32
      %ne3A_426 = vector.broadcast %ne3A_425 : i32 to vector<16xi32>
      %ne3A_427 = arith.cmpi ne, %select_n3A_208, %ne3A_426 : vector<16xi32>
      %and3A_428 = arith.andi %eq3A_424, %ne3A_427 : vector<16xi1>
      %jit3A_429 = arith.constant 1 : i32
      %broadcast_in_dim3A_430 = vector.broadcast %jit3A_429 : i32 to vector<16xi32>
      %select_n3A_431 = arith.select %and3A_428, %broadcast_in_dim3A_430, %select_n3A_423 : vector<16xi1>, vector<16xi32>
      %eq3A_432 = arith.cmpf oeq, %get3A_61, %max3A_319 : vector<16xf32>
      %ne3A_433 = arith.constant 0 : i32
      %ne3A_434 = vector.broadcast %ne3A_433 : i32 to vector<16xi32>
      %ne3A_435 = arith.cmpi ne, %select_n3A_208, %ne3A_434 : vector<16xi32>
      %and3A_436 = arith.andi %eq3A_432, %ne3A_435 : vector<16xi1>
      %jit3A_437 = arith.constant 0 : i32
      %broadcast_in_dim3A_438 = vector.broadcast %jit3A_437 : i32 to vector<16xi32>
      %select_n3A_439 = arith.select %and3A_436, %broadcast_in_dim3A_438, %select_n3A_431 : vector<16xi1>, vector<16xi32>
      %sub3A = arith.subf %get3A_61, %max3A_150 : vector<16xf32>
      %exp3A = math.exp %sub3A : vector<16xf32>
      %sub3A_440 = arith.subf %get3A_66, %max3A_150 : vector<16xf32>
      %exp3A_441 = math.exp %sub3A_440 : vector<16xf32>
      %add3A_442 = arith.addf %exp3A, %exp3A_441 : vector<16xf32>
      %sub3A_443 = arith.subf %get3A_71, %max3A_150 : vector<16xf32>
      %exp3A_444 = math.exp %sub3A_443 : vector<16xf32>
      %add3A_445 = arith.addf %add3A_442, %exp3A_444 : vector<16xf32>
      %sub3A_446 = arith.subf %get3A_76, %max3A_150 : vector<16xf32>
      %exp3A_447 = math.exp %sub3A_446 : vector<16xf32>
      %add3A_448 = arith.addf %add3A_445, %exp3A_447 : vector<16xf32>
      %sub3A_449 = arith.subf %get3A_81, %max3A_150 : vector<16xf32>
      %exp3A_450 = math.exp %sub3A_449 : vector<16xf32>
      %add3A_451 = arith.addf %add3A_448, %exp3A_450 : vector<16xf32>
      %sub3A_452 = arith.subf %get3A_86, %max3A_150 : vector<16xf32>
      %exp3A_453 = math.exp %sub3A_452 : vector<16xf32>
      %add3A_454 = arith.addf %add3A_451, %exp3A_453 : vector<16xf32>
      %sub3A_455 = arith.subf %get3A_91, %max3A_150 : vector<16xf32>
      %exp3A_456 = math.exp %sub3A_455 : vector<16xf32>
      %add3A_457 = arith.addf %add3A_454, %exp3A_456 : vector<16xf32>
      %sub3A_458 = arith.subf %get3A_96, %max3A_150 : vector<16xf32>
      %exp3A_459 = math.exp %sub3A_458 : vector<16xf32>
      %add3A_460 = arith.addf %add3A_457, %exp3A_459 : vector<16xf32>
      %sub3A_461 = arith.subf %get3A_101, %max3A_150 : vector<16xf32>
      %exp3A_462 = math.exp %sub3A_461 : vector<16xf32>
      %add3A_463 = arith.addf %add3A_460, %exp3A_462 : vector<16xf32>
      %sub3A_464 = arith.subf %get3A_106, %max3A_150 : vector<16xf32>
      %exp3A_465 = math.exp %sub3A_464 : vector<16xf32>
      %add3A_466 = arith.addf %add3A_463, %exp3A_465 : vector<16xf32>
      %sub3A_467 = arith.subf %get3A_111, %max3A_150 : vector<16xf32>
      %exp3A_468 = math.exp %sub3A_467 : vector<16xf32>
      %add3A_469 = arith.addf %add3A_466, %exp3A_468 : vector<16xf32>
      %sub3A_470 = arith.subf %get3A_116, %max3A_150 : vector<16xf32>
      %exp3A_471 = math.exp %sub3A_470 : vector<16xf32>
      %add3A_472 = arith.addf %add3A_469, %exp3A_471 : vector<16xf32>
      %sub3A_473 = arith.subf %get3A_121, %max3A_150 : vector<16xf32>
      %exp3A_474 = math.exp %sub3A_473 : vector<16xf32>
      %add3A_475 = arith.addf %add3A_472, %exp3A_474 : vector<16xf32>
      %sub3A_476 = arith.subf %get3A_126, %max3A_150 : vector<16xf32>
      %exp3A_477 = math.exp %sub3A_476 : vector<16xf32>
      %add3A_478 = arith.addf %add3A_475, %exp3A_477 : vector<16xf32>
      %sub3A_479 = arith.subf %get3A_131, %max3A_150 : vector<16xf32>
      %exp3A_480 = math.exp %sub3A_479 : vector<16xf32>
      %add3A_481 = arith.addf %add3A_478, %exp3A_480 : vector<16xf32>
      %sub3A_482 = arith.subf %get3A_136, %max3A_150 : vector<16xf32>
      %exp3A_483 = math.exp %sub3A_482 : vector<16xf32>
      %add3A_484 = arith.addf %add3A_481, %exp3A_483 : vector<16xf32>
      %div3A = arith.constant 1.000000e+00 : f32
      %div3A_485 = vector.broadcast %div3A : f32 to vector<16xf32>
      %div3A_486 = arith.divf %div3A_485, %add3A_484 : vector<16xf32>
      %sub3A_487 = arith.subf %max3A_319, %max3A_150 : vector<16xf32>
      %exp3A_488 = math.exp %sub3A_487 : vector<16xf32>
      %add3A_489 = arith.constant 1.000000e+00 : f32
      %add3A_490 = vector.broadcast %add3A_489 : f32 to vector<16xf32>
      %add3A_491 = arith.addf %add3A_490, %exp3A_488 : vector<16xf32>
      %div3A_492 = arith.constant 1.000000e+00 : f32
      %div3A_493 = vector.broadcast %div3A_492 : f32 to vector<16xf32>
      %div3A_494 = arith.divf %div3A_493, %add3A_491 : vector<16xf32>
      %mul3A_495 = arith.mulf %exp3A, %div3A_486 : vector<16xf32>
      %add3A_496 = arith.constant 0 : i32
      %add3A_497 = arith.addi %add3A_496, %mul3A_57 : i32
      %swap3A = arith.index_cast %add3A_497 : i32 to index
      %swap3A_498 = tpu.vector_load %arg11[%swap3A] {strides = array<i32>} : memref<8192xf32, #tpu.memory_space<vmem>>, vector<16xf32>,
      %swap3A_499 = vector.shape_cast %swap3A_498 : vector<16xf32> to vector<16xf32>
      %swap3A_500 = vector.shape_cast %mul3A_495 : vector<16xf32> to vector<16xf32>
      tpu.vector_store %arg11[%swap3A], %swap3A_500 {strides = array<i32>} : memref<8192xf32, #tpu.memory_space<vmem>>, vector<16xf32>,
      %eq3A_501 = arith.constant 0 : i32
      %eq3A_502 = vector.broadcast %eq3A_501 : i32 to vector<16xi32>
      %eq3A_503 = arith.cmpi eq, %select_n3A_208, %eq3A_502 : vector<16xi32>
      %eq3A_504 = arith.constant 0 : i32
      %eq3A_505 = vector.broadcast %eq3A_504 : i32 to vector<16xi32>
      %eq3A_506 = arith.cmpi eq, %select_n3A_439, %eq3A_505 : vector<16xi32>
      %or3A = arith.ori %eq3A_503, %eq3A_506 : vector<16xi1>
      %mul3A_507 = arith.mulf %exp3A, %div3A_494 : vector<16xf32>
      %jit3A_508 = arith.constant 0.000000e+00 : f32
      %broadcast_in_dim3A_509 = vector.broadcast %jit3A_508 : f32 to vector<16xf32>
      %select_n3A_510 = arith.select %or3A, %mul3A_507, %broadcast_in_dim3A_509 : vector<16xi1>, vector<16xf32>
      %add3A_511 = arith.constant 0 : i32
      %add3A_512 = arith.addi %add3A_511, %mul3A_57 : i32
      %swap3A_513 = arith.index_cast %add3A_512 : i32 to index
      %swap3A_514 = tpu.vector_load %arg8[%swap3A_513] {strides = array<i32>} : memref<8192xf32, #tpu.memory_space<vmem>>, vector<16xf32>,
      %swap3A_515 = vector.shape_cast %swap3A_514 : vector<16xf32> to vector<16xf32>
      %swap3A_516 = vector.shape_cast %select_n3A_510 : vector<16xf32> to vector<16xf32>
      tpu.vector_store %arg8[%swap3A_513], %swap3A_516 {strides = array<i32>} : memref<8192xf32, #tpu.memory_space<vmem>>, vector<16xf32>,
      %mul3A_517 = arith.mulf %exp3A_441, %div3A_486 : vector<16xf32>
      %add3A_518 = arith.constant 512 : i32
      %add3A_519 = arith.addi %add3A_518, %mul3A_57 : i32
      %swap3A_520 = arith.index_cast %add3A_519 : i32 to index
      %swap3A_521 = tpu.vector_load %arg11[%swap3A_520] {strides = array<i32>} : memref<8192xf32, #tpu.memory_space<vmem>>, vector<16xf32>,
      %swap3A_522 = vector.shape_cast %swap3A_521 : vector<16xf32> to vector<16xf32>
      %swap3A_523 = vector.shape_cast %mul3A_517 : vector<16xf32> to vector<16xf32>
      tpu.vector_store %arg11[%swap3A_520], %swap3A_523 {strides = array<i32>} : memref<8192xf32, #tpu.memory_space<vmem>>, vector<16xf32>,
      %eq3A_524 = arith.constant 1 : i32
      %eq3A_525 = vector.broadcast %eq3A_524 : i32 to vector<16xi32>
      %eq3A_526 = arith.cmpi eq, %select_n3A_208, %eq3A_525 : vector<16xi32>
      %eq3A_527 = arith.constant 1 : i32
      %eq3A_528 = vector.broadcast %eq3A_527 : i32 to vector<16xi32>
      %eq3A_529 = arith.cmpi eq, %select_n3A_439, %eq3A_528 : vector<16xi32>
      %or3A_530 = arith.ori %eq3A_526, %eq3A_529 : vector<16xi1>
      %mul3A_531 = arith.mulf %exp3A_441, %div3A_494 : vector<16xf32>
      %jit3A_532 = arith.constant 0.000000e+00 : f32
      %broadcast_in_dim3A_533 = vector.broadcast %jit3A_532 : f32 to vector<16xf32>
      %select_n3A_534 = arith.select %or3A_530, %mul3A_531, %broadcast_in_dim3A_533 : vector<16xi1>, vector<16xf32>
      %add3A_535 = arith.constant 512 : i32
      %add3A_536 = arith.addi %add3A_535, %mul3A_57 : i32
      %swap3A_537 = arith.index_cast %add3A_536 : i32 to index
      %swap3A_538 = tpu.vector_load %arg8[%swap3A_537] {strides = array<i32>} : memref<8192xf32, #tpu.memory_space<vmem>>, vector<16xf32>,
      %swap3A_539 = vector.shape_cast %swap3A_538 : vector<16xf32> to vector<16xf32>
      %swap3A_540 = vector.shape_cast %select_n3A_534 : vector<16xf32> to vector<16xf32>
      tpu.vector_store %arg8[%swap3A_537], %swap3A_540 {strides = array<i32>} : memref<8192xf32, #tpu.memory_space<vmem>>, vector<16xf32>,
      %mul3A_541 = arith.mulf %exp3A_444, %div3A_486 : vector<16xf32>
      %add3A_542 = arith.constant 1024 : i32
      %add3A_543 = arith.addi %add3A_542, %mul3A_57 : i32
      %swap3A_544 = arith.index_cast %add3A_543 : i32 to index
      %swap3A_545 = tpu.vector_load %arg11[%swap3A_544] {strides = array<i32>} : memref<8192xf32, #tpu.memory_space<vmem>>, vector<16xf32>,
      %swap3A_546 = vector.shape_cast %swap3A_545 : vector<16xf32> to vector<16xf32>
      %swap3A_547 = vector.shape_cast %mul3A_541 : vector<16xf32> to vector<16xf32>
      tpu.vector_store %arg11[%swap3A_544], %swap3A_547 {strides = array<i32>} : memref<8192xf32, #tpu.memory_space<vmem>>, vector<16xf32>,
      %eq3A_548 = arith.constant 2 : i32
      %eq3A_549 = vector.broadcast %eq3A_548 : i32 to vector<16xi32>
      %eq3A_550 = arith.cmpi eq, %select_n3A_208, %eq3A_549 : vector<16xi32>
      %eq3A_551 = arith.constant 2 : i32
      %eq3A_552 = vector.broadcast %eq3A_551 : i32 to vector<16xi32>
      %eq3A_553 = arith.cmpi eq, %select_n3A_439, %eq3A_552 : vector<16xi32>
      %or3A_554 = arith.ori %eq3A_550, %eq3A_553 : vector<16xi1>
      %mul3A_555 = arith.mulf %exp3A_444, %div3A_494 : vector<16xf32>
      %jit3A_556 = arith.constant 0.000000e+00 : f32
      %broadcast_in_dim3A_557 = vector.broadcast %jit3A_556 : f32 to vector<16xf32>
      %select_n3A_558 = arith.select %or3A_554, %mul3A_555, %broadcast_in_dim3A_557 : vector<16xi1>, vector<16xf32>
      %add3A_559 = arith.constant 1024 : i32
      %add3A_560 = arith.addi %add3A_559, %mul3A_57 : i32
      %swap3A_561 = arith.index_cast %add3A_560 : i32 to index
      %swap3A_562 = tpu.vector_load %arg8[%swap3A_561] {strides = array<i32>} : memref<8192xf32, #tpu.memory_space<vmem>>, vector<16xf32>,
      %swap3A_563 = vector.shape_cast %swap3A_562 : vector<16xf32> to vector<16xf32>
      %swap3A_564 = vector.shape_cast %select_n3A_558 : vector<16xf32> to vector<16xf32>
      tpu.vector_store %arg8[%swap3A_561], %swap3A_564 {strides = array<i32>} : memref<8192xf32, #tpu.memory_space<vmem>>, vector<16xf32>,
      %mul3A_565 = arith.mulf %exp3A_447, %div3A_486 : vector<16xf32>
      %add3A_566 = arith.constant 1536 : i32
      %add3A_567 = arith.addi %add3A_566, %mul3A_57 : i32
      %swap3A_568 = arith.index_cast %add3A_567 : i32 to index
      %swap3A_569 = tpu.vector_load %arg11[%swap3A_568] {strides = array<i32>} : memref<8192xf32, #tpu.memory_space<vmem>>, vector<16xf32>,
      %swap3A_570 = vector.shape_cast %swap3A_569 : vector<16xf32> to vector<16xf32>
      %swap3A_571 = vector.shape_cast %mul3A_565 : vector<16xf32> to vector<16xf32>
      tpu.vector_store %arg11[%swap3A_568], %swap3A_571 {strides = array<i32>} : memref<8192xf32, #tpu.memory_space<vmem>>, vector<16xf32>,
      %eq3A_572 = arith.constant 3 : i32
      %eq3A_573 = vector.broadcast %eq3A_572 : i32 to vector<16xi32>
      %eq3A_574 = arith.cmpi eq, %select_n3A_208, %eq3A_573 : vector<16xi32>
      %eq3A_575 = arith.constant 3 : i32
      %eq3A_576 = vector.broadcast %eq3A_575 : i32 to vector<16xi32>
      %eq3A_577 = arith.cmpi eq, %select_n3A_439, %eq3A_576 : vector<16xi32>
      %or3A_578 = arith.ori %eq3A_574, %eq3A_577 : vector<16xi1>
      %mul3A_579 = arith.mulf %exp3A_447, %div3A_494 : vector<16xf32>
      %jit3A_580 = arith.constant 0.000000e+00 : f32
      %broadcast_in_dim3A_581 = vector.broadcast %jit3A_580 : f32 to vector<16xf32>
      %select_n3A_582 = arith.select %or3A_578, %mul3A_579, %broadcast_in_dim3A_581 : vector<16xi1>, vector<16xf32>
      %add3A_583 = arith.constant 1536 : i32
      %add3A_584 = arith.addi %add3A_583, %mul3A_57 : i32
      %swap3A_585 = arith.index_cast %add3A_584 : i32 to index
      %swap3A_586 = tpu.vector_load %arg8[%swap3A_585] {strides = array<i32>} : memref<8192xf32, #tpu.memory_space<vmem>>, vector<16xf32>,
      %swap3A_587 = vector.shape_cast %swap3A_586 : vector<16xf32> to vector<16xf32>
      %swap3A_588 = vector.shape_cast %select_n3A_582 : vector<16xf32> to vector<16xf32>
      tpu.vector_store %arg8[%swap3A_585], %swap3A_588 {strides = array<i32>} : memref<8192xf32, #tpu.memory_space<vmem>>, vector<16xf32>,
      %mul3A_589 = arith.mulf %exp3A_450, %div3A_486 : vector<16xf32>
      %add3A_590 = arith.constant 2048 : i32
      %add3A_591 = arith.addi %add3A_590, %mul3A_57 : i32
      %swap3A_592 = arith.index_cast %add3A_591 : i32 to index
      %swap3A_593 = tpu.vector_load %arg11[%swap3A_592] {strides = array<i32>} : memref<8192xf32, #tpu.memory_space<vmem>>, vector<16xf32>,
      %swap3A_594 = vector.shape_cast %swap3A_593 : vector<16xf32> to vector<16xf32>
      %swap3A_595 = vector.shape_cast %mul3A_589 : vector<16xf32> to vector<16xf32>
      tpu.vector_store %arg11[%swap3A_592], %swap3A_595 {strides = array<i32>} : memref<8192xf32, #tpu.memory_space<vmem>>, vector<16xf32>,
      %eq3A_596 = arith.constant 4 : i32
      %eq3A_597 = vector.broadcast %eq3A_596 : i32 to vector<16xi32>
      %eq3A_598 = arith.cmpi eq, %select_n3A_208, %eq3A_597 : vector<16xi32>
      %eq3A_599 = arith.constant 4 : i32
      %eq3A_600 = vector.broadcast %eq3A_599 : i32 to vector<16xi32>
      %eq3A_601 = arith.cmpi eq, %select_n3A_439, %eq3A_600 : vector<16xi32>
      %or3A_602 = arith.ori %eq3A_598, %eq3A_601 : vector<16xi1>
      %mul3A_603 = arith.mulf %exp3A_450, %div3A_494 : vector<16xf32>
      %jit3A_604 = arith.constant 0.000000e+00 : f32
      %broadcast_in_dim3A_605 = vector.broadcast %jit3A_604 : f32 to vector<16xf32>
      %select_n3A_606 = arith.select %or3A_602, %mul3A_603, %broadcast_in_dim3A_605 : vector<16xi1>, vector<16xf32>
      %add3A_607 = arith.constant 2048 : i32
      %add3A_608 = arith.addi %add3A_607, %mul3A_57 : i32
      %swap3A_609 = arith.index_cast %add3A_608 : i32 to index
      %swap3A_610 = tpu.vector_load %arg8[%swap3A_609] {strides = array<i32>} : memref<8192xf32, #tpu.memory_space<vmem>>, vector<16xf32>,
      %swap3A_611 = vector.shape_cast %swap3A_610 : vector<16xf32> to vector<16xf32>
      %swap3A_612 = vector.shape_cast %select_n3A_606 : vector<16xf32> to vector<16xf32>
      tpu.vector_store %arg8[%swap3A_609], %swap3A_612 {strides = array<i32>} : memref<8192xf32, #tpu.memory_space<vmem>>, vector<16xf32>,
      %mul3A_613 = arith.mulf %exp3A_453, %div3A_486 : vector<16xf32>
      %add3A_614 = arith.constant 2560 : i32
      %add3A_615 = arith.addi %add3A_614, %mul3A_57 : i32
      %swap3A_616 = arith.index_cast %add3A_615 : i32 to index
      %swap3A_617 = tpu.vector_load %arg11[%swap3A_616] {strides = array<i32>} : memref<8192xf32, #tpu.memory_space<vmem>>, vector<16xf32>,
      %swap3A_618 = vector.shape_cast %swap3A_617 : vector<16xf32> to vector<16xf32>
      %swap3A_619 = vector.shape_cast %mul3A_613 : vector<16xf32> to vector<16xf32>
      tpu.vector_store %arg11[%swap3A_616], %swap3A_619 {strides = array<i32>} : memref<8192xf32, #tpu.memory_space<vmem>>, vector<16xf32>,
      %eq3A_620 = arith.constant 5 : i32
      %eq3A_621 = vector.broadcast %eq3A_620 : i32 to vector<16xi32>
      %eq3A_622 = arith.cmpi eq, %select_n3A_208, %eq3A_621 : vector<16xi32>
      %eq3A_623 = arith.constant 5 : i32
      %eq3A_624 = vector.broadcast %eq3A_623 : i32 to vector<16xi32>
      %eq3A_625 = arith.cmpi eq, %select_n3A_439, %eq3A_624 : vector<16xi32>
      %or3A_626 = arith.ori %eq3A_622, %eq3A_625 : vector<16xi1>
      %mul3A_627 = arith.mulf %exp3A_453, %div3A_494 : vector<16xf32>
      %jit3A_628 = arith.constant 0.000000e+00 : f32
      %broadcast_in_dim3A_629 = vector.broadcast %jit3A_628 : f32 to vector<16xf32>
      %select_n3A_630 = arith.select %or3A_626, %mul3A_627, %broadcast_in_dim3A_629 : vector<16xi1>, vector<16xf32>
      %add3A_631 = arith.constant 2560 : i32
      %add3A_632 = arith.addi %add3A_631, %mul3A_57 : i32
      %swap3A_633 = arith.index_cast %add3A_632 : i32 to index
      %swap3A_634 = tpu.vector_load %arg8[%swap3A_633] {strides = array<i32>} : memref<8192xf32, #tpu.memory_space<vmem>>, vector<16xf32>,
      %swap3A_635 = vector.shape_cast %swap3A_634 : vector<16xf32> to vector<16xf32>
      %swap3A_636 = vector.shape_cast %select_n3A_630 : vector<16xf32> to vector<16xf32>
      tpu.vector_store %arg8[%swap3A_633], %swap3A_636 {strides = array<i32>} : memref<8192xf32, #tpu.memory_space<vmem>>, vector<16xf32>,
      %mul3A_637 = arith.mulf %exp3A_456, %div3A_486 : vector<16xf32>
      %add3A_638 = arith.constant 3072 : i32
      %add3A_639 = arith.addi %add3A_638, %mul3A_57 : i32
      %swap3A_640 = arith.index_cast %add3A_639 : i32 to index
      %swap3A_641 = tpu.vector_load %arg11[%swap3A_640] {strides = array<i32>} : memref<8192xf32, #tpu.memory_space<vmem>>, vector<16xf32>,
      %swap3A_642 = vector.shape_cast %swap3A_641 : vector<16xf32> to vector<16xf32>
      %swap3A_643 = vector.shape_cast %mul3A_637 : vector<16xf32> to vector<16xf32>
      tpu.vector_store %arg11[%swap3A_640], %swap3A_643 {strides = array<i32>} : memref<8192xf32, #tpu.memory_space<vmem>>, vector<16xf32>,
      %eq3A_644 = arith.constant 6 : i32
      %eq3A_645 = vector.broadcast %eq3A_644 : i32 to vector<16xi32>
      %eq3A_646 = arith.cmpi eq, %select_n3A_208, %eq3A_645 : vector<16xi32>
      %eq3A_647 = arith.constant 6 : i32
      %eq3A_648 = vector.broadcast %eq3A_647 : i32 to vector<16xi32>
      %eq3A_649 = arith.cmpi eq, %select_n3A_439, %eq3A_648 : vector<16xi32>
      %or3A_650 = arith.ori %eq3A_646, %eq3A_649 : vector<16xi1>
      %mul3A_651 = arith.mulf %exp3A_456, %div3A_494 : vector<16xf32>
      %jit3A_652 = arith.constant 0.000000e+00 : f32
      %broadcast_in_dim3A_653 = vector.broadcast %jit3A_652 : f32 to vector<16xf32>
      %select_n3A_654 = arith.select %or3A_650, %mul3A_651, %broadcast_in_dim3A_653 : vector<16xi1>, vector<16xf32>
      %add3A_655 = arith.constant 3072 : i32
      %add3A_656 = arith.addi %add3A_655, %mul3A_57 : i32
      %swap3A_657 = arith.index_cast %add3A_656 : i32 to index
      %swap3A_658 = tpu.vector_load %arg8[%swap3A_657] {strides = array<i32>} : memref<8192xf32, #tpu.memory_space<vmem>>, vector<16xf32>,
      %swap3A_659 = vector.shape_cast %swap3A_658 : vector<16xf32> to vector<16xf32>
      %swap3A_660 = vector.shape_cast %select_n3A_654 : vector<16xf32> to vector<16xf32>
      tpu.vector_store %arg8[%swap3A_657], %swap3A_660 {strides = array<i32>} : memref<8192xf32, #tpu.memory_space<vmem>>, vector<16xf32>,
      %mul3A_661 = arith.mulf %exp3A_459, %div3A_486 : vector<16xf32>
      %add3A_662 = arith.constant 3584 : i32
      %add3A_663 = arith.addi %add3A_662, %mul3A_57 : i32
      %swap3A_664 = arith.index_cast %add3A_663 : i32 to index
      %swap3A_665 = tpu.vector_load %arg11[%swap3A_664] {strides = array<i32>} : memref<8192xf32, #tpu.memory_space<vmem>>, vector<16xf32>,
      %swap3A_666 = vector.shape_cast %swap3A_665 : vector<16xf32> to vector<16xf32>
      %swap3A_667 = vector.shape_cast %mul3A_661 : vector<16xf32> to vector<16xf32>
      tpu.vector_store %arg11[%swap3A_664], %swap3A_667 {strides = array<i32>} : memref<8192xf32, #tpu.memory_space<vmem>>, vector<16xf32>,
      %eq3A_668 = arith.constant 7 : i32
      %eq3A_669 = vector.broadcast %eq3A_668 : i32 to vector<16xi32>
      %eq3A_670 = arith.cmpi eq, %select_n3A_208, %eq3A_669 : vector<16xi32>
      %eq3A_671 = arith.constant 7 : i32
      %eq3A_672 = vector.broadcast %eq3A_671 : i32 to vector<16xi32>
      %eq3A_673 = arith.cmpi eq, %select_n3A_439, %eq3A_672 : vector<16xi32>
      %or3A_674 = arith.ori %eq3A_670, %eq3A_673 : vector<16xi1>
      %mul3A_675 = arith.mulf %exp3A_459, %div3A_494 : vector<16xf32>
      %jit3A_676 = arith.constant 0.000000e+00 : f32
      %broadcast_in_dim3A_677 = vector.broadcast %jit3A_676 : f32 to vector<16xf32>
      %select_n3A_678 = arith.select %or3A_674, %mul3A_675, %broadcast_in_dim3A_677 : vector<16xi1>, vector<16xf32>
      %add3A_679 = arith.constant 3584 : i32
      %add3A_680 = arith.addi %add3A_679, %mul3A_57 : i32
      %swap3A_681 = arith.index_cast %add3A_680 : i32 to index
      %swap3A_682 = tpu.vector_load %arg8[%swap3A_681] {strides = array<i32>} : memref<8192xf32, #tpu.memory_space<vmem>>, vector<16xf32>,
      %swap3A_683 = vector.shape_cast %swap3A_682 : vector<16xf32> to vector<16xf32>
      %swap3A_684 = vector.shape_cast %select_n3A_678 : vector<16xf32> to vector<16xf32>
      tpu.vector_store %arg8[%swap3A_681], %swap3A_684 {strides = array<i32>} : memref<8192xf32, #tpu.memory_space<vmem>>, vector<16xf32>,
      %mul3A_685 = arith.mulf %exp3A_462, %div3A_486 : vector<16xf32>
      %add3A_686 = arith.constant 4096 : i32
      %add3A_687 = arith.addi %add3A_686, %mul3A_57 : i32
      %swap3A_688 = arith.index_cast %add3A_687 : i32 to index
      %swap3A_689 = tpu.vector_load %arg11[%swap3A_688] {strides = array<i32>} : memref<8192xf32, #tpu.memory_space<vmem>>, vector<16xf32>,
      %swap3A_690 = vector.shape_cast %swap3A_689 : vector<16xf32> to vector<16xf32>
      %swap3A_691 = vector.shape_cast %mul3A_685 : vector<16xf32> to vector<16xf32>
      tpu.vector_store %arg11[%swap3A_688], %swap3A_691 {strides = array<i32>} : memref<8192xf32, #tpu.memory_space<vmem>>, vector<16xf32>,
      %eq3A_692 = arith.constant 8 : i32
      %eq3A_693 = vector.broadcast %eq3A_692 : i32 to vector<16xi32>
      %eq3A_694 = arith.cmpi eq, %select_n3A_208, %eq3A_693 : vector<16xi32>
      %eq3A_695 = arith.constant 8 : i32
      %eq3A_696 = vector.broadcast %eq3A_695 : i32 to vector<16xi32>
      %eq3A_697 = arith.cmpi eq, %select_n3A_439, %eq3A_696 : vector<16xi32>
      %or3A_698 = arith.ori %eq3A_694, %eq3A_697 : vector<16xi1>
      %mul3A_699 = arith.mulf %exp3A_462, %div3A_494 : vector<16xf32>
      %jit3A_700 = arith.constant 0.000000e+00 : f32
      %broadcast_in_dim3A_701 = vector.broadcast %jit3A_700 : f32 to vector<16xf32>
      %select_n3A_702 = arith.select %or3A_698, %mul3A_699, %broadcast_in_dim3A_701 : vector<16xi1>, vector<16xf32>
      %add3A_703 = arith.constant 4096 : i32
      %add3A_704 = arith.addi %add3A_703, %mul3A_57 : i32
      %swap3A_705 = arith.index_cast %add3A_704 : i32 to index
      %swap3A_706 = tpu.vector_load %arg8[%swap3A_705] {strides = array<i32>} : memref<8192xf32, #tpu.memory_space<vmem>>, vector<16xf32>,
      %swap3A_707 = vector.shape_cast %swap3A_706 : vector<16xf32> to vector<16xf32>
      %swap3A_708 = vector.shape_cast %select_n3A_702 : vector<16xf32> to vector<16xf32>
      tpu.vector_store %arg8[%swap3A_705], %swap3A_708 {strides = array<i32>} : memref<8192xf32, #tpu.memory_space<vmem>>, vector<16xf32>,
      %mul3A_709 = arith.mulf %exp3A_465, %div3A_486 : vector<16xf32>
      %add3A_710 = arith.constant 4608 : i32
      %add3A_711 = arith.addi %add3A_710, %mul3A_57 : i32
      %swap3A_712 = arith.index_cast %add3A_711 : i32 to index
      %swap3A_713 = tpu.vector_load %arg11[%swap3A_712] {strides = array<i32>} : memref<8192xf32, #tpu.memory_space<vmem>>, vector<16xf32>,
      %swap3A_714 = vector.shape_cast %swap3A_713 : vector<16xf32> to vector<16xf32>
      %swap3A_715 = vector.shape_cast %mul3A_709 : vector<16xf32> to vector<16xf32>
      tpu.vector_store %arg11[%swap3A_712], %swap3A_715 {strides = array<i32>} : memref<8192xf32, #tpu.memory_space<vmem>>, vector<16xf32>,
      %eq3A_716 = arith.constant 9 : i32
      %eq3A_717 = vector.broadcast %eq3A_716 : i32 to vector<16xi32>
      %eq3A_718 = arith.cmpi eq, %select_n3A_208, %eq3A_717 : vector<16xi32>
      %eq3A_719 = arith.constant 9 : i32
      %eq3A_720 = vector.broadcast %eq3A_719 : i32 to vector<16xi32>
      %eq3A_721 = arith.cmpi eq, %select_n3A_439, %eq3A_720 : vector<16xi32>
      %or3A_722 = arith.ori %eq3A_718, %eq3A_721 : vector<16xi1>
      %mul3A_723 = arith.mulf %exp3A_465, %div3A_494 : vector<16xf32>
      %jit3A_724 = arith.constant 0.000000e+00 : f32
      %broadcast_in_dim3A_725 = vector.broadcast %jit3A_724 : f32 to vector<16xf32>
      %select_n3A_726 = arith.select %or3A_722, %mul3A_723, %broadcast_in_dim3A_725 : vector<16xi1>, vector<16xf32>
      %add3A_727 = arith.constant 4608 : i32
      %add3A_728 = arith.addi %add3A_727, %mul3A_57 : i32
      %swap3A_729 = arith.index_cast %add3A_728 : i32 to index
      %swap3A_730 = tpu.vector_load %arg8[%swap3A_729] {strides = array<i32>} : memref<8192xf32, #tpu.memory_space<vmem>>, vector<16xf32>,
      %swap3A_731 = vector.shape_cast %swap3A_730 : vector<16xf32> to vector<16xf32>
      %swap3A_732 = vector.shape_cast %select_n3A_726 : vector<16xf32> to vector<16xf32>
      tpu.vector_store %arg8[%swap3A_729], %swap3A_732 {strides = array<i32>} : memref<8192xf32, #tpu.memory_space<vmem>>, vector<16xf32>,
      %mul3A_733 = arith.mulf %exp3A_468, %div3A_486 : vector<16xf32>
      %add3A_734 = arith.constant 5120 : i32
      %add3A_735 = arith.addi %add3A_734, %mul3A_57 : i32
      %swap3A_736 = arith.index_cast %add3A_735 : i32 to index
      %swap3A_737 = tpu.vector_load %arg11[%swap3A_736] {strides = array<i32>} : memref<8192xf32, #tpu.memory_space<vmem>>, vector<16xf32>,
      %swap3A_738 = vector.shape_cast %swap3A_737 : vector<16xf32> to vector<16xf32>
      %swap3A_739 = vector.shape_cast %mul3A_733 : vector<16xf32> to vector<16xf32>
      tpu.vector_store %arg11[%swap3A_736], %swap3A_739 {strides = array<i32>} : memref<8192xf32, #tpu.memory_space<vmem>>, vector<16xf32>,
      %eq3A_740 = arith.constant 10 : i32
      %eq3A_741 = vector.broadcast %eq3A_740 : i32 to vector<16xi32>
      %eq3A_742 = arith.cmpi eq, %select_n3A_208, %eq3A_741 : vector<16xi32>
      %eq3A_743 = arith.constant 10 : i32
      %eq3A_744 = vector.broadcast %eq3A_743 : i32 to vector<16xi32>
      %eq3A_745 = arith.cmpi eq, %select_n3A_439, %eq3A_744 : vector<16xi32>
      %or3A_746 = arith.ori %eq3A_742, %eq3A_745 : vector<16xi1>
      %mul3A_747 = arith.mulf %exp3A_468, %div3A_494 : vector<16xf32>
      %jit3A_748 = arith.constant 0.000000e+00 : f32
      %broadcast_in_dim3A_749 = vector.broadcast %jit3A_748 : f32 to vector<16xf32>
      %select_n3A_750 = arith.select %or3A_746, %mul3A_747, %broadcast_in_dim3A_749 : vector<16xi1>, vector<16xf32>
      %add3A_751 = arith.constant 5120 : i32
      %add3A_752 = arith.addi %add3A_751, %mul3A_57 : i32
      %swap3A_753 = arith.index_cast %add3A_752 : i32 to index
      %swap3A_754 = tpu.vector_load %arg8[%swap3A_753] {strides = array<i32>} : memref<8192xf32, #tpu.memory_space<vmem>>, vector<16xf32>,
      %swap3A_755 = vector.shape_cast %swap3A_754 : vector<16xf32> to vector<16xf32>
      %swap3A_756 = vector.shape_cast %select_n3A_750 : vector<16xf32> to vector<16xf32>
      tpu.vector_store %arg8[%swap3A_753], %swap3A_756 {strides = array<i32>} : memref<8192xf32, #tpu.memory_space<vmem>>, vector<16xf32>,
      %mul3A_757 = arith.mulf %exp3A_471, %div3A_486 : vector<16xf32>
      %add3A_758 = arith.constant 5632 : i32
      %add3A_759 = arith.addi %add3A_758, %mul3A_57 : i32
      %swap3A_760 = arith.index_cast %add3A_759 : i32 to index
      %swap3A_761 = tpu.vector_load %arg11[%swap3A_760] {strides = array<i32>} : memref<8192xf32, #tpu.memory_space<vmem>>, vector<16xf32>,
      %swap3A_762 = vector.shape_cast %swap3A_761 : vector<16xf32> to vector<16xf32>
      %swap3A_763 = vector.shape_cast %mul3A_757 : vector<16xf32> to vector<16xf32>
      tpu.vector_store %arg11[%swap3A_760], %swap3A_763 {strides = array<i32>} : memref<8192xf32, #tpu.memory_space<vmem>>, vector<16xf32>,
      %eq3A_764 = arith.constant 11 : i32
      %eq3A_765 = vector.broadcast %eq3A_764 : i32 to vector<16xi32>
      %eq3A_766 = arith.cmpi eq, %select_n3A_208, %eq3A_765 : vector<16xi32>
      %eq3A_767 = arith.constant 11 : i32
      %eq3A_768 = vector.broadcast %eq3A_767 : i32 to vector<16xi32>
      %eq3A_769 = arith.cmpi eq, %select_n3A_439, %eq3A_768 : vector<16xi32>
      %or3A_770 = arith.ori %eq3A_766, %eq3A_769 : vector<16xi1>
      %mul3A_771 = arith.mulf %exp3A_471, %div3A_494 : vector<16xf32>
      %jit3A_772 = arith.constant 0.000000e+00 : f32
      %broadcast_in_dim3A_773 = vector.broadcast %jit3A_772 : f32 to vector<16xf32>
      %select_n3A_774 = arith.select %or3A_770, %mul3A_771, %broadcast_in_dim3A_773 : vector<16xi1>, vector<16xf32>
      %add3A_775 = arith.constant 5632 : i32
      %add3A_776 = arith.addi %add3A_775, %mul3A_57 : i32
      %swap3A_777 = arith.index_cast %add3A_776 : i32 to index
      %swap3A_778 = tpu.vector_load %arg8[%swap3A_777] {strides = array<i32>} : memref<8192xf32, #tpu.memory_space<vmem>>, vector<16xf32>,
      %swap3A_779 = vector.shape_cast %swap3A_778 : vector<16xf32> to vector<16xf32>
      %swap3A_780 = vector.shape_cast %select_n3A_774 : vector<16xf32> to vector<16xf32>
      tpu.vector_store %arg8[%swap3A_777], %swap3A_780 {strides = array<i32>} : memref<8192xf32, #tpu.memory_space<vmem>>, vector<16xf32>,
      %mul3A_781 = arith.mulf %exp3A_474, %div3A_486 : vector<16xf32>
      %add3A_782 = arith.constant 6144 : i32
      %add3A_783 = arith.addi %add3A_782, %mul3A_57 : i32
      %swap3A_784 = arith.index_cast %add3A_783 : i32 to index
      %swap3A_785 = tpu.vector_load %arg11[%swap3A_784] {strides = array<i32>} : memref<8192xf32, #tpu.memory_space<vmem>>, vector<16xf32>,
      %swap3A_786 = vector.shape_cast %swap3A_785 : vector<16xf32> to vector<16xf32>
      %swap3A_787 = vector.shape_cast %mul3A_781 : vector<16xf32> to vector<16xf32>
      tpu.vector_store %arg11[%swap3A_784], %swap3A_787 {strides = array<i32>} : memref<8192xf32, #tpu.memory_space<vmem>>, vector<16xf32>,
      %eq3A_788 = arith.constant 12 : i32
      %eq3A_789 = vector.broadcast %eq3A_788 : i32 to vector<16xi32>
      %eq3A_790 = arith.cmpi eq, %select_n3A_208, %eq3A_789 : vector<16xi32>
      %eq3A_791 = arith.constant 12 : i32
      %eq3A_792 = vector.broadcast %eq3A_791 : i32 to vector<16xi32>
      %eq3A_793 = arith.cmpi eq, %select_n3A_439, %eq3A_792 : vector<16xi32>
      %or3A_794 = arith.ori %eq3A_790, %eq3A_793 : vector<16xi1>
      %mul3A_795 = arith.mulf %exp3A_474, %div3A_494 : vector<16xf32>
      %jit3A_796 = arith.constant 0.000000e+00 : f32
      %broadcast_in_dim3A_797 = vector.broadcast %jit3A_796 : f32 to vector<16xf32>
      %select_n3A_798 = arith.select %or3A_794, %mul3A_795, %broadcast_in_dim3A_797 : vector<16xi1>, vector<16xf32>
      %add3A_799 = arith.constant 6144 : i32
      %add3A_800 = arith.addi %add3A_799, %mul3A_57 : i32
      %swap3A_801 = arith.index_cast %add3A_800 : i32 to index
      %swap3A_802 = tpu.vector_load %arg8[%swap3A_801] {strides = array<i32>} : memref<8192xf32, #tpu.memory_space<vmem>>, vector<16xf32>,
      %swap3A_803 = vector.shape_cast %swap3A_802 : vector<16xf32> to vector<16xf32>
      %swap3A_804 = vector.shape_cast %select_n3A_798 : vector<16xf32> to vector<16xf32>
      tpu.vector_store %arg8[%swap3A_801], %swap3A_804 {strides = array<i32>} : memref<8192xf32, #tpu.memory_space<vmem>>, vector<16xf32>,
      %mul3A_805 = arith.mulf %exp3A_477, %div3A_486 : vector<16xf32>
      %add3A_806 = arith.constant 6656 : i32
      %add3A_807 = arith.addi %add3A_806, %mul3A_57 : i32
      %swap3A_808 = arith.index_cast %add3A_807 : i32 to index
      %swap3A_809 = tpu.vector_load %arg11[%swap3A_808] {strides = array<i32>} : memref<8192xf32, #tpu.memory_space<vmem>>, vector<16xf32>,
      %swap3A_810 = vector.shape_cast %swap3A_809 : vector<16xf32> to vector<16xf32>
      %swap3A_811 = vector.shape_cast %mul3A_805 : vector<16xf32> to vector<16xf32>
      tpu.vector_store %arg11[%swap3A_808], %swap3A_811 {strides = array<i32>} : memref<8192xf32, #tpu.memory_space<vmem>>, vector<16xf32>,
      %eq3A_812 = arith.constant 13 : i32
      %eq3A_813 = vector.broadcast %eq3A_812 : i32 to vector<16xi32>
      %eq3A_814 = arith.cmpi eq, %select_n3A_208, %eq3A_813 : vector<16xi32>
      %eq3A_815 = arith.constant 13 : i32
      %eq3A_816 = vector.broadcast %eq3A_815 : i32 to vector<16xi32>
      %eq3A_817 = arith.cmpi eq, %select_n3A_439, %eq3A_816 : vector<16xi32>
      %or3A_818 = arith.ori %eq3A_814, %eq3A_817 : vector<16xi1>
      %mul3A_819 = arith.mulf %exp3A_477, %div3A_494 : vector<16xf32>
      %jit3A_820 = arith.constant 0.000000e+00 : f32
      %broadcast_in_dim3A_821 = vector.broadcast %jit3A_820 : f32 to vector<16xf32>
      %select_n3A_822 = arith.select %or3A_818, %mul3A_819, %broadcast_in_dim3A_821 : vector<16xi1>, vector<16xf32>
      %add3A_823 = arith.constant 6656 : i32
      %add3A_824 = arith.addi %add3A_823, %mul3A_57 : i32
      %swap3A_825 = arith.index_cast %add3A_824 : i32 to index
      %swap3A_826 = tpu.vector_load %arg8[%swap3A_825] {strides = array<i32>} : memref<8192xf32, #tpu.memory_space<vmem>>, vector<16xf32>,
      %swap3A_827 = vector.shape_cast %swap3A_826 : vector<16xf32> to vector<16xf32>
      %swap3A_828 = vector.shape_cast %select_n3A_822 : vector<16xf32> to vector<16xf32>
      tpu.vector_store %arg8[%swap3A_825], %swap3A_828 {strides = array<i32>} : memref<8192xf32, #tpu.memory_space<vmem>>, vector<16xf32>,
      %mul3A_829 = arith.mulf %exp3A_480, %div3A_486 : vector<16xf32>
      %add3A_830 = arith.constant 7168 : i32
      %add3A_831 = arith.addi %add3A_830, %mul3A_57 : i32
      %swap3A_832 = arith.index_cast %add3A_831 : i32 to index
      %swap3A_833 = tpu.vector_load %arg11[%swap3A_832] {strides = array<i32>} : memref<8192xf32, #tpu.memory_space<vmem>>, vector<16xf32>,
      %swap3A_834 = vector.shape_cast %swap3A_833 : vector<16xf32> to vector<16xf32>
      %swap3A_835 = vector.shape_cast %mul3A_829 : vector<16xf32> to vector<16xf32>
      tpu.vector_store %arg11[%swap3A_832], %swap3A_835 {strides = array<i32>} : memref<8192xf32, #tpu.memory_space<vmem>>, vector<16xf32>,
      %eq3A_836 = arith.constant 14 : i32
      %eq3A_837 = vector.broadcast %eq3A_836 : i32 to vector<16xi32>
      %eq3A_838 = arith.cmpi eq, %select_n3A_208, %eq3A_837 : vector<16xi32>
      %eq3A_839 = arith.constant 14 : i32
      %eq3A_840 = vector.broadcast %eq3A_839 : i32 to vector<16xi32>
      %eq3A_841 = arith.cmpi eq, %select_n3A_439, %eq3A_840 : vector<16xi32>
      %or3A_842 = arith.ori %eq3A_838, %eq3A_841 : vector<16xi1>
      %mul3A_843 = arith.mulf %exp3A_480, %div3A_494 : vector<16xf32>
      %jit3A_844 = arith.constant 0.000000e+00 : f32
      %broadcast_in_dim3A_845 = vector.broadcast %jit3A_844 : f32 to vector<16xf32>
      %select_n3A_846 = arith.select %or3A_842, %mul3A_843, %broadcast_in_dim3A_845 : vector<16xi1>, vector<16xf32>
      %add3A_847 = arith.constant 7168 : i32
      %add3A_848 = arith.addi %add3A_847, %mul3A_57 : i32
      %swap3A_849 = arith.index_cast %add3A_848 : i32 to index
      %swap3A_850 = tpu.vector_load %arg8[%swap3A_849] {strides = array<i32>} : memref<8192xf32, #tpu.memory_space<vmem>>, vector<16xf32>,
      %swap3A_851 = vector.shape_cast %swap3A_850 : vector<16xf32> to vector<16xf32>
      %swap3A_852 = vector.shape_cast %select_n3A_846 : vector<16xf32> to vector<16xf32>
      tpu.vector_store %arg8[%swap3A_849], %swap3A_852 {strides = array<i32>} : memref<8192xf32, #tpu.memory_space<vmem>>, vector<16xf32>,
      %mul3A_853 = arith.mulf %exp3A_483, %div3A_486 : vector<16xf32>
      %add3A_854 = arith.constant 7680 : i32
      %add3A_855 = arith.addi %add3A_854, %mul3A_57 : i32
      %swap3A_856 = arith.index_cast %add3A_855 : i32 to index
      %swap3A_857 = tpu.vector_load %arg11[%swap3A_856] {strides = array<i32>} : memref<8192xf32, #tpu.memory_space<vmem>>, vector<16xf32>,
      %swap3A_858 = vector.shape_cast %swap3A_857 : vector<16xf32> to vector<16xf32>
      %swap3A_859 = vector.shape_cast %mul3A_853 : vector<16xf32> to vector<16xf32>
      tpu.vector_store %arg11[%swap3A_856], %swap3A_859 {strides = array<i32>} : memref<8192xf32, #tpu.memory_space<vmem>>, vector<16xf32>,
      %eq3A_860 = arith.constant 15 : i32
      %eq3A_861 = vector.broadcast %eq3A_860 : i32 to vector<16xi32>
      %eq3A_862 = arith.cmpi eq, %select_n3A_208, %eq3A_861 : vector<16xi32>
      %eq3A_863 = arith.constant 15 : i32
      %eq3A_864 = vector.broadcast %eq3A_863 : i32 to vector<16xi32>
      %eq3A_865 = arith.cmpi eq, %select_n3A_439, %eq3A_864 : vector<16xi32>
      %or3A_866 = arith.ori %eq3A_862, %eq3A_865 : vector<16xi1>
      %mul3A_867 = arith.mulf %exp3A_483, %div3A_494 : vector<16xf32>
      %jit3A_868 = arith.constant 0.000000e+00 : f32
      %broadcast_in_dim3A_869 = vector.broadcast %jit3A_868 : f32 to vector<16xf32>
      %select_n3A_870 = arith.select %or3A_866, %mul3A_867, %broadcast_in_dim3A_869 : vector<16xi1>, vector<16xf32>
      %add3A_871 = arith.constant 7680 : i32
      %add3A_872 = arith.addi %add3A_871, %mul3A_57 : i32
      %swap3A_873 = arith.index_cast %add3A_872 : i32 to index
      %swap3A_874 = tpu.vector_load %arg8[%swap3A_873] {strides = array<i32>} : memref<8192xf32, #tpu.memory_space<vmem>>, vector<16xf32>,
      %swap3A_875 = vector.shape_cast %swap3A_874 : vector<16xf32> to vector<16xf32>
      %swap3A_876 = vector.shape_cast %select_n3A_870 : vector<16xf32> to vector<16xf32>
      tpu.vector_store %arg8[%swap3A_873], %swap3A_876 {strides = array<i32>} : memref<8192xf32, #tpu.memory_space<vmem>>, vector<16xf32>,
      %swap3A_877 = arith.index_cast %mul3A_57 : i32 to index
      %swap3A_878 = tpu.vector_load %arg9[%swap3A_877] {strides = array<i32>} : memref<512xi32, #tpu.memory_space<vmem>>, vector<16xi32>,
      %swap3A_879 = vector.shape_cast %swap3A_878 : vector<16xi32> to vector<16xi32>
      %swap3A_880 = vector.shape_cast %select_n3A_208 : vector<16xi32> to vector<16xi32>
      tpu.vector_store %arg9[%swap3A_877], %swap3A_880 {strides = array<i32>} : memref<512xi32, #tpu.memory_space<vmem>>, vector<16xi32>,
      %swap3A_881 = arith.index_cast %mul3A_57 : i32 to index
      %swap3A_882 = tpu.vector_load %arg10[%swap3A_881] {strides = array<i32>} : memref<512xi32, #tpu.memory_space<vmem>>, vector<16xi32>,
      %swap3A_883 = vector.shape_cast %swap3A_882 : vector<16xi32> to vector<16xi32>
      %swap3A_884 = vector.shape_cast %select_n3A_439 : vector<16xi32> to vector<16xi32>
      tpu.vector_store %arg10[%swap3A_881], %swap3A_884 {strides = array<i32>} : memref<512xi32, #tpu.memory_space<vmem>>, vector<16xi32>,
    }
    %scan3A_22 = arith.constant 32 : i32
    %run_scoped3A_23 = arith.constant 0 : i32
    "tpu.region"() ({
      %run_scoped3A_55 = tpu.sem_alloc : memref<!tpu.dma_semaphore, #tpu.memory_space<semaphore_mem>>
      %dma_start3A = arith.constant 0 : i32
      %dma_start3A_56 = tpu.memref_slice %arg11[%dma_start3A] : memref<8192xf32, #tpu.memory_space<vmem>> -> memref<512xf32, #tpu.memory_space<vmem>>
      %dma_start3A_57 = tpu.memref_slice %arg6[%run_scoped3A_23, %mul3A_2] : memref<16x16384xf32, #tpu.memory_space<hbm>> -> memref<1x512xf32, #tpu.memory_space<hbm>>
      %dma_start3A_58 = tpu.memref_squeeze %dma_start3A_57 : memref<1x512xf32, #tpu.memory_space<hbm>> -> memref<512xf32, #tpu.memory_space<hbm>>
      %dma_start3A_59 = tpu.memref_slice %arg6[%run_scoped3A_23, %mul3A_2] : memref<16x16384xf32, #tpu.memory_space<hbm>> -> memref<1x512xf32, #tpu.memory_space<hbm>>
      %dma_start3A_60 = tpu.memref_squeeze %dma_start3A_59 : memref<1x512xf32, #tpu.memory_space<hbm>> -> memref<512xf32, #tpu.memory_space<hbm>>
      %dma_start3A_61 = arith.constant 0 : i32
      %dma_start3A_62 = tpu.memref_slice %arg11[%dma_start3A_61] : memref<8192xf32, #tpu.memory_space<vmem>> -> memref<512xf32, #tpu.memory_space<vmem>>
      tpu.enqueue_dma source(%dma_start3A_62 : memref<512xf32, #tpu.memory_space<vmem>>) target(%dma_start3A_60 : memref<512xf32, #tpu.memory_space<hbm>>) target_semaphore(%run_scoped3A_55 : memref<!tpu.dma_semaphore, #tpu.memory_space<semaphore_mem>>)
      %dma_wait3A = arith.constant 0 : i32
      %dma_wait3A_63 = tpu.memref_slice %arg11[%dma_wait3A] : memref<8192xf32, #tpu.memory_space<vmem>> -> memref<512xf32, #tpu.memory_space<vmem>>
      %dma_wait3A_64 = tpu.memref_slice %arg6[%run_scoped3A_23, %mul3A_2] : memref<16x16384xf32, #tpu.memory_space<hbm>> -> memref<1x512xf32, #tpu.memory_space<hbm>>
      %dma_wait3A_65 = tpu.memref_squeeze %dma_wait3A_64 : memref<1x512xf32, #tpu.memory_space<hbm>> -> memref<512xf32, #tpu.memory_space<hbm>>
      %dma_wait3A_66 = tpu.memref_slice %arg6[%run_scoped3A_23, %mul3A_2] : memref<16x16384xf32, #tpu.memory_space<hbm>> -> memref<1x512xf32, #tpu.memory_space<hbm>>
      %dma_wait3A_67 = tpu.memref_squeeze %dma_wait3A_66 : memref<1x512xf32, #tpu.memory_space<hbm>> -> memref<512xf32, #tpu.memory_space<hbm>>
      %dma_wait3A_68 = arith.constant 0 : i32
      %dma_wait3A_69 = tpu.memref_slice %arg11[%dma_wait3A_68] : memref<8192xf32, #tpu.memory_space<vmem>> -> memref<512xf32, #tpu.memory_space<vmem>>
      tpu.wait_dma2 semaphore(%run_scoped3A_55 : memref<!tpu.dma_semaphore, #tpu.memory_space<semaphore_mem>>) src(%dma_wait3A_69 : memref<512xf32, #tpu.memory_space<vmem>>) dst(%dma_wait3A_67 : memref<512xf32, #tpu.memory_space<hbm>>)
      tpu.yield
    }) : () -> ()
    %run_scoped3A_24 = arith.constant 0 : i32
    "tpu.region"() ({
      %run_scoped3A_55 = tpu.sem_alloc : memref<!tpu.dma_semaphore, #tpu.memory_space<semaphore_mem>>
      %dma_start3A = arith.constant 0 : i32
      %dma_start3A_56 = tpu.memref_slice %arg8[%dma_start3A] : memref<8192xf32, #tpu.memory_space<vmem>> -> memref<512xf32, #tpu.memory_space<vmem>>
      %dma_start3A_57 = tpu.memref_slice %arg3[%run_scoped3A_24, %mul3A_2] : memref<16x16384xf32, #tpu.memory_space<hbm>> -> memref<1x512xf32, #tpu.memory_space<hbm>>
      %dma_start3A_58 = tpu.memref_squeeze %dma_start3A_57 : memref<1x512xf32, #tpu.memory_space<hbm>> -> memref<512xf32, #tpu.memory_space<hbm>>
      %dma_start3A_59 = tpu.memref_slice %arg3[%run_scoped3A_24, %mul3A_2] : memref<16x16384xf32, #tpu.memory_space<hbm>> -> memref<1x512xf32, #tpu.memory_space<hbm>>
      %dma_start3A_60 = tpu.memref_squeeze %dma_start3A_59 : memref<1x512xf32, #tpu.memory_space<hbm>> -> memref<512xf32, #tpu.memory_space<hbm>>
      %dma_start3A_61 = arith.constant 0 : i32
      %dma_start3A_62 = tpu.memref_slice %arg8[%dma_start3A_61] : memref<8192xf32, #tpu.memory_space<vmem>> -> memref<512xf32, #tpu.memory_space<vmem>>
      tpu.enqueue_dma source(%dma_start3A_62 : memref<512xf32, #tpu.memory_space<vmem>>) target(%dma_start3A_60 : memref<512xf32, #tpu.memory_space<hbm>>) target_semaphore(%run_scoped3A_55 : memref<!tpu.dma_semaphore, #tpu.memory_space<semaphore_mem>>)
      %dma_wait3A = arith.constant 0 : i32
      %dma_wait3A_63 = tpu.memref_slice %arg8[%dma_wait3A] : memref<8192xf32, #tpu.memory_space<vmem>> -> memref<512xf32, #tpu.memory_space<vmem>>
      %dma_wait3A_64 = tpu.memref_slice %arg3[%run_scoped3A_24, %mul3A_2] : memref<16x16384xf32, #tpu.memory_space<hbm>> -> memref<1x512xf32, #tpu.memory_space<hbm>>
      %dma_wait3A_65 = tpu.memref_squeeze %dma_wait3A_64 : memref<1x512xf32, #tpu.memory_space<hbm>> -> memref<512xf32, #tpu.memory_space<hbm>>
      %dma_wait3A_66 = tpu.memref_slice %arg3[%run_scoped3A_24, %mul3A_2] : memref<16x16384xf32, #tpu.memory_space<hbm>> -> memref<1x512xf32, #tpu.memory_space<hbm>>
      %dma_wait3A_67 = tpu.memref_squeeze %dma_wait3A_66 : memref<1x512xf32, #tpu.memory_space<hbm>> -> memref<512xf32, #tpu.memory_space<hbm>>
      %dma_wait3A_68 = arith.constant 0 : i32
      %dma_wait3A_69 = tpu.memref_slice %arg8[%dma_wait3A_68] : memref<8192xf32, #tpu.memory_space<vmem>> -> memref<512xf32, #tpu.memory_space<vmem>>
      tpu.wait_dma2 semaphore(%run_scoped3A_55 : memref<!tpu.dma_semaphore, #tpu.memory_space<semaphore_mem>>) src(%dma_wait3A_69 : memref<512xf32, #tpu.memory_space<vmem>>) dst(%dma_wait3A_67 : memref<512xf32, #tpu.memory_space<hbm>>)
      tpu.yield
    }) : () -> ()
    %run_scoped3A_25 = arith.constant 1 : i32
    "tpu.region"() ({
      %run_scoped3A_55 = tpu.sem_alloc : memref<!tpu.dma_semaphore, #tpu.memory_space<semaphore_mem>>
      %dma_start3A = arith.constant 512 : i32
      %dma_start3A_56 = tpu.memref_slice %arg11[%dma_start3A] : memref<8192xf32, #tpu.memory_space<vmem>> -> memref<512xf32, #tpu.memory_space<vmem>>
      %dma_start3A_57 = tpu.memref_slice %arg6[%run_scoped3A_25, %mul3A_2] : memref<16x16384xf32, #tpu.memory_space<hbm>> -> memref<1x512xf32, #tpu.memory_space<hbm>>
      %dma_start3A_58 = tpu.memref_squeeze %dma_start3A_57 : memref<1x512xf32, #tpu.memory_space<hbm>> -> memref<512xf32, #tpu.memory_space<hbm>>
      %dma_start3A_59 = tpu.memref_slice %arg6[%run_scoped3A_25, %mul3A_2] : memref<16x16384xf32, #tpu.memory_space<hbm>> -> memref<1x512xf32, #tpu.memory_space<hbm>>
      %dma_start3A_60 = tpu.memref_squeeze %dma_start3A_59 : memref<1x512xf32, #tpu.memory_space<hbm>> -> memref<512xf32, #tpu.memory_space<hbm>>
      %dma_start3A_61 = arith.constant 512 : i32
      %dma_start3A_62 = tpu.memref_slice %arg11[%dma_start3A_61] : memref<8192xf32, #tpu.memory_space<vmem>> -> memref<512xf32, #tpu.memory_space<vmem>>
      tpu.enqueue_dma source(%dma_start3A_62 : memref<512xf32, #tpu.memory_space<vmem>>) target(%dma_start3A_60 : memref<512xf32, #tpu.memory_space<hbm>>) target_semaphore(%run_scoped3A_55 : memref<!tpu.dma_semaphore, #tpu.memory_space<semaphore_mem>>)
      %dma_wait3A = arith.constant 512 : i32
      %dma_wait3A_63 = tpu.memref_slice %arg11[%dma_wait3A] : memref<8192xf32, #tpu.memory_space<vmem>> -> memref<512xf32, #tpu.memory_space<vmem>>
      %dma_wait3A_64 = tpu.memref_slice %arg6[%run_scoped3A_25, %mul3A_2] : memref<16x16384xf32, #tpu.memory_space<hbm>> -> memref<1x512xf32, #tpu.memory_space<hbm>>
      %dma_wait3A_65 = tpu.memref_squeeze %dma_wait3A_64 : memref<1x512xf32, #tpu.memory_space<hbm>> -> memref<512xf32, #tpu.memory_space<hbm>>
      %dma_wait3A_66 = tpu.memref_slice %arg6[%run_scoped3A_25, %mul3A_2] : memref<16x16384xf32, #tpu.memory_space<hbm>> -> memref<1x512xf32, #tpu.memory_space<hbm>>
      %dma_wait3A_67 = tpu.memref_squeeze %dma_wait3A_66 : memref<1x512xf32, #tpu.memory_space<hbm>> -> memref<512xf32, #tpu.memory_space<hbm>>
      %dma_wait3A_68 = arith.constant 512 : i32
      %dma_wait3A_69 = tpu.memref_slice %arg11[%dma_wait3A_68] : memref<8192xf32, #tpu.memory_space<vmem>> -> memref<512xf32, #tpu.memory_space<vmem>>
      tpu.wait_dma2 semaphore(%run_scoped3A_55 : memref<!tpu.dma_semaphore, #tpu.memory_space<semaphore_mem>>) src(%dma_wait3A_69 : memref<512xf32, #tpu.memory_space<vmem>>) dst(%dma_wait3A_67 : memref<512xf32, #tpu.memory_space<hbm>>)
      tpu.yield
    }) : () -> ()
    %run_scoped3A_26 = arith.constant 1 : i32
    "tpu.region"() ({
      %run_scoped3A_55 = tpu.sem_alloc : memref<!tpu.dma_semaphore, #tpu.memory_space<semaphore_mem>>
      %dma_start3A = arith.constant 512 : i32
      %dma_start3A_56 = tpu.memref_slice %arg8[%dma_start3A] : memref<8192xf32, #tpu.memory_space<vmem>> -> memref<512xf32, #tpu.memory_space<vmem>>
      %dma_start3A_57 = tpu.memref_slice %arg3[%run_scoped3A_26, %mul3A_2] : memref<16x16384xf32, #tpu.memory_space<hbm>> -> memref<1x512xf32, #tpu.memory_space<hbm>>
      %dma_start3A_58 = tpu.memref_squeeze %dma_start3A_57 : memref<1x512xf32, #tpu.memory_space<hbm>> -> memref<512xf32, #tpu.memory_space<hbm>>
      %dma_start3A_59 = tpu.memref_slice %arg3[%run_scoped3A_26, %mul3A_2] : memref<16x16384xf32, #tpu.memory_space<hbm>> -> memref<1x512xf32, #tpu.memory_space<hbm>>
      %dma_start3A_60 = tpu.memref_squeeze %dma_start3A_59 : memref<1x512xf32, #tpu.memory_space<hbm>> -> memref<512xf32, #tpu.memory_space<hbm>>
      %dma_start3A_61 = arith.constant 512 : i32
      %dma_start3A_62 = tpu.memref_slice %arg8[%dma_start3A_61] : memref<8192xf32, #tpu.memory_space<vmem>> -> memref<512xf32, #tpu.memory_space<vmem>>
      tpu.enqueue_dma source(%dma_start3A_62 : memref<512xf32, #tpu.memory_space<vmem>>) target(%dma_start3A_60 : memref<512xf32, #tpu.memory_space<hbm>>) target_semaphore(%run_scoped3A_55 : memref<!tpu.dma_semaphore, #tpu.memory_space<semaphore_mem>>)
      %dma_wait3A = arith.constant 512 : i32
      %dma_wait3A_63 = tpu.memref_slice %arg8[%dma_wait3A] : memref<8192xf32, #tpu.memory_space<vmem>> -> memref<512xf32, #tpu.memory_space<vmem>>
      %dma_wait3A_64 = tpu.memref_slice %arg3[%run_scoped3A_26, %mul3A_2] : memref<16x16384xf32, #tpu.memory_space<hbm>> -> memref<1x512xf32, #tpu.memory_space<hbm>>
      %dma_wait3A_65 = tpu.memref_squeeze %dma_wait3A_64 : memref<1x512xf32, #tpu.memory_space<hbm>> -> memref<512xf32, #tpu.memory_space<hbm>>
      %dma_wait3A_66 = tpu.memref_slice %arg3[%run_scoped3A_26, %mul3A_2] : memref<16x16384xf32, #tpu.memory_space<hbm>> -> memref<1x512xf32, #tpu.memory_space<hbm>>
      %dma_wait3A_67 = tpu.memref_squeeze %dma_wait3A_66 : memref<1x512xf32, #tpu.memory_space<hbm>> -> memref<512xf32, #tpu.memory_space<hbm>>
      %dma_wait3A_68 = arith.constant 512 : i32
      %dma_wait3A_69 = tpu.memref_slice %arg8[%dma_wait3A_68] : memref<8192xf32, #tpu.memory_space<vmem>> -> memref<512xf32, #tpu.memory_space<vmem>>
      tpu.wait_dma2 semaphore(%run_scoped3A_55 : memref<!tpu.dma_semaphore, #tpu.memory_space<semaphore_mem>>) src(%dma_wait3A_69 : memref<512xf32, #tpu.memory_space<vmem>>) dst(%dma_wait3A_67 : memref<512xf32, #tpu.memory_space<hbm>>)
      tpu.yield
    }) : () -> ()
    %run_scoped3A_27 = arith.constant 2 : i32
    "tpu.region"() ({
      %run_scoped3A_55 = tpu.sem_alloc : memref<!tpu.dma_semaphore, #tpu.memory_space<semaphore_mem>>
      %dma_start3A = arith.constant 1024 : i32
      %dma_start3A_56 = tpu.memref_slice %arg11[%dma_start3A] : memref<8192xf32, #tpu.memory_space<vmem>> -> memref<512xf32, #tpu.memory_space<vmem>>
      %dma_start3A_57 = tpu.memref_slice %arg6[%run_scoped3A_27, %mul3A_2] : memref<16x16384xf32, #tpu.memory_space<hbm>> -> memref<1x512xf32, #tpu.memory_space<hbm>>
      %dma_start3A_58 = tpu.memref_squeeze %dma_start3A_57 : memref<1x512xf32, #tpu.memory_space<hbm>> -> memref<512xf32, #tpu.memory_space<hbm>>
      %dma_start3A_59 = tpu.memref_slice %arg6[%run_scoped3A_27, %mul3A_2] : memref<16x16384xf32, #tpu.memory_space<hbm>> -> memref<1x512xf32, #tpu.memory_space<hbm>>
      %dma_start3A_60 = tpu.memref_squeeze %dma_start3A_59 : memref<1x512xf32, #tpu.memory_space<hbm>> -> memref<512xf32, #tpu.memory_space<hbm>>
      %dma_start3A_61 = arith.constant 1024 : i32
      %dma_start3A_62 = tpu.memref_slice %arg11[%dma_start3A_61] : memref<8192xf32, #tpu.memory_space<vmem>> -> memref<512xf32, #tpu.memory_space<vmem>>
      tpu.enqueue_dma source(%dma_start3A_62 : memref<512xf32, #tpu.memory_space<vmem>>) target(%dma_start3A_60 : memref<512xf32, #tpu.memory_space<hbm>>) target_semaphore(%run_scoped3A_55 : memref<!tpu.dma_semaphore, #tpu.memory_space<semaphore_mem>>)
      %dma_wait3A = arith.constant 1024 : i32
      %dma_wait3A_63 = tpu.memref_slice %arg11[%dma_wait3A] : memref<8192xf32, #tpu.memory_space<vmem>> -> memref<512xf32, #tpu.memory_space<vmem>>
      %dma_wait3A_64 = tpu.memref_slice %arg6[%run_scoped3A_27, %mul3A_2] : memref<16x16384xf32, #tpu.memory_space<hbm>> -> memref<1x512xf32, #tpu.memory_space<hbm>>
      %dma_wait3A_65 = tpu.memref_squeeze %dma_wait3A_64 : memref<1x512xf32, #tpu.memory_space<hbm>> -> memref<512xf32, #tpu.memory_space<hbm>>
      %dma_wait3A_66 = tpu.memref_slice %arg6[%run_scoped3A_27, %mul3A_2] : memref<16x16384xf32, #tpu.memory_space<hbm>> -> memref<1x512xf32, #tpu.memory_space<hbm>>
      %dma_wait3A_67 = tpu.memref_squeeze %dma_wait3A_66 : memref<1x512xf32, #tpu.memory_space<hbm>> -> memref<512xf32, #tpu.memory_space<hbm>>
      %dma_wait3A_68 = arith.constant 1024 : i32
      %dma_wait3A_69 = tpu.memref_slice %arg11[%dma_wait3A_68] : memref<8192xf32, #tpu.memory_space<vmem>> -> memref<512xf32, #tpu.memory_space<vmem>>
      tpu.wait_dma2 semaphore(%run_scoped3A_55 : memref<!tpu.dma_semaphore, #tpu.memory_space<semaphore_mem>>) src(%dma_wait3A_69 : memref<512xf32, #tpu.memory_space<vmem>>) dst(%dma_wait3A_67 : memref<512xf32, #tpu.memory_space<hbm>>)
      tpu.yield
    }) : () -> ()
    %run_scoped3A_28 = arith.constant 2 : i32
    "tpu.region"() ({
      %run_scoped3A_55 = tpu.sem_alloc : memref<!tpu.dma_semaphore, #tpu.memory_space<semaphore_mem>>
      %dma_start3A = arith.constant 1024 : i32
      %dma_start3A_56 = tpu.memref_slice %arg8[%dma_start3A] : memref<8192xf32, #tpu.memory_space<vmem>> -> memref<512xf32, #tpu.memory_space<vmem>>
      %dma_start3A_57 = tpu.memref_slice %arg3[%run_scoped3A_28, %mul3A_2] : memref<16x16384xf32, #tpu.memory_space<hbm>> -> memref<1x512xf32, #tpu.memory_space<hbm>>
      %dma_start3A_58 = tpu.memref_squeeze %dma_start3A_57 : memref<1x512xf32, #tpu.memory_space<hbm>> -> memref<512xf32, #tpu.memory_space<hbm>>
      %dma_start3A_59 = tpu.memref_slice %arg3[%run_scoped3A_28, %mul3A_2] : memref<16x16384xf32, #tpu.memory_space<hbm>> -> memref<1x512xf32, #tpu.memory_space<hbm>>
      %dma_start3A_60 = tpu.memref_squeeze %dma_start3A_59 : memref<1x512xf32, #tpu.memory_space<hbm>> -> memref<512xf32, #tpu.memory_space<hbm>>
      %dma_start3A_61 = arith.constant 1024 : i32
      %dma_start3A_62 = tpu.memref_slice %arg8[%dma_start3A_61] : memref<8192xf32, #tpu.memory_space<vmem>> -> memref<512xf32, #tpu.memory_space<vmem>>
      tpu.enqueue_dma source(%dma_start3A_62 : memref<512xf32, #tpu.memory_space<vmem>>) target(%dma_start3A_60 : memref<512xf32, #tpu.memory_space<hbm>>) target_semaphore(%run_scoped3A_55 : memref<!tpu.dma_semaphore, #tpu.memory_space<semaphore_mem>>)
      %dma_wait3A = arith.constant 1024 : i32
      %dma_wait3A_63 = tpu.memref_slice %arg8[%dma_wait3A] : memref<8192xf32, #tpu.memory_space<vmem>> -> memref<512xf32, #tpu.memory_space<vmem>>
      %dma_wait3A_64 = tpu.memref_slice %arg3[%run_scoped3A_28, %mul3A_2] : memref<16x16384xf32, #tpu.memory_space<hbm>> -> memref<1x512xf32, #tpu.memory_space<hbm>>
      %dma_wait3A_65 = tpu.memref_squeeze %dma_wait3A_64 : memref<1x512xf32, #tpu.memory_space<hbm>> -> memref<512xf32, #tpu.memory_space<hbm>>
      %dma_wait3A_66 = tpu.memref_slice %arg3[%run_scoped3A_28, %mul3A_2] : memref<16x16384xf32, #tpu.memory_space<hbm>> -> memref<1x512xf32, #tpu.memory_space<hbm>>
      %dma_wait3A_67 = tpu.memref_squeeze %dma_wait3A_66 : memref<1x512xf32, #tpu.memory_space<hbm>> -> memref<512xf32, #tpu.memory_space<hbm>>
      %dma_wait3A_68 = arith.constant 1024 : i32
      %dma_wait3A_69 = tpu.memref_slice %arg8[%dma_wait3A_68] : memref<8192xf32, #tpu.memory_space<vmem>> -> memref<512xf32, #tpu.memory_space<vmem>>
      tpu.wait_dma2 semaphore(%run_scoped3A_55 : memref<!tpu.dma_semaphore, #tpu.memory_space<semaphore_mem>>) src(%dma_wait3A_69 : memref<512xf32, #tpu.memory_space<vmem>>) dst(%dma_wait3A_67 : memref<512xf32, #tpu.memory_space<hbm>>)
      tpu.yield
    }) : () -> ()
    %run_scoped3A_29 = arith.constant 3 : i32
    "tpu.region"() ({
      %run_scoped3A_55 = tpu.sem_alloc : memref<!tpu.dma_semaphore, #tpu.memory_space<semaphore_mem>>
      %dma_start3A = arith.constant 1536 : i32
      %dma_start3A_56 = tpu.memref_slice %arg11[%dma_start3A] : memref<8192xf32, #tpu.memory_space<vmem>> -> memref<512xf32, #tpu.memory_space<vmem>>
      %dma_start3A_57 = tpu.memref_slice %arg6[%run_scoped3A_29, %mul3A_2] : memref<16x16384xf32, #tpu.memory_space<hbm>> -> memref<1x512xf32, #tpu.memory_space<hbm>>
      %dma_start3A_58 = tpu.memref_squeeze %dma_start3A_57 : memref<1x512xf32, #tpu.memory_space<hbm>> -> memref<512xf32, #tpu.memory_space<hbm>>
      %dma_start3A_59 = tpu.memref_slice %arg6[%run_scoped3A_29, %mul3A_2] : memref<16x16384xf32, #tpu.memory_space<hbm>> -> memref<1x512xf32, #tpu.memory_space<hbm>>
      %dma_start3A_60 = tpu.memref_squeeze %dma_start3A_59 : memref<1x512xf32, #tpu.memory_space<hbm>> -> memref<512xf32, #tpu.memory_space<hbm>>
      %dma_start3A_61 = arith.constant 1536 : i32
      %dma_start3A_62 = tpu.memref_slice %arg11[%dma_start3A_61] : memref<8192xf32, #tpu.memory_space<vmem>> -> memref<512xf32, #tpu.memory_space<vmem>>
      tpu.enqueue_dma source(%dma_start3A_62 : memref<512xf32, #tpu.memory_space<vmem>>) target(%dma_start3A_60 : memref<512xf32, #tpu.memory_space<hbm>>) target_semaphore(%run_scoped3A_55 : memref<!tpu.dma_semaphore, #tpu.memory_space<semaphore_mem>>)
      %dma_wait3A = arith.constant 1536 : i32
      %dma_wait3A_63 = tpu.memref_slice %arg11[%dma_wait3A] : memref<8192xf32, #tpu.memory_space<vmem>> -> memref<512xf32, #tpu.memory_space<vmem>>
      %dma_wait3A_64 = tpu.memref_slice %arg6[%run_scoped3A_29, %mul3A_2] : memref<16x16384xf32, #tpu.memory_space<hbm>> -> memref<1x512xf32, #tpu.memory_space<hbm>>
      %dma_wait3A_65 = tpu.memref_squeeze %dma_wait3A_64 : memref<1x512xf32, #tpu.memory_space<hbm>> -> memref<512xf32, #tpu.memory_space<hbm>>
      %dma_wait3A_66 = tpu.memref_slice %arg6[%run_scoped3A_29, %mul3A_2] : memref<16x16384xf32, #tpu.memory_space<hbm>> -> memref<1x512xf32, #tpu.memory_space<hbm>>
      %dma_wait3A_67 = tpu.memref_squeeze %dma_wait3A_66 : memref<1x512xf32, #tpu.memory_space<hbm>> -> memref<512xf32, #tpu.memory_space<hbm>>
      %dma_wait3A_68 = arith.constant 1536 : i32
      %dma_wait3A_69 = tpu.memref_slice %arg11[%dma_wait3A_68] : memref<8192xf32, #tpu.memory_space<vmem>> -> memref<512xf32, #tpu.memory_space<vmem>>
      tpu.wait_dma2 semaphore(%run_scoped3A_55 : memref<!tpu.dma_semaphore, #tpu.memory_space<semaphore_mem>>) src(%dma_wait3A_69 : memref<512xf32, #tpu.memory_space<vmem>>) dst(%dma_wait3A_67 : memref<512xf32, #tpu.memory_space<hbm>>)
      tpu.yield
    }) : () -> ()
    %run_scoped3A_30 = arith.constant 3 : i32
    "tpu.region"() ({
      %run_scoped3A_55 = tpu.sem_alloc : memref<!tpu.dma_semaphore, #tpu.memory_space<semaphore_mem>>
      %dma_start3A = arith.constant 1536 : i32
      %dma_start3A_56 = tpu.memref_slice %arg8[%dma_start3A] : memref<8192xf32, #tpu.memory_space<vmem>> -> memref<512xf32, #tpu.memory_space<vmem>>
      %dma_start3A_57 = tpu.memref_slice %arg3[%run_scoped3A_30, %mul3A_2] : memref<16x16384xf32, #tpu.memory_space<hbm>> -> memref<1x512xf32, #tpu.memory_space<hbm>>
      %dma_start3A_58 = tpu.memref_squeeze %dma_start3A_57 : memref<1x512xf32, #tpu.memory_space<hbm>> -> memref<512xf32, #tpu.memory_space<hbm>>
      %dma_start3A_59 = tpu.memref_slice %arg3[%run_scoped3A_30, %mul3A_2] : memref<16x16384xf32, #tpu.memory_space<hbm>> -> memref<1x512xf32, #tpu.memory_space<hbm>>
      %dma_start3A_60 = tpu.memref_squeeze %dma_start3A_59 : memref<1x512xf32, #tpu.memory_space<hbm>> -> memref<512xf32, #tpu.memory_space<hbm>>
      %dma_start3A_61 = arith.constant 1536 : i32
      %dma_start3A_62 = tpu.memref_slice %arg8[%dma_start3A_61] : memref<8192xf32, #tpu.memory_space<vmem>> -> memref<512xf32, #tpu.memory_space<vmem>>
      tpu.enqueue_dma source(%dma_start3A_62 : memref<512xf32, #tpu.memory_space<vmem>>) target(%dma_start3A_60 : memref<512xf32, #tpu.memory_space<hbm>>) target_semaphore(%run_scoped3A_55 : memref<!tpu.dma_semaphore, #tpu.memory_space<semaphore_mem>>)
      %dma_wait3A = arith.constant 1536 : i32
      %dma_wait3A_63 = tpu.memref_slice %arg8[%dma_wait3A] : memref<8192xf32, #tpu.memory_space<vmem>> -> memref<512xf32, #tpu.memory_space<vmem>>
      %dma_wait3A_64 = tpu.memref_slice %arg3[%run_scoped3A_30, %mul3A_2] : memref<16x16384xf32, #tpu.memory_space<hbm>> -> memref<1x512xf32, #tpu.memory_space<hbm>>
      %dma_wait3A_65 = tpu.memref_squeeze %dma_wait3A_64 : memref<1x512xf32, #tpu.memory_space<hbm>> -> memref<512xf32, #tpu.memory_space<hbm>>
      %dma_wait3A_66 = tpu.memref_slice %arg3[%run_scoped3A_30, %mul3A_2] : memref<16x16384xf32, #tpu.memory_space<hbm>> -> memref<1x512xf32, #tpu.memory_space<hbm>>
      %dma_wait3A_67 = tpu.memref_squeeze %dma_wait3A_66 : memref<1x512xf32, #tpu.memory_space<hbm>> -> memref<512xf32, #tpu.memory_space<hbm>>
      %dma_wait3A_68 = arith.constant 1536 : i32
      %dma_wait3A_69 = tpu.memref_slice %arg8[%dma_wait3A_68] : memref<8192xf32, #tpu.memory_space<vmem>> -> memref<512xf32, #tpu.memory_space<vmem>>
      tpu.wait_dma2 semaphore(%run_scoped3A_55 : memref<!tpu.dma_semaphore, #tpu.memory_space<semaphore_mem>>) src(%dma_wait3A_69 : memref<512xf32, #tpu.memory_space<vmem>>) dst(%dma_wait3A_67 : memref<512xf32, #tpu.memory_space<hbm>>)
      tpu.yield
    }) : () -> ()
    %run_scoped3A_31 = arith.constant 4 : i32
    "tpu.region"() ({
      %run_scoped3A_55 = tpu.sem_alloc : memref<!tpu.dma_semaphore, #tpu.memory_space<semaphore_mem>>
      %dma_start3A = arith.constant 2048 : i32
      %dma_start3A_56 = tpu.memref_slice %arg11[%dma_start3A] : memref<8192xf32, #tpu.memory_space<vmem>> -> memref<512xf32, #tpu.memory_space<vmem>>
      %dma_start3A_57 = tpu.memref_slice %arg6[%run_scoped3A_31, %mul3A_2] : memref<16x16384xf32, #tpu.memory_space<hbm>> -> memref<1x512xf32, #tpu.memory_space<hbm>>
      %dma_start3A_58 = tpu.memref_squeeze %dma_start3A_57 : memref<1x512xf32, #tpu.memory_space<hbm>> -> memref<512xf32, #tpu.memory_space<hbm>>
      %dma_start3A_59 = tpu.memref_slice %arg6[%run_scoped3A_31, %mul3A_2] : memref<16x16384xf32, #tpu.memory_space<hbm>> -> memref<1x512xf32, #tpu.memory_space<hbm>>
      %dma_start3A_60 = tpu.memref_squeeze %dma_start3A_59 : memref<1x512xf32, #tpu.memory_space<hbm>> -> memref<512xf32, #tpu.memory_space<hbm>>
      %dma_start3A_61 = arith.constant 2048 : i32
      %dma_start3A_62 = tpu.memref_slice %arg11[%dma_start3A_61] : memref<8192xf32, #tpu.memory_space<vmem>> -> memref<512xf32, #tpu.memory_space<vmem>>
      tpu.enqueue_dma source(%dma_start3A_62 : memref<512xf32, #tpu.memory_space<vmem>>) target(%dma_start3A_60 : memref<512xf32, #tpu.memory_space<hbm>>) target_semaphore(%run_scoped3A_55 : memref<!tpu.dma_semaphore, #tpu.memory_space<semaphore_mem>>)
      %dma_wait3A = arith.constant 2048 : i32
      %dma_wait3A_63 = tpu.memref_slice %arg11[%dma_wait3A] : memref<8192xf32, #tpu.memory_space<vmem>> -> memref<512xf32, #tpu.memory_space<vmem>>
      %dma_wait3A_64 = tpu.memref_slice %arg6[%run_scoped3A_31, %mul3A_2] : memref<16x16384xf32, #tpu.memory_space<hbm>> -> memref<1x512xf32, #tpu.memory_space<hbm>>
      %dma_wait3A_65 = tpu.memref_squeeze %dma_wait3A_64 : memref<1x512xf32, #tpu.memory_space<hbm>> -> memref<512xf32, #tpu.memory_space<hbm>>
      %dma_wait3A_66 = tpu.memref_slice %arg6[%run_scoped3A_31, %mul3A_2] : memref<16x16384xf32, #tpu.memory_space<hbm>> -> memref<1x512xf32, #tpu.memory_space<hbm>>
      %dma_wait3A_67 = tpu.memref_squeeze %dma_wait3A_66 : memref<1x512xf32, #tpu.memory_space<hbm>> -> memref<512xf32, #tpu.memory_space<hbm>>
      %dma_wait3A_68 = arith.constant 2048 : i32
      %dma_wait3A_69 = tpu.memref_slice %arg11[%dma_wait3A_68] : memref<8192xf32, #tpu.memory_space<vmem>> -> memref<512xf32, #tpu.memory_space<vmem>>
      tpu.wait_dma2 semaphore(%run_scoped3A_55 : memref<!tpu.dma_semaphore, #tpu.memory_space<semaphore_mem>>) src(%dma_wait3A_69 : memref<512xf32, #tpu.memory_space<vmem>>) dst(%dma_wait3A_67 : memref<512xf32, #tpu.memory_space<hbm>>)
      tpu.yield
    }) : () -> ()
    %run_scoped3A_32 = arith.constant 4 : i32
    "tpu.region"() ({
      %run_scoped3A_55 = tpu.sem_alloc : memref<!tpu.dma_semaphore, #tpu.memory_space<semaphore_mem>>
      %dma_start3A = arith.constant 2048 : i32
      %dma_start3A_56 = tpu.memref_slice %arg8[%dma_start3A] : memref<8192xf32, #tpu.memory_space<vmem>> -> memref<512xf32, #tpu.memory_space<vmem>>
      %dma_start3A_57 = tpu.memref_slice %arg3[%run_scoped3A_32, %mul3A_2] : memref<16x16384xf32, #tpu.memory_space<hbm>> -> memref<1x512xf32, #tpu.memory_space<hbm>>
      %dma_start3A_58 = tpu.memref_squeeze %dma_start3A_57 : memref<1x512xf32, #tpu.memory_space<hbm>> -> memref<512xf32, #tpu.memory_space<hbm>>
      %dma_start3A_59 = tpu.memref_slice %arg3[%run_scoped3A_32, %mul3A_2] : memref<16x16384xf32, #tpu.memory_space<hbm>> -> memref<1x512xf32, #tpu.memory_space<hbm>>
      %dma_start3A_60 = tpu.memref_squeeze %dma_start3A_59 : memref<1x512xf32, #tpu.memory_space<hbm>> -> memref<512xf32, #tpu.memory_space<hbm>>
      %dma_start3A_61 = arith.constant 2048 : i32
      %dma_start3A_62 = tpu.memref_slice %arg8[%dma_start3A_61] : memref<8192xf32, #tpu.memory_space<vmem>> -> memref<512xf32, #tpu.memory_space<vmem>>
      tpu.enqueue_dma source(%dma_start3A_62 : memref<512xf32, #tpu.memory_space<vmem>>) target(%dma_start3A_60 : memref<512xf32, #tpu.memory_space<hbm>>) target_semaphore(%run_scoped3A_55 : memref<!tpu.dma_semaphore, #tpu.memory_space<semaphore_mem>>)
      %dma_wait3A = arith.constant 2048 : i32
      %dma_wait3A_63 = tpu.memref_slice %arg8[%dma_wait3A] : memref<8192xf32, #tpu.memory_space<vmem>> -> memref<512xf32, #tpu.memory_space<vmem>>
      %dma_wait3A_64 = tpu.memref_slice %arg3[%run_scoped3A_32, %mul3A_2] : memref<16x16384xf32, #tpu.memory_space<hbm>> -> memref<1x512xf32, #tpu.memory_space<hbm>>
      %dma_wait3A_65 = tpu.memref_squeeze %dma_wait3A_64 : memref<1x512xf32, #tpu.memory_space<hbm>> -> memref<512xf32, #tpu.memory_space<hbm>>
      %dma_wait3A_66 = tpu.memref_slice %arg3[%run_scoped3A_32, %mul3A_2] : memref<16x16384xf32, #tpu.memory_space<hbm>> -> memref<1x512xf32, #tpu.memory_space<hbm>>
      %dma_wait3A_67 = tpu.memref_squeeze %dma_wait3A_66 : memref<1x512xf32, #tpu.memory_space<hbm>> -> memref<512xf32, #tpu.memory_space<hbm>>
      %dma_wait3A_68 = arith.constant 2048 : i32
      %dma_wait3A_69 = tpu.memref_slice %arg8[%dma_wait3A_68] : memref<8192xf32, #tpu.memory_space<vmem>> -> memref<512xf32, #tpu.memory_space<vmem>>
      tpu.wait_dma2 semaphore(%run_scoped3A_55 : memref<!tpu.dma_semaphore, #tpu.memory_space<semaphore_mem>>) src(%dma_wait3A_69 : memref<512xf32, #tpu.memory_space<vmem>>) dst(%dma_wait3A_67 : memref<512xf32, #tpu.memory_space<hbm>>)
      tpu.yield
    }) : () -> ()
    %run_scoped3A_33 = arith.constant 5 : i32
    "tpu.region"() ({
      %run_scoped3A_55 = tpu.sem_alloc : memref<!tpu.dma_semaphore, #tpu.memory_space<semaphore_mem>>
      %dma_start3A = arith.constant 2560 : i32
      %dma_start3A_56 = tpu.memref_slice %arg11[%dma_start3A] : memref<8192xf32, #tpu.memory_space<vmem>> -> memref<512xf32, #tpu.memory_space<vmem>>
      %dma_start3A_57 = tpu.memref_slice %arg6[%run_scoped3A_33, %mul3A_2] : memref<16x16384xf32, #tpu.memory_space<hbm>> -> memref<1x512xf32, #tpu.memory_space<hbm>>
      %dma_start3A_58 = tpu.memref_squeeze %dma_start3A_57 : memref<1x512xf32, #tpu.memory_space<hbm>> -> memref<512xf32, #tpu.memory_space<hbm>>
      %dma_start3A_59 = tpu.memref_slice %arg6[%run_scoped3A_33, %mul3A_2] : memref<16x16384xf32, #tpu.memory_space<hbm>> -> memref<1x512xf32, #tpu.memory_space<hbm>>
      %dma_start3A_60 = tpu.memref_squeeze %dma_start3A_59 : memref<1x512xf32, #tpu.memory_space<hbm>> -> memref<512xf32, #tpu.memory_space<hbm>>
      %dma_start3A_61 = arith.constant 2560 : i32
      %dma_start3A_62 = tpu.memref_slice %arg11[%dma_start3A_61] : memref<8192xf32, #tpu.memory_space<vmem>> -> memref<512xf32, #tpu.memory_space<vmem>>
      tpu.enqueue_dma source(%dma_start3A_62 : memref<512xf32, #tpu.memory_space<vmem>>) target(%dma_start3A_60 : memref<512xf32, #tpu.memory_space<hbm>>) target_semaphore(%run_scoped3A_55 : memref<!tpu.dma_semaphore, #tpu.memory_space<semaphore_mem>>)
      %dma_wait3A = arith.constant 2560 : i32
      %dma_wait3A_63 = tpu.memref_slice %arg11[%dma_wait3A] : memref<8192xf32, #tpu.memory_space<vmem>> -> memref<512xf32, #tpu.memory_space<vmem>>
      %dma_wait3A_64 = tpu.memref_slice %arg6[%run_scoped3A_33, %mul3A_2] : memref<16x16384xf32, #tpu.memory_space<hbm>> -> memref<1x512xf32, #tpu.memory_space<hbm>>
      %dma_wait3A_65 = tpu.memref_squeeze %dma_wait3A_64 : memref<1x512xf32, #tpu.memory_space<hbm>> -> memref<512xf32, #tpu.memory_space<hbm>>
      %dma_wait3A_66 = tpu.memref_slice %arg6[%run_scoped3A_33, %mul3A_2] : memref<16x16384xf32, #tpu.memory_space<hbm>> -> memref<1x512xf32, #tpu.memory_space<hbm>>
      %dma_wait3A_67 = tpu.memref_squeeze %dma_wait3A_66 : memref<1x512xf32, #tpu.memory_space<hbm>> -> memref<512xf32, #tpu.memory_space<hbm>>
      %dma_wait3A_68 = arith.constant 2560 : i32
      %dma_wait3A_69 = tpu.memref_slice %arg11[%dma_wait3A_68] : memref<8192xf32, #tpu.memory_space<vmem>> -> memref<512xf32, #tpu.memory_space<vmem>>
      tpu.wait_dma2 semaphore(%run_scoped3A_55 : memref<!tpu.dma_semaphore, #tpu.memory_space<semaphore_mem>>) src(%dma_wait3A_69 : memref<512xf32, #tpu.memory_space<vmem>>) dst(%dma_wait3A_67 : memref<512xf32, #tpu.memory_space<hbm>>)
      tpu.yield
    }) : () -> ()
    %run_scoped3A_34 = arith.constant 5 : i32
    "tpu.region"() ({
      %run_scoped3A_55 = tpu.sem_alloc : memref<!tpu.dma_semaphore, #tpu.memory_space<semaphore_mem>>
      %dma_start3A = arith.constant 2560 : i32
      %dma_start3A_56 = tpu.memref_slice %arg8[%dma_start3A] : memref<8192xf32, #tpu.memory_space<vmem>> -> memref<512xf32, #tpu.memory_space<vmem>>
      %dma_start3A_57 = tpu.memref_slice %arg3[%run_scoped3A_34, %mul3A_2] : memref<16x16384xf32, #tpu.memory_space<hbm>> -> memref<1x512xf32, #tpu.memory_space<hbm>>
      %dma_start3A_58 = tpu.memref_squeeze %dma_start3A_57 : memref<1x512xf32, #tpu.memory_space<hbm>> -> memref<512xf32, #tpu.memory_space<hbm>>
      %dma_start3A_59 = tpu.memref_slice %arg3[%run_scoped3A_34, %mul3A_2] : memref<16x16384xf32, #tpu.memory_space<hbm>> -> memref<1x512xf32, #tpu.memory_space<hbm>>
      %dma_start3A_60 = tpu.memref_squeeze %dma_start3A_59 : memref<1x512xf32, #tpu.memory_space<hbm>> -> memref<512xf32, #tpu.memory_space<hbm>>
      %dma_start3A_61 = arith.constant 2560 : i32
      %dma_start3A_62 = tpu.memref_slice %arg8[%dma_start3A_61] : memref<8192xf32, #tpu.memory_space<vmem>> -> memref<512xf32, #tpu.memory_space<vmem>>
      tpu.enqueue_dma source(%dma_start3A_62 : memref<512xf32, #tpu.memory_space<vmem>>) target(%dma_start3A_60 : memref<512xf32, #tpu.memory_space<hbm>>) target_semaphore(%run_scoped3A_55 : memref<!tpu.dma_semaphore, #tpu.memory_space<semaphore_mem>>)
      %dma_wait3A = arith.constant 2560 : i32
      %dma_wait3A_63 = tpu.memref_slice %arg8[%dma_wait3A] : memref<8192xf32, #tpu.memory_space<vmem>> -> memref<512xf32, #tpu.memory_space<vmem>>
      %dma_wait3A_64 = tpu.memref_slice %arg3[%run_scoped3A_34, %mul3A_2] : memref<16x16384xf32, #tpu.memory_space<hbm>> -> memref<1x512xf32, #tpu.memory_space<hbm>>
      %dma_wait3A_65 = tpu.memref_squeeze %dma_wait3A_64 : memref<1x512xf32, #tpu.memory_space<hbm>> -> memref<512xf32, #tpu.memory_space<hbm>>
      %dma_wait3A_66 = tpu.memref_slice %arg3[%run_scoped3A_34, %mul3A_2] : memref<16x16384xf32, #tpu.memory_space<hbm>> -> memref<1x512xf32, #tpu.memory_space<hbm>>
      %dma_wait3A_67 = tpu.memref_squeeze %dma_wait3A_66 : memref<1x512xf32, #tpu.memory_space<hbm>> -> memref<512xf32, #tpu.memory_space<hbm>>
      %dma_wait3A_68 = arith.constant 2560 : i32
      %dma_wait3A_69 = tpu.memref_slice %arg8[%dma_wait3A_68] : memref<8192xf32, #tpu.memory_space<vmem>> -> memref<512xf32, #tpu.memory_space<vmem>>
      tpu.wait_dma2 semaphore(%run_scoped3A_55 : memref<!tpu.dma_semaphore, #tpu.memory_space<semaphore_mem>>) src(%dma_wait3A_69 : memref<512xf32, #tpu.memory_space<vmem>>) dst(%dma_wait3A_67 : memref<512xf32, #tpu.memory_space<hbm>>)
      tpu.yield
    }) : () -> ()
    %run_scoped3A_35 = arith.constant 6 : i32
    "tpu.region"() ({
      %run_scoped3A_55 = tpu.sem_alloc : memref<!tpu.dma_semaphore, #tpu.memory_space<semaphore_mem>>
      %dma_start3A = arith.constant 3072 : i32
      %dma_start3A_56 = tpu.memref_slice %arg11[%dma_start3A] : memref<8192xf32, #tpu.memory_space<vmem>> -> memref<512xf32, #tpu.memory_space<vmem>>
      %dma_start3A_57 = tpu.memref_slice %arg6[%run_scoped3A_35, %mul3A_2] : memref<16x16384xf32, #tpu.memory_space<hbm>> -> memref<1x512xf32, #tpu.memory_space<hbm>>
      %dma_start3A_58 = tpu.memref_squeeze %dma_start3A_57 : memref<1x512xf32, #tpu.memory_space<hbm>> -> memref<512xf32, #tpu.memory_space<hbm>>
      %dma_start3A_59 = tpu.memref_slice %arg6[%run_scoped3A_35, %mul3A_2] : memref<16x16384xf32, #tpu.memory_space<hbm>> -> memref<1x512xf32, #tpu.memory_space<hbm>>
      %dma_start3A_60 = tpu.memref_squeeze %dma_start3A_59 : memref<1x512xf32, #tpu.memory_space<hbm>> -> memref<512xf32, #tpu.memory_space<hbm>>
      %dma_start3A_61 = arith.constant 3072 : i32
      %dma_start3A_62 = tpu.memref_slice %arg11[%dma_start3A_61] : memref<8192xf32, #tpu.memory_space<vmem>> -> memref<512xf32, #tpu.memory_space<vmem>>
      tpu.enqueue_dma source(%dma_start3A_62 : memref<512xf32, #tpu.memory_space<vmem>>) target(%dma_start3A_60 : memref<512xf32, #tpu.memory_space<hbm>>) target_semaphore(%run_scoped3A_55 : memref<!tpu.dma_semaphore, #tpu.memory_space<semaphore_mem>>)
      %dma_wait3A = arith.constant 3072 : i32
      %dma_wait3A_63 = tpu.memref_slice %arg11[%dma_wait3A] : memref<8192xf32, #tpu.memory_space<vmem>> -> memref<512xf32, #tpu.memory_space<vmem>>
      %dma_wait3A_64 = tpu.memref_slice %arg6[%run_scoped3A_35, %mul3A_2] : memref<16x16384xf32, #tpu.memory_space<hbm>> -> memref<1x512xf32, #tpu.memory_space<hbm>>
      %dma_wait3A_65 = tpu.memref_squeeze %dma_wait3A_64 : memref<1x512xf32, #tpu.memory_space<hbm>> -> memref<512xf32, #tpu.memory_space<hbm>>
      %dma_wait3A_66 = tpu.memref_slice %arg6[%run_scoped3A_35, %mul3A_2] : memref<16x16384xf32, #tpu.memory_space<hbm>> -> memref<1x512xf32, #tpu.memory_space<hbm>>
      %dma_wait3A_67 = tpu.memref_squeeze %dma_wait3A_66 : memref<1x512xf32, #tpu.memory_space<hbm>> -> memref<512xf32, #tpu.memory_space<hbm>>
      %dma_wait3A_68 = arith.constant 3072 : i32
      %dma_wait3A_69 = tpu.memref_slice %arg11[%dma_wait3A_68] : memref<8192xf32, #tpu.memory_space<vmem>> -> memref<512xf32, #tpu.memory_space<vmem>>
      tpu.wait_dma2 semaphore(%run_scoped3A_55 : memref<!tpu.dma_semaphore, #tpu.memory_space<semaphore_mem>>) src(%dma_wait3A_69 : memref<512xf32, #tpu.memory_space<vmem>>) dst(%dma_wait3A_67 : memref<512xf32, #tpu.memory_space<hbm>>)
      tpu.yield
    }) : () -> ()
    %run_scoped3A_36 = arith.constant 6 : i32
    "tpu.region"() ({
      %run_scoped3A_55 = tpu.sem_alloc : memref<!tpu.dma_semaphore, #tpu.memory_space<semaphore_mem>>
      %dma_start3A = arith.constant 3072 : i32
      %dma_start3A_56 = tpu.memref_slice %arg8[%dma_start3A] : memref<8192xf32, #tpu.memory_space<vmem>> -> memref<512xf32, #tpu.memory_space<vmem>>
      %dma_start3A_57 = tpu.memref_slice %arg3[%run_scoped3A_36, %mul3A_2] : memref<16x16384xf32, #tpu.memory_space<hbm>> -> memref<1x512xf32, #tpu.memory_space<hbm>>
      %dma_start3A_58 = tpu.memref_squeeze %dma_start3A_57 : memref<1x512xf32, #tpu.memory_space<hbm>> -> memref<512xf32, #tpu.memory_space<hbm>>
      %dma_start3A_59 = tpu.memref_slice %arg3[%run_scoped3A_36, %mul3A_2] : memref<16x16384xf32, #tpu.memory_space<hbm>> -> memref<1x512xf32, #tpu.memory_space<hbm>>
      %dma_start3A_60 = tpu.memref_squeeze %dma_start3A_59 : memref<1x512xf32, #tpu.memory_space<hbm>> -> memref<512xf32, #tpu.memory_space<hbm>>
      %dma_start3A_61 = arith.constant 3072 : i32
      %dma_start3A_62 = tpu.memref_slice %arg8[%dma_start3A_61] : memref<8192xf32, #tpu.memory_space<vmem>> -> memref<512xf32, #tpu.memory_space<vmem>>
      tpu.enqueue_dma source(%dma_start3A_62 : memref<512xf32, #tpu.memory_space<vmem>>) target(%dma_start3A_60 : memref<512xf32, #tpu.memory_space<hbm>>) target_semaphore(%run_scoped3A_55 : memref<!tpu.dma_semaphore, #tpu.memory_space<semaphore_mem>>)
      %dma_wait3A = arith.constant 3072 : i32
      %dma_wait3A_63 = tpu.memref_slice %arg8[%dma_wait3A] : memref<8192xf32, #tpu.memory_space<vmem>> -> memref<512xf32, #tpu.memory_space<vmem>>
      %dma_wait3A_64 = tpu.memref_slice %arg3[%run_scoped3A_36, %mul3A_2] : memref<16x16384xf32, #tpu.memory_space<hbm>> -> memref<1x512xf32, #tpu.memory_space<hbm>>
      %dma_wait3A_65 = tpu.memref_squeeze %dma_wait3A_64 : memref<1x512xf32, #tpu.memory_space<hbm>> -> memref<512xf32, #tpu.memory_space<hbm>>
      %dma_wait3A_66 = tpu.memref_slice %arg3[%run_scoped3A_36, %mul3A_2] : memref<16x16384xf32, #tpu.memory_space<hbm>> -> memref<1x512xf32, #tpu.memory_space<hbm>>
      %dma_wait3A_67 = tpu.memref_squeeze %dma_wait3A_66 : memref<1x512xf32, #tpu.memory_space<hbm>> -> memref<512xf32, #tpu.memory_space<hbm>>
      %dma_wait3A_68 = arith.constant 3072 : i32
      %dma_wait3A_69 = tpu.memref_slice %arg8[%dma_wait3A_68] : memref<8192xf32, #tpu.memory_space<vmem>> -> memref<512xf32, #tpu.memory_space<vmem>>
      tpu.wait_dma2 semaphore(%run_scoped3A_55 : memref<!tpu.dma_semaphore, #tpu.memory_space<semaphore_mem>>) src(%dma_wait3A_69 : memref<512xf32, #tpu.memory_space<vmem>>) dst(%dma_wait3A_67 : memref<512xf32, #tpu.memory_space<hbm>>)
      tpu.yield
    }) : () -> ()
    %run_scoped3A_37 = arith.constant 7 : i32
    "tpu.region"() ({
      %run_scoped3A_55 = tpu.sem_alloc : memref<!tpu.dma_semaphore, #tpu.memory_space<semaphore_mem>>
      %dma_start3A = arith.constant 3584 : i32
      %dma_start3A_56 = tpu.memref_slice %arg11[%dma_start3A] : memref<8192xf32, #tpu.memory_space<vmem>> -> memref<512xf32, #tpu.memory_space<vmem>>
      %dma_start3A_57 = tpu.memref_slice %arg6[%run_scoped3A_37, %mul3A_2] : memref<16x16384xf32, #tpu.memory_space<hbm>> -> memref<1x512xf32, #tpu.memory_space<hbm>>
      %dma_start3A_58 = tpu.memref_squeeze %dma_start3A_57 : memref<1x512xf32, #tpu.memory_space<hbm>> -> memref<512xf32, #tpu.memory_space<hbm>>
      %dma_start3A_59 = tpu.memref_slice %arg6[%run_scoped3A_37, %mul3A_2] : memref<16x16384xf32, #tpu.memory_space<hbm>> -> memref<1x512xf32, #tpu.memory_space<hbm>>
      %dma_start3A_60 = tpu.memref_squeeze %dma_start3A_59 : memref<1x512xf32, #tpu.memory_space<hbm>> -> memref<512xf32, #tpu.memory_space<hbm>>
      %dma_start3A_61 = arith.constant 3584 : i32
      %dma_start3A_62 = tpu.memref_slice %arg11[%dma_start3A_61] : memref<8192xf32, #tpu.memory_space<vmem>> -> memref<512xf32, #tpu.memory_space<vmem>>
      tpu.enqueue_dma source(%dma_start3A_62 : memref<512xf32, #tpu.memory_space<vmem>>) target(%dma_start3A_60 : memref<512xf32, #tpu.memory_space<hbm>>) target_semaphore(%run_scoped3A_55 : memref<!tpu.dma_semaphore, #tpu.memory_space<semaphore_mem>>)
      %dma_wait3A = arith.constant 3584 : i32
      %dma_wait3A_63 = tpu.memref_slice %arg11[%dma_wait3A] : memref<8192xf32, #tpu.memory_space<vmem>> -> memref<512xf32, #tpu.memory_space<vmem>>
      %dma_wait3A_64 = tpu.memref_slice %arg6[%run_scoped3A_37, %mul3A_2] : memref<16x16384xf32, #tpu.memory_space<hbm>> -> memref<1x512xf32, #tpu.memory_space<hbm>>
      %dma_wait3A_65 = tpu.memref_squeeze %dma_wait3A_64 : memref<1x512xf32, #tpu.memory_space<hbm>> -> memref<512xf32, #tpu.memory_space<hbm>>
      %dma_wait3A_66 = tpu.memref_slice %arg6[%run_scoped3A_37, %mul3A_2] : memref<16x16384xf32, #tpu.memory_space<hbm>> -> memref<1x512xf32, #tpu.memory_space<hbm>>
      %dma_wait3A_67 = tpu.memref_squeeze %dma_wait3A_66 : memref<1x512xf32, #tpu.memory_space<hbm>> -> memref<512xf32, #tpu.memory_space<hbm>>
      %dma_wait3A_68 = arith.constant 3584 : i32
      %dma_wait3A_69 = tpu.memref_slice %arg11[%dma_wait3A_68] : memref<8192xf32, #tpu.memory_space<vmem>> -> memref<512xf32, #tpu.memory_space<vmem>>
      tpu.wait_dma2 semaphore(%run_scoped3A_55 : memref<!tpu.dma_semaphore, #tpu.memory_space<semaphore_mem>>) src(%dma_wait3A_69 : memref<512xf32, #tpu.memory_space<vmem>>) dst(%dma_wait3A_67 : memref<512xf32, #tpu.memory_space<hbm>>)
      tpu.yield
    }) : () -> ()
    %run_scoped3A_38 = arith.constant 7 : i32
    "tpu.region"() ({
      %run_scoped3A_55 = tpu.sem_alloc : memref<!tpu.dma_semaphore, #tpu.memory_space<semaphore_mem>>
      %dma_start3A = arith.constant 3584 : i32
      %dma_start3A_56 = tpu.memref_slice %arg8[%dma_start3A] : memref<8192xf32, #tpu.memory_space<vmem>> -> memref<512xf32, #tpu.memory_space<vmem>>
      %dma_start3A_57 = tpu.memref_slice %arg3[%run_scoped3A_38, %mul3A_2] : memref<16x16384xf32, #tpu.memory_space<hbm>> -> memref<1x512xf32, #tpu.memory_space<hbm>>
      %dma_start3A_58 = tpu.memref_squeeze %dma_start3A_57 : memref<1x512xf32, #tpu.memory_space<hbm>> -> memref<512xf32, #tpu.memory_space<hbm>>
      %dma_start3A_59 = tpu.memref_slice %arg3[%run_scoped3A_38, %mul3A_2] : memref<16x16384xf32, #tpu.memory_space<hbm>> -> memref<1x512xf32, #tpu.memory_space<hbm>>
      %dma_start3A_60 = tpu.memref_squeeze %dma_start3A_59 : memref<1x512xf32, #tpu.memory_space<hbm>> -> memref<512xf32, #tpu.memory_space<hbm>>
      %dma_start3A_61 = arith.constant 3584 : i32
      %dma_start3A_62 = tpu.memref_slice %arg8[%dma_start3A_61] : memref<8192xf32, #tpu.memory_space<vmem>> -> memref<512xf32, #tpu.memory_space<vmem>>
      tpu.enqueue_dma source(%dma_start3A_62 : memref<512xf32, #tpu.memory_space<vmem>>) target(%dma_start3A_60 : memref<512xf32, #tpu.memory_space<hbm>>) target_semaphore(%run_scoped3A_55 : memref<!tpu.dma_semaphore, #tpu.memory_space<semaphore_mem>>)
      %dma_wait3A = arith.constant 3584 : i32
      %dma_wait3A_63 = tpu.memref_slice %arg8[%dma_wait3A] : memref<8192xf32, #tpu.memory_space<vmem>> -> memref<512xf32, #tpu.memory_space<vmem>>
      %dma_wait3A_64 = tpu.memref_slice %arg3[%run_scoped3A_38, %mul3A_2] : memref<16x16384xf32, #tpu.memory_space<hbm>> -> memref<1x512xf32, #tpu.memory_space<hbm>>
      %dma_wait3A_65 = tpu.memref_squeeze %dma_wait3A_64 : memref<1x512xf32, #tpu.memory_space<hbm>> -> memref<512xf32, #tpu.memory_space<hbm>>
      %dma_wait3A_66 = tpu.memref_slice %arg3[%run_scoped3A_38, %mul3A_2] : memref<16x16384xf32, #tpu.memory_space<hbm>> -> memref<1x512xf32, #tpu.memory_space<hbm>>
      %dma_wait3A_67 = tpu.memref_squeeze %dma_wait3A_66 : memref<1x512xf32, #tpu.memory_space<hbm>> -> memref<512xf32, #tpu.memory_space<hbm>>
      %dma_wait3A_68 = arith.constant 3584 : i32
      %dma_wait3A_69 = tpu.memref_slice %arg8[%dma_wait3A_68] : memref<8192xf32, #tpu.memory_space<vmem>> -> memref<512xf32, #tpu.memory_space<vmem>>
      tpu.wait_dma2 semaphore(%run_scoped3A_55 : memref<!tpu.dma_semaphore, #tpu.memory_space<semaphore_mem>>) src(%dma_wait3A_69 : memref<512xf32, #tpu.memory_space<vmem>>) dst(%dma_wait3A_67 : memref<512xf32, #tpu.memory_space<hbm>>)
      tpu.yield
    }) : () -> ()
    %run_scoped3A_39 = arith.constant 8 : i32
    "tpu.region"() ({
      %run_scoped3A_55 = tpu.sem_alloc : memref<!tpu.dma_semaphore, #tpu.memory_space<semaphore_mem>>
      %dma_start3A = arith.constant 4096 : i32
      %dma_start3A_56 = tpu.memref_slice %arg11[%dma_start3A] : memref<8192xf32, #tpu.memory_space<vmem>> -> memref<512xf32, #tpu.memory_space<vmem>>
      %dma_start3A_57 = tpu.memref_slice %arg6[%run_scoped3A_39, %mul3A_2] : memref<16x16384xf32, #tpu.memory_space<hbm>> -> memref<1x512xf32, #tpu.memory_space<hbm>>
      %dma_start3A_58 = tpu.memref_squeeze %dma_start3A_57 : memref<1x512xf32, #tpu.memory_space<hbm>> -> memref<512xf32, #tpu.memory_space<hbm>>
      %dma_start3A_59 = tpu.memref_slice %arg6[%run_scoped3A_39, %mul3A_2] : memref<16x16384xf32, #tpu.memory_space<hbm>> -> memref<1x512xf32, #tpu.memory_space<hbm>>
      %dma_start3A_60 = tpu.memref_squeeze %dma_start3A_59 : memref<1x512xf32, #tpu.memory_space<hbm>> -> memref<512xf32, #tpu.memory_space<hbm>>
      %dma_start3A_61 = arith.constant 4096 : i32
      %dma_start3A_62 = tpu.memref_slice %arg11[%dma_start3A_61] : memref<8192xf32, #tpu.memory_space<vmem>> -> memref<512xf32, #tpu.memory_space<vmem>>
      tpu.enqueue_dma source(%dma_start3A_62 : memref<512xf32, #tpu.memory_space<vmem>>) target(%dma_start3A_60 : memref<512xf32, #tpu.memory_space<hbm>>) target_semaphore(%run_scoped3A_55 : memref<!tpu.dma_semaphore, #tpu.memory_space<semaphore_mem>>)
      %dma_wait3A = arith.constant 4096 : i32
      %dma_wait3A_63 = tpu.memref_slice %arg11[%dma_wait3A] : memref<8192xf32, #tpu.memory_space<vmem>> -> memref<512xf32, #tpu.memory_space<vmem>>
      %dma_wait3A_64 = tpu.memref_slice %arg6[%run_scoped3A_39, %mul3A_2] : memref<16x16384xf32, #tpu.memory_space<hbm>> -> memref<1x512xf32, #tpu.memory_space<hbm>>
      %dma_wait3A_65 = tpu.memref_squeeze %dma_wait3A_64 : memref<1x512xf32, #tpu.memory_space<hbm>> -> memref<512xf32, #tpu.memory_space<hbm>>
      %dma_wait3A_66 = tpu.memref_slice %arg6[%run_scoped3A_39, %mul3A_2] : memref<16x16384xf32, #tpu.memory_space<hbm>> -> memref<1x512xf32, #tpu.memory_space<hbm>>
      %dma_wait3A_67 = tpu.memref_squeeze %dma_wait3A_66 : memref<1x512xf32, #tpu.memory_space<hbm>> -> memref<512xf32, #tpu.memory_space<hbm>>
      %dma_wait3A_68 = arith.constant 4096 : i32
      %dma_wait3A_69 = tpu.memref_slice %arg11[%dma_wait3A_68] : memref<8192xf32, #tpu.memory_space<vmem>> -> memref<512xf32, #tpu.memory_space<vmem>>
      tpu.wait_dma2 semaphore(%run_scoped3A_55 : memref<!tpu.dma_semaphore, #tpu.memory_space<semaphore_mem>>) src(%dma_wait3A_69 : memref<512xf32, #tpu.memory_space<vmem>>) dst(%dma_wait3A_67 : memref<512xf32, #tpu.memory_space<hbm>>)
      tpu.yield
    }) : () -> ()
    %run_scoped3A_40 = arith.constant 8 : i32
    "tpu.region"() ({
      %run_scoped3A_55 = tpu.sem_alloc : memref<!tpu.dma_semaphore, #tpu.memory_space<semaphore_mem>>
      %dma_start3A = arith.constant 4096 : i32
      %dma_start3A_56 = tpu.memref_slice %arg8[%dma_start3A] : memref<8192xf32, #tpu.memory_space<vmem>> -> memref<512xf32, #tpu.memory_space<vmem>>
      %dma_start3A_57 = tpu.memref_slice %arg3[%run_scoped3A_40, %mul3A_2] : memref<16x16384xf32, #tpu.memory_space<hbm>> -> memref<1x512xf32, #tpu.memory_space<hbm>>
      %dma_start3A_58 = tpu.memref_squeeze %dma_start3A_57 : memref<1x512xf32, #tpu.memory_space<hbm>> -> memref<512xf32, #tpu.memory_space<hbm>>
      %dma_start3A_59 = tpu.memref_slice %arg3[%run_scoped3A_40, %mul3A_2] : memref<16x16384xf32, #tpu.memory_space<hbm>> -> memref<1x512xf32, #tpu.memory_space<hbm>>
      %dma_start3A_60 = tpu.memref_squeeze %dma_start3A_59 : memref<1x512xf32, #tpu.memory_space<hbm>> -> memref<512xf32, #tpu.memory_space<hbm>>
      %dma_start3A_61 = arith.constant 4096 : i32
      %dma_start3A_62 = tpu.memref_slice %arg8[%dma_start3A_61] : memref<8192xf32, #tpu.memory_space<vmem>> -> memref<512xf32, #tpu.memory_space<vmem>>
      tpu.enqueue_dma source(%dma_start3A_62 : memref<512xf32, #tpu.memory_space<vmem>>) target(%dma_start3A_60 : memref<512xf32, #tpu.memory_space<hbm>>) target_semaphore(%run_scoped3A_55 : memref<!tpu.dma_semaphore, #tpu.memory_space<semaphore_mem>>)
      %dma_wait3A = arith.constant 4096 : i32
      %dma_wait3A_63 = tpu.memref_slice %arg8[%dma_wait3A] : memref<8192xf32, #tpu.memory_space<vmem>> -> memref<512xf32, #tpu.memory_space<vmem>>
      %dma_wait3A_64 = tpu.memref_slice %arg3[%run_scoped3A_40, %mul3A_2] : memref<16x16384xf32, #tpu.memory_space<hbm>> -> memref<1x512xf32, #tpu.memory_space<hbm>>
      %dma_wait3A_65 = tpu.memref_squeeze %dma_wait3A_64 : memref<1x512xf32, #tpu.memory_space<hbm>> -> memref<512xf32, #tpu.memory_space<hbm>>
      %dma_wait3A_66 = tpu.memref_slice %arg3[%run_scoped3A_40, %mul3A_2] : memref<16x16384xf32, #tpu.memory_space<hbm>> -> memref<1x512xf32, #tpu.memory_space<hbm>>
      %dma_wait3A_67 = tpu.memref_squeeze %dma_wait3A_66 : memref<1x512xf32, #tpu.memory_space<hbm>> -> memref<512xf32, #tpu.memory_space<hbm>>
      %dma_wait3A_68 = arith.constant 4096 : i32
      %dma_wait3A_69 = tpu.memref_slice %arg8[%dma_wait3A_68] : memref<8192xf32, #tpu.memory_space<vmem>> -> memref<512xf32, #tpu.memory_space<vmem>>
      tpu.wait_dma2 semaphore(%run_scoped3A_55 : memref<!tpu.dma_semaphore, #tpu.memory_space<semaphore_mem>>) src(%dma_wait3A_69 : memref<512xf32, #tpu.memory_space<vmem>>) dst(%dma_wait3A_67 : memref<512xf32, #tpu.memory_space<hbm>>)
      tpu.yield
    }) : () -> ()
    %run_scoped3A_41 = arith.constant 9 : i32
    "tpu.region"() ({
      %run_scoped3A_55 = tpu.sem_alloc : memref<!tpu.dma_semaphore, #tpu.memory_space<semaphore_mem>>
      %dma_start3A = arith.constant 4608 : i32
      %dma_start3A_56 = tpu.memref_slice %arg11[%dma_start3A] : memref<8192xf32, #tpu.memory_space<vmem>> -> memref<512xf32, #tpu.memory_space<vmem>>
      %dma_start3A_57 = tpu.memref_slice %arg6[%run_scoped3A_41, %mul3A_2] : memref<16x16384xf32, #tpu.memory_space<hbm>> -> memref<1x512xf32, #tpu.memory_space<hbm>>
      %dma_start3A_58 = tpu.memref_squeeze %dma_start3A_57 : memref<1x512xf32, #tpu.memory_space<hbm>> -> memref<512xf32, #tpu.memory_space<hbm>>
      %dma_start3A_59 = tpu.memref_slice %arg6[%run_scoped3A_41, %mul3A_2] : memref<16x16384xf32, #tpu.memory_space<hbm>> -> memref<1x512xf32, #tpu.memory_space<hbm>>
      %dma_start3A_60 = tpu.memref_squeeze %dma_start3A_59 : memref<1x512xf32, #tpu.memory_space<hbm>> -> memref<512xf32, #tpu.memory_space<hbm>>
      %dma_start3A_61 = arith.constant 4608 : i32
      %dma_start3A_62 = tpu.memref_slice %arg11[%dma_start3A_61] : memref<8192xf32, #tpu.memory_space<vmem>> -> memref<512xf32, #tpu.memory_space<vmem>>
      tpu.enqueue_dma source(%dma_start3A_62 : memref<512xf32, #tpu.memory_space<vmem>>) target(%dma_start3A_60 : memref<512xf32, #tpu.memory_space<hbm>>) target_semaphore(%run_scoped3A_55 : memref<!tpu.dma_semaphore, #tpu.memory_space<semaphore_mem>>)
      %dma_wait3A = arith.constant 4608 : i32
      %dma_wait3A_63 = tpu.memref_slice %arg11[%dma_wait3A] : memref<8192xf32, #tpu.memory_space<vmem>> -> memref<512xf32, #tpu.memory_space<vmem>>
      %dma_wait3A_64 = tpu.memref_slice %arg6[%run_scoped3A_41, %mul3A_2] : memref<16x16384xf32, #tpu.memory_space<hbm>> -> memref<1x512xf32, #tpu.memory_space<hbm>>
      %dma_wait3A_65 = tpu.memref_squeeze %dma_wait3A_64 : memref<1x512xf32, #tpu.memory_space<hbm>> -> memref<512xf32, #tpu.memory_space<hbm>>
      %dma_wait3A_66 = tpu.memref_slice %arg6[%run_scoped3A_41, %mul3A_2] : memref<16x16384xf32, #tpu.memory_space<hbm>> -> memref<1x512xf32, #tpu.memory_space<hbm>>
      %dma_wait3A_67 = tpu.memref_squeeze %dma_wait3A_66 : memref<1x512xf32, #tpu.memory_space<hbm>> -> memref<512xf32, #tpu.memory_space<hbm>>
      %dma_wait3A_68 = arith.constant 4608 : i32
      %dma_wait3A_69 = tpu.memref_slice %arg11[%dma_wait3A_68] : memref<8192xf32, #tpu.memory_space<vmem>> -> memref<512xf32, #tpu.memory_space<vmem>>
      tpu.wait_dma2 semaphore(%run_scoped3A_55 : memref<!tpu.dma_semaphore, #tpu.memory_space<semaphore_mem>>) src(%dma_wait3A_69 : memref<512xf32, #tpu.memory_space<vmem>>) dst(%dma_wait3A_67 : memref<512xf32, #tpu.memory_space<hbm>>)
      tpu.yield
    }) : () -> ()
    %run_scoped3A_42 = arith.constant 9 : i32
    "tpu.region"() ({
      %run_scoped3A_55 = tpu.sem_alloc : memref<!tpu.dma_semaphore, #tpu.memory_space<semaphore_mem>>
      %dma_start3A = arith.constant 4608 : i32
      %dma_start3A_56 = tpu.memref_slice %arg8[%dma_start3A] : memref<8192xf32, #tpu.memory_space<vmem>> -> memref<512xf32, #tpu.memory_space<vmem>>
      %dma_start3A_57 = tpu.memref_slice %arg3[%run_scoped3A_42, %mul3A_2] : memref<16x16384xf32, #tpu.memory_space<hbm>> -> memref<1x512xf32, #tpu.memory_space<hbm>>
      %dma_start3A_58 = tpu.memref_squeeze %dma_start3A_57 : memref<1x512xf32, #tpu.memory_space<hbm>> -> memref<512xf32, #tpu.memory_space<hbm>>
      %dma_start3A_59 = tpu.memref_slice %arg3[%run_scoped3A_42, %mul3A_2] : memref<16x16384xf32, #tpu.memory_space<hbm>> -> memref<1x512xf32, #tpu.memory_space<hbm>>
      %dma_start3A_60 = tpu.memref_squeeze %dma_start3A_59 : memref<1x512xf32, #tpu.memory_space<hbm>> -> memref<512xf32, #tpu.memory_space<hbm>>
      %dma_start3A_61 = arith.constant 4608 : i32
      %dma_start3A_62 = tpu.memref_slice %arg8[%dma_start3A_61] : memref<8192xf32, #tpu.memory_space<vmem>> -> memref<512xf32, #tpu.memory_space<vmem>>
      tpu.enqueue_dma source(%dma_start3A_62 : memref<512xf32, #tpu.memory_space<vmem>>) target(%dma_start3A_60 : memref<512xf32, #tpu.memory_space<hbm>>) target_semaphore(%run_scoped3A_55 : memref<!tpu.dma_semaphore, #tpu.memory_space<semaphore_mem>>)
      %dma_wait3A = arith.constant 4608 : i32
      %dma_wait3A_63 = tpu.memref_slice %arg8[%dma_wait3A] : memref<8192xf32, #tpu.memory_space<vmem>> -> memref<512xf32, #tpu.memory_space<vmem>>
      %dma_wait3A_64 = tpu.memref_slice %arg3[%run_scoped3A_42, %mul3A_2] : memref<16x16384xf32, #tpu.memory_space<hbm>> -> memref<1x512xf32, #tpu.memory_space<hbm>>
      %dma_wait3A_65 = tpu.memref_squeeze %dma_wait3A_64 : memref<1x512xf32, #tpu.memory_space<hbm>> -> memref<512xf32, #tpu.memory_space<hbm>>
      %dma_wait3A_66 = tpu.memref_slice %arg3[%run_scoped3A_42, %mul3A_2] : memref<16x16384xf32, #tpu.memory_space<hbm>> -> memref<1x512xf32, #tpu.memory_space<hbm>>
      %dma_wait3A_67 = tpu.memref_squeeze %dma_wait3A_66 : memref<1x512xf32, #tpu.memory_space<hbm>> -> memref<512xf32, #tpu.memory_space<hbm>>
      %dma_wait3A_68 = arith.constant 4608 : i32
      %dma_wait3A_69 = tpu.memref_slice %arg8[%dma_wait3A_68] : memref<8192xf32, #tpu.memory_space<vmem>> -> memref<512xf32, #tpu.memory_space<vmem>>
      tpu.wait_dma2 semaphore(%run_scoped3A_55 : memref<!tpu.dma_semaphore, #tpu.memory_space<semaphore_mem>>) src(%dma_wait3A_69 : memref<512xf32, #tpu.memory_space<vmem>>) dst(%dma_wait3A_67 : memref<512xf32, #tpu.memory_space<hbm>>)
      tpu.yield
    }) : () -> ()
    %run_scoped3A_43 = arith.constant 10 : i32
    "tpu.region"() ({
      %run_scoped3A_55 = tpu.sem_alloc : memref<!tpu.dma_semaphore, #tpu.memory_space<semaphore_mem>>
      %dma_start3A = arith.constant 5120 : i32
      %dma_start3A_56 = tpu.memref_slice %arg11[%dma_start3A] : memref<8192xf32, #tpu.memory_space<vmem>> -> memref<512xf32, #tpu.memory_space<vmem>>
      %dma_start3A_57 = tpu.memref_slice %arg6[%run_scoped3A_43, %mul3A_2] : memref<16x16384xf32, #tpu.memory_space<hbm>> -> memref<1x512xf32, #tpu.memory_space<hbm>>
      %dma_start3A_58 = tpu.memref_squeeze %dma_start3A_57 : memref<1x512xf32, #tpu.memory_space<hbm>> -> memref<512xf32, #tpu.memory_space<hbm>>
      %dma_start3A_59 = tpu.memref_slice %arg6[%run_scoped3A_43, %mul3A_2] : memref<16x16384xf32, #tpu.memory_space<hbm>> -> memref<1x512xf32, #tpu.memory_space<hbm>>
      %dma_start3A_60 = tpu.memref_squeeze %dma_start3A_59 : memref<1x512xf32, #tpu.memory_space<hbm>> -> memref<512xf32, #tpu.memory_space<hbm>>
      %dma_start3A_61 = arith.constant 5120 : i32
      %dma_start3A_62 = tpu.memref_slice %arg11[%dma_start3A_61] : memref<8192xf32, #tpu.memory_space<vmem>> -> memref<512xf32, #tpu.memory_space<vmem>>
      tpu.enqueue_dma source(%dma_start3A_62 : memref<512xf32, #tpu.memory_space<vmem>>) target(%dma_start3A_60 : memref<512xf32, #tpu.memory_space<hbm>>) target_semaphore(%run_scoped3A_55 : memref<!tpu.dma_semaphore, #tpu.memory_space<semaphore_mem>>)
      %dma_wait3A = arith.constant 5120 : i32
      %dma_wait3A_63 = tpu.memref_slice %arg11[%dma_wait3A] : memref<8192xf32, #tpu.memory_space<vmem>> -> memref<512xf32, #tpu.memory_space<vmem>>
      %dma_wait3A_64 = tpu.memref_slice %arg6[%run_scoped3A_43, %mul3A_2] : memref<16x16384xf32, #tpu.memory_space<hbm>> -> memref<1x512xf32, #tpu.memory_space<hbm>>
      %dma_wait3A_65 = tpu.memref_squeeze %dma_wait3A_64 : memref<1x512xf32, #tpu.memory_space<hbm>> -> memref<512xf32, #tpu.memory_space<hbm>>
      %dma_wait3A_66 = tpu.memref_slice %arg6[%run_scoped3A_43, %mul3A_2] : memref<16x16384xf32, #tpu.memory_space<hbm>> -> memref<1x512xf32, #tpu.memory_space<hbm>>
      %dma_wait3A_67 = tpu.memref_squeeze %dma_wait3A_66 : memref<1x512xf32, #tpu.memory_space<hbm>> -> memref<512xf32, #tpu.memory_space<hbm>>
      %dma_wait3A_68 = arith.constant 5120 : i32
      %dma_wait3A_69 = tpu.memref_slice %arg11[%dma_wait3A_68] : memref<8192xf32, #tpu.memory_space<vmem>> -> memref<512xf32, #tpu.memory_space<vmem>>
      tpu.wait_dma2 semaphore(%run_scoped3A_55 : memref<!tpu.dma_semaphore, #tpu.memory_space<semaphore_mem>>) src(%dma_wait3A_69 : memref<512xf32, #tpu.memory_space<vmem>>) dst(%dma_wait3A_67 : memref<512xf32, #tpu.memory_space<hbm>>)
      tpu.yield
    }) : () -> ()
    %run_scoped3A_44 = arith.constant 10 : i32
    "tpu.region"() ({
      %run_scoped3A_55 = tpu.sem_alloc : memref<!tpu.dma_semaphore, #tpu.memory_space<semaphore_mem>>
      %dma_start3A = arith.constant 5120 : i32
      %dma_start3A_56 = tpu.memref_slice %arg8[%dma_start3A] : memref<8192xf32, #tpu.memory_space<vmem>> -> memref<512xf32, #tpu.memory_space<vmem>>
      %dma_start3A_57 = tpu.memref_slice %arg3[%run_scoped3A_44, %mul3A_2] : memref<16x16384xf32, #tpu.memory_space<hbm>> -> memref<1x512xf32, #tpu.memory_space<hbm>>
      %dma_start3A_58 = tpu.memref_squeeze %dma_start3A_57 : memref<1x512xf32, #tpu.memory_space<hbm>> -> memref<512xf32, #tpu.memory_space<hbm>>
      %dma_start3A_59 = tpu.memref_slice %arg3[%run_scoped3A_44, %mul3A_2] : memref<16x16384xf32, #tpu.memory_space<hbm>> -> memref<1x512xf32, #tpu.memory_space<hbm>>
      %dma_start3A_60 = tpu.memref_squeeze %dma_start3A_59 : memref<1x512xf32, #tpu.memory_space<hbm>> -> memref<512xf32, #tpu.memory_space<hbm>>
      %dma_start3A_61 = arith.constant 5120 : i32
      %dma_start3A_62 = tpu.memref_slice %arg8[%dma_start3A_61] : memref<8192xf32, #tpu.memory_space<vmem>> -> memref<512xf32, #tpu.memory_space<vmem>>
      tpu.enqueue_dma source(%dma_start3A_62 : memref<512xf32, #tpu.memory_space<vmem>>) target(%dma_start3A_60 : memref<512xf32, #tpu.memory_space<hbm>>) target_semaphore(%run_scoped3A_55 : memref<!tpu.dma_semaphore, #tpu.memory_space<semaphore_mem>>)
      %dma_wait3A = arith.constant 5120 : i32
      %dma_wait3A_63 = tpu.memref_slice %arg8[%dma_wait3A] : memref<8192xf32, #tpu.memory_space<vmem>> -> memref<512xf32, #tpu.memory_space<vmem>>
      %dma_wait3A_64 = tpu.memref_slice %arg3[%run_scoped3A_44, %mul3A_2] : memref<16x16384xf32, #tpu.memory_space<hbm>> -> memref<1x512xf32, #tpu.memory_space<hbm>>
      %dma_wait3A_65 = tpu.memref_squeeze %dma_wait3A_64 : memref<1x512xf32, #tpu.memory_space<hbm>> -> memref<512xf32, #tpu.memory_space<hbm>>
      %dma_wait3A_66 = tpu.memref_slice %arg3[%run_scoped3A_44, %mul3A_2] : memref<16x16384xf32, #tpu.memory_space<hbm>> -> memref<1x512xf32, #tpu.memory_space<hbm>>
      %dma_wait3A_67 = tpu.memref_squeeze %dma_wait3A_66 : memref<1x512xf32, #tpu.memory_space<hbm>> -> memref<512xf32, #tpu.memory_space<hbm>>
      %dma_wait3A_68 = arith.constant 5120 : i32
      %dma_wait3A_69 = tpu.memref_slice %arg8[%dma_wait3A_68] : memref<8192xf32, #tpu.memory_space<vmem>> -> memref<512xf32, #tpu.memory_space<vmem>>
      tpu.wait_dma2 semaphore(%run_scoped3A_55 : memref<!tpu.dma_semaphore, #tpu.memory_space<semaphore_mem>>) src(%dma_wait3A_69 : memref<512xf32, #tpu.memory_space<vmem>>) dst(%dma_wait3A_67 : memref<512xf32, #tpu.memory_space<hbm>>)
      tpu.yield
    }) : () -> ()
    %run_scoped3A_45 = arith.constant 11 : i32
    "tpu.region"() ({
      %run_scoped3A_55 = tpu.sem_alloc : memref<!tpu.dma_semaphore, #tpu.memory_space<semaphore_mem>>
      %dma_start3A = arith.constant 5632 : i32
      %dma_start3A_56 = tpu.memref_slice %arg11[%dma_start3A] : memref<8192xf32, #tpu.memory_space<vmem>> -> memref<512xf32, #tpu.memory_space<vmem>>
      %dma_start3A_57 = tpu.memref_slice %arg6[%run_scoped3A_45, %mul3A_2] : memref<16x16384xf32, #tpu.memory_space<hbm>> -> memref<1x512xf32, #tpu.memory_space<hbm>>
      %dma_start3A_58 = tpu.memref_squeeze %dma_start3A_57 : memref<1x512xf32, #tpu.memory_space<hbm>> -> memref<512xf32, #tpu.memory_space<hbm>>
      %dma_start3A_59 = tpu.memref_slice %arg6[%run_scoped3A_45, %mul3A_2] : memref<16x16384xf32, #tpu.memory_space<hbm>> -> memref<1x512xf32, #tpu.memory_space<hbm>>
      %dma_start3A_60 = tpu.memref_squeeze %dma_start3A_59 : memref<1x512xf32, #tpu.memory_space<hbm>> -> memref<512xf32, #tpu.memory_space<hbm>>
      %dma_start3A_61 = arith.constant 5632 : i32
      %dma_start3A_62 = tpu.memref_slice %arg11[%dma_start3A_61] : memref<8192xf32, #tpu.memory_space<vmem>> -> memref<512xf32, #tpu.memory_space<vmem>>
      tpu.enqueue_dma source(%dma_start3A_62 : memref<512xf32, #tpu.memory_space<vmem>>) target(%dma_start3A_60 : memref<512xf32, #tpu.memory_space<hbm>>) target_semaphore(%run_scoped3A_55 : memref<!tpu.dma_semaphore, #tpu.memory_space<semaphore_mem>>)
      %dma_wait3A = arith.constant 5632 : i32
      %dma_wait3A_63 = tpu.memref_slice %arg11[%dma_wait3A] : memref<8192xf32, #tpu.memory_space<vmem>> -> memref<512xf32, #tpu.memory_space<vmem>>
      %dma_wait3A_64 = tpu.memref_slice %arg6[%run_scoped3A_45, %mul3A_2] : memref<16x16384xf32, #tpu.memory_space<hbm>> -> memref<1x512xf32, #tpu.memory_space<hbm>>
      %dma_wait3A_65 = tpu.memref_squeeze %dma_wait3A_64 : memref<1x512xf32, #tpu.memory_space<hbm>> -> memref<512xf32, #tpu.memory_space<hbm>>
      %dma_wait3A_66 = tpu.memref_slice %arg6[%run_scoped3A_45, %mul3A_2] : memref<16x16384xf32, #tpu.memory_space<hbm>> -> memref<1x512xf32, #tpu.memory_space<hbm>>
      %dma_wait3A_67 = tpu.memref_squeeze %dma_wait3A_66 : memref<1x512xf32, #tpu.memory_space<hbm>> -> memref<512xf32, #tpu.memory_space<hbm>>
      %dma_wait3A_68 = arith.constant 5632 : i32
      %dma_wait3A_69 = tpu.memref_slice %arg11[%dma_wait3A_68] : memref<8192xf32, #tpu.memory_space<vmem>> -> memref<512xf32, #tpu.memory_space<vmem>>
      tpu.wait_dma2 semaphore(%run_scoped3A_55 : memref<!tpu.dma_semaphore, #tpu.memory_space<semaphore_mem>>) src(%dma_wait3A_69 : memref<512xf32, #tpu.memory_space<vmem>>) dst(%dma_wait3A_67 : memref<512xf32, #tpu.memory_space<hbm>>)
      tpu.yield
    }) : () -> ()
    %run_scoped3A_46 = arith.constant 11 : i32
    "tpu.region"() ({
      %run_scoped3A_55 = tpu.sem_alloc : memref<!tpu.dma_semaphore, #tpu.memory_space<semaphore_mem>>
      %dma_start3A = arith.constant 5632 : i32
      %dma_start3A_56 = tpu.memref_slice %arg8[%dma_start3A] : memref<8192xf32, #tpu.memory_space<vmem>> -> memref<512xf32, #tpu.memory_space<vmem>>
      %dma_start3A_57 = tpu.memref_slice %arg3[%run_scoped3A_46, %mul3A_2] : memref<16x16384xf32, #tpu.memory_space<hbm>> -> memref<1x512xf32, #tpu.memory_space<hbm>>
      %dma_start3A_58 = tpu.memref_squeeze %dma_start3A_57 : memref<1x512xf32, #tpu.memory_space<hbm>> -> memref<512xf32, #tpu.memory_space<hbm>>
      %dma_start3A_59 = tpu.memref_slice %arg3[%run_scoped3A_46, %mul3A_2] : memref<16x16384xf32, #tpu.memory_space<hbm>> -> memref<1x512xf32, #tpu.memory_space<hbm>>
      %dma_start3A_60 = tpu.memref_squeeze %dma_start3A_59 : memref<1x512xf32, #tpu.memory_space<hbm>> -> memref<512xf32, #tpu.memory_space<hbm>>
      %dma_start3A_61 = arith.constant 5632 : i32
      %dma_start3A_62 = tpu.memref_slice %arg8[%dma_start3A_61] : memref<8192xf32, #tpu.memory_space<vmem>> -> memref<512xf32, #tpu.memory_space<vmem>>
      tpu.enqueue_dma source(%dma_start3A_62 : memref<512xf32, #tpu.memory_space<vmem>>) target(%dma_start3A_60 : memref<512xf32, #tpu.memory_space<hbm>>) target_semaphore(%run_scoped3A_55 : memref<!tpu.dma_semaphore, #tpu.memory_space<semaphore_mem>>)
      %dma_wait3A = arith.constant 5632 : i32
      %dma_wait3A_63 = tpu.memref_slice %arg8[%dma_wait3A] : memref<8192xf32, #tpu.memory_space<vmem>> -> memref<512xf32, #tpu.memory_space<vmem>>
      %dma_wait3A_64 = tpu.memref_slice %arg3[%run_scoped3A_46, %mul3A_2] : memref<16x16384xf32, #tpu.memory_space<hbm>> -> memref<1x512xf32, #tpu.memory_space<hbm>>
      %dma_wait3A_65 = tpu.memref_squeeze %dma_wait3A_64 : memref<1x512xf32, #tpu.memory_space<hbm>> -> memref<512xf32, #tpu.memory_space<hbm>>
      %dma_wait3A_66 = tpu.memref_slice %arg3[%run_scoped3A_46, %mul3A_2] : memref<16x16384xf32, #tpu.memory_space<hbm>> -> memref<1x512xf32, #tpu.memory_space<hbm>>
      %dma_wait3A_67 = tpu.memref_squeeze %dma_wait3A_66 : memref<1x512xf32, #tpu.memory_space<hbm>> -> memref<512xf32, #tpu.memory_space<hbm>>
      %dma_wait3A_68 = arith.constant 5632 : i32
      %dma_wait3A_69 = tpu.memref_slice %arg8[%dma_wait3A_68] : memref<8192xf32, #tpu.memory_space<vmem>> -> memref<512xf32, #tpu.memory_space<vmem>>
      tpu.wait_dma2 semaphore(%run_scoped3A_55 : memref<!tpu.dma_semaphore, #tpu.memory_space<semaphore_mem>>) src(%dma_wait3A_69 : memref<512xf32, #tpu.memory_space<vmem>>) dst(%dma_wait3A_67 : memref<512xf32, #tpu.memory_space<hbm>>)
      tpu.yield
    }) : () -> ()
    %run_scoped3A_47 = arith.constant 12 : i32
    "tpu.region"() ({
      %run_scoped3A_55 = tpu.sem_alloc : memref<!tpu.dma_semaphore, #tpu.memory_space<semaphore_mem>>
      %dma_start3A = arith.constant 6144 : i32
      %dma_start3A_56 = tpu.memref_slice %arg11[%dma_start3A] : memref<8192xf32, #tpu.memory_space<vmem>> -> memref<512xf32, #tpu.memory_space<vmem>>
      %dma_start3A_57 = tpu.memref_slice %arg6[%run_scoped3A_47, %mul3A_2] : memref<16x16384xf32, #tpu.memory_space<hbm>> -> memref<1x512xf32, #tpu.memory_space<hbm>>
      %dma_start3A_58 = tpu.memref_squeeze %dma_start3A_57 : memref<1x512xf32, #tpu.memory_space<hbm>> -> memref<512xf32, #tpu.memory_space<hbm>>
      %dma_start3A_59 = tpu.memref_slice %arg6[%run_scoped3A_47, %mul3A_2] : memref<16x16384xf32, #tpu.memory_space<hbm>> -> memref<1x512xf32, #tpu.memory_space<hbm>>
      %dma_start3A_60 = tpu.memref_squeeze %dma_start3A_59 : memref<1x512xf32, #tpu.memory_space<hbm>> -> memref<512xf32, #tpu.memory_space<hbm>>
      %dma_start3A_61 = arith.constant 6144 : i32
      %dma_start3A_62 = tpu.memref_slice %arg11[%dma_start3A_61] : memref<8192xf32, #tpu.memory_space<vmem>> -> memref<512xf32, #tpu.memory_space<vmem>>
      tpu.enqueue_dma source(%dma_start3A_62 : memref<512xf32, #tpu.memory_space<vmem>>) target(%dma_start3A_60 : memref<512xf32, #tpu.memory_space<hbm>>) target_semaphore(%run_scoped3A_55 : memref<!tpu.dma_semaphore, #tpu.memory_space<semaphore_mem>>)
      %dma_wait3A = arith.constant 6144 : i32
      %dma_wait3A_63 = tpu.memref_slice %arg11[%dma_wait3A] : memref<8192xf32, #tpu.memory_space<vmem>> -> memref<512xf32, #tpu.memory_space<vmem>>
      %dma_wait3A_64 = tpu.memref_slice %arg6[%run_scoped3A_47, %mul3A_2] : memref<16x16384xf32, #tpu.memory_space<hbm>> -> memref<1x512xf32, #tpu.memory_space<hbm>>
      %dma_wait3A_65 = tpu.memref_squeeze %dma_wait3A_64 : memref<1x512xf32, #tpu.memory_space<hbm>> -> memref<512xf32, #tpu.memory_space<hbm>>
      %dma_wait3A_66 = tpu.memref_slice %arg6[%run_scoped3A_47, %mul3A_2] : memref<16x16384xf32, #tpu.memory_space<hbm>> -> memref<1x512xf32, #tpu.memory_space<hbm>>
      %dma_wait3A_67 = tpu.memref_squeeze %dma_wait3A_66 : memref<1x512xf32, #tpu.memory_space<hbm>> -> memref<512xf32, #tpu.memory_space<hbm>>
      %dma_wait3A_68 = arith.constant 6144 : i32
      %dma_wait3A_69 = tpu.memref_slice %arg11[%dma_wait3A_68] : memref<8192xf32, #tpu.memory_space<vmem>> -> memref<512xf32, #tpu.memory_space<vmem>>
      tpu.wait_dma2 semaphore(%run_scoped3A_55 : memref<!tpu.dma_semaphore, #tpu.memory_space<semaphore_mem>>) src(%dma_wait3A_69 : memref<512xf32, #tpu.memory_space<vmem>>) dst(%dma_wait3A_67 : memref<512xf32, #tpu.memory_space<hbm>>)
      tpu.yield
    }) : () -> ()
    %run_scoped3A_48 = arith.constant 12 : i32
    "tpu.region"() ({
      %run_scoped3A_55 = tpu.sem_alloc : memref<!tpu.dma_semaphore, #tpu.memory_space<semaphore_mem>>
      %dma_start3A = arith.constant 6144 : i32
      %dma_start3A_56 = tpu.memref_slice %arg8[%dma_start3A] : memref<8192xf32, #tpu.memory_space<vmem>> -> memref<512xf32, #tpu.memory_space<vmem>>
      %dma_start3A_57 = tpu.memref_slice %arg3[%run_scoped3A_48, %mul3A_2] : memref<16x16384xf32, #tpu.memory_space<hbm>> -> memref<1x512xf32, #tpu.memory_space<hbm>>
      %dma_start3A_58 = tpu.memref_squeeze %dma_start3A_57 : memref<1x512xf32, #tpu.memory_space<hbm>> -> memref<512xf32, #tpu.memory_space<hbm>>
      %dma_start3A_59 = tpu.memref_slice %arg3[%run_scoped3A_48, %mul3A_2] : memref<16x16384xf32, #tpu.memory_space<hbm>> -> memref<1x512xf32, #tpu.memory_space<hbm>>
      %dma_start3A_60 = tpu.memref_squeeze %dma_start3A_59 : memref<1x512xf32, #tpu.memory_space<hbm>> -> memref<512xf32, #tpu.memory_space<hbm>>
      %dma_start3A_61 = arith.constant 6144 : i32
      %dma_start3A_62 = tpu.memref_slice %arg8[%dma_start3A_61] : memref<8192xf32, #tpu.memory_space<vmem>> -> memref<512xf32, #tpu.memory_space<vmem>>
      tpu.enqueue_dma source(%dma_start3A_62 : memref<512xf32, #tpu.memory_space<vmem>>) target(%dma_start3A_60 : memref<512xf32, #tpu.memory_space<hbm>>) target_semaphore(%run_scoped3A_55 : memref<!tpu.dma_semaphore, #tpu.memory_space<semaphore_mem>>)
      %dma_wait3A = arith.constant 6144 : i32
      %dma_wait3A_63 = tpu.memref_slice %arg8[%dma_wait3A] : memref<8192xf32, #tpu.memory_space<vmem>> -> memref<512xf32, #tpu.memory_space<vmem>>
      %dma_wait3A_64 = tpu.memref_slice %arg3[%run_scoped3A_48, %mul3A_2] : memref<16x16384xf32, #tpu.memory_space<hbm>> -> memref<1x512xf32, #tpu.memory_space<hbm>>
      %dma_wait3A_65 = tpu.memref_squeeze %dma_wait3A_64 : memref<1x512xf32, #tpu.memory_space<hbm>> -> memref<512xf32, #tpu.memory_space<hbm>>
      %dma_wait3A_66 = tpu.memref_slice %arg3[%run_scoped3A_48, %mul3A_2] : memref<16x16384xf32, #tpu.memory_space<hbm>> -> memref<1x512xf32, #tpu.memory_space<hbm>>
      %dma_wait3A_67 = tpu.memref_squeeze %dma_wait3A_66 : memref<1x512xf32, #tpu.memory_space<hbm>> -> memref<512xf32, #tpu.memory_space<hbm>>
      %dma_wait3A_68 = arith.constant 6144 : i32
      %dma_wait3A_69 = tpu.memref_slice %arg8[%dma_wait3A_68] : memref<8192xf32, #tpu.memory_space<vmem>> -> memref<512xf32, #tpu.memory_space<vmem>>
      tpu.wait_dma2 semaphore(%run_scoped3A_55 : memref<!tpu.dma_semaphore, #tpu.memory_space<semaphore_mem>>) src(%dma_wait3A_69 : memref<512xf32, #tpu.memory_space<vmem>>) dst(%dma_wait3A_67 : memref<512xf32, #tpu.memory_space<hbm>>)
      tpu.yield
    }) : () -> ()
    %run_scoped3A_49 = arith.constant 13 : i32
    "tpu.region"() ({
      %run_scoped3A_55 = tpu.sem_alloc : memref<!tpu.dma_semaphore, #tpu.memory_space<semaphore_mem>>
      %dma_start3A = arith.constant 6656 : i32
      %dma_start3A_56 = tpu.memref_slice %arg11[%dma_start3A] : memref<8192xf32, #tpu.memory_space<vmem>> -> memref<512xf32, #tpu.memory_space<vmem>>
      %dma_start3A_57 = tpu.memref_slice %arg6[%run_scoped3A_49, %mul3A_2] : memref<16x16384xf32, #tpu.memory_space<hbm>> -> memref<1x512xf32, #tpu.memory_space<hbm>>
      %dma_start3A_58 = tpu.memref_squeeze %dma_start3A_57 : memref<1x512xf32, #tpu.memory_space<hbm>> -> memref<512xf32, #tpu.memory_space<hbm>>
      %dma_start3A_59 = tpu.memref_slice %arg6[%run_scoped3A_49, %mul3A_2] : memref<16x16384xf32, #tpu.memory_space<hbm>> -> memref<1x512xf32, #tpu.memory_space<hbm>>
      %dma_start3A_60 = tpu.memref_squeeze %dma_start3A_59 : memref<1x512xf32, #tpu.memory_space<hbm>> -> memref<512xf32, #tpu.memory_space<hbm>>
      %dma_start3A_61 = arith.constant 6656 : i32
      %dma_start3A_62 = tpu.memref_slice %arg11[%dma_start3A_61] : memref<8192xf32, #tpu.memory_space<vmem>> -> memref<512xf32, #tpu.memory_space<vmem>>
      tpu.enqueue_dma source(%dma_start3A_62 : memref<512xf32, #tpu.memory_space<vmem>>) target(%dma_start3A_60 : memref<512xf32, #tpu.memory_space<hbm>>) target_semaphore(%run_scoped3A_55 : memref<!tpu.dma_semaphore, #tpu.memory_space<semaphore_mem>>)
      %dma_wait3A = arith.constant 6656 : i32
      %dma_wait3A_63 = tpu.memref_slice %arg11[%dma_wait3A] : memref<8192xf32, #tpu.memory_space<vmem>> -> memref<512xf32, #tpu.memory_space<vmem>>
      %dma_wait3A_64 = tpu.memref_slice %arg6[%run_scoped3A_49, %mul3A_2] : memref<16x16384xf32, #tpu.memory_space<hbm>> -> memref<1x512xf32, #tpu.memory_space<hbm>>
      %dma_wait3A_65 = tpu.memref_squeeze %dma_wait3A_64 : memref<1x512xf32, #tpu.memory_space<hbm>> -> memref<512xf32, #tpu.memory_space<hbm>>
      %dma_wait3A_66 = tpu.memref_slice %arg6[%run_scoped3A_49, %mul3A_2] : memref<16x16384xf32, #tpu.memory_space<hbm>> -> memref<1x512xf32, #tpu.memory_space<hbm>>
      %dma_wait3A_67 = tpu.memref_squeeze %dma_wait3A_66 : memref<1x512xf32, #tpu.memory_space<hbm>> -> memref<512xf32, #tpu.memory_space<hbm>>
      %dma_wait3A_68 = arith.constant 6656 : i32
      %dma_wait3A_69 = tpu.memref_slice %arg11[%dma_wait3A_68] : memref<8192xf32, #tpu.memory_space<vmem>> -> memref<512xf32, #tpu.memory_space<vmem>>
      tpu.wait_dma2 semaphore(%run_scoped3A_55 : memref<!tpu.dma_semaphore, #tpu.memory_space<semaphore_mem>>) src(%dma_wait3A_69 : memref<512xf32, #tpu.memory_space<vmem>>) dst(%dma_wait3A_67 : memref<512xf32, #tpu.memory_space<hbm>>)
      tpu.yield
    }) : () -> ()
    %run_scoped3A_50 = arith.constant 13 : i32
    "tpu.region"() ({
      %run_scoped3A_55 = tpu.sem_alloc : memref<!tpu.dma_semaphore, #tpu.memory_space<semaphore_mem>>
      %dma_start3A = arith.constant 6656 : i32
      %dma_start3A_56 = tpu.memref_slice %arg8[%dma_start3A] : memref<8192xf32, #tpu.memory_space<vmem>> -> memref<512xf32, #tpu.memory_space<vmem>>
      %dma_start3A_57 = tpu.memref_slice %arg3[%run_scoped3A_50, %mul3A_2] : memref<16x16384xf32, #tpu.memory_space<hbm>> -> memref<1x512xf32, #tpu.memory_space<hbm>>
      %dma_start3A_58 = tpu.memref_squeeze %dma_start3A_57 : memref<1x512xf32, #tpu.memory_space<hbm>> -> memref<512xf32, #tpu.memory_space<hbm>>
      %dma_start3A_59 = tpu.memref_slice %arg3[%run_scoped3A_50, %mul3A_2] : memref<16x16384xf32, #tpu.memory_space<hbm>> -> memref<1x512xf32, #tpu.memory_space<hbm>>
      %dma_start3A_60 = tpu.memref_squeeze %dma_start3A_59 : memref<1x512xf32, #tpu.memory_space<hbm>> -> memref<512xf32, #tpu.memory_space<hbm>>
      %dma_start3A_61 = arith.constant 6656 : i32
      %dma_start3A_62 = tpu.memref_slice %arg8[%dma_start3A_61] : memref<8192xf32, #tpu.memory_space<vmem>> -> memref<512xf32, #tpu.memory_space<vmem>>
      tpu.enqueue_dma source(%dma_start3A_62 : memref<512xf32, #tpu.memory_space<vmem>>) target(%dma_start3A_60 : memref<512xf32, #tpu.memory_space<hbm>>) target_semaphore(%run_scoped3A_55 : memref<!tpu.dma_semaphore, #tpu.memory_space<semaphore_mem>>)
      %dma_wait3A = arith.constant 6656 : i32
      %dma_wait3A_63 = tpu.memref_slice %arg8[%dma_wait3A] : memref<8192xf32, #tpu.memory_space<vmem>> -> memref<512xf32, #tpu.memory_space<vmem>>
      %dma_wait3A_64 = tpu.memref_slice %arg3[%run_scoped3A_50, %mul3A_2] : memref<16x16384xf32, #tpu.memory_space<hbm>> -> memref<1x512xf32, #tpu.memory_space<hbm>>
      %dma_wait3A_65 = tpu.memref_squeeze %dma_wait3A_64 : memref<1x512xf32, #tpu.memory_space<hbm>> -> memref<512xf32, #tpu.memory_space<hbm>>
      %dma_wait3A_66 = tpu.memref_slice %arg3[%run_scoped3A_50, %mul3A_2] : memref<16x16384xf32, #tpu.memory_space<hbm>> -> memref<1x512xf32, #tpu.memory_space<hbm>>
      %dma_wait3A_67 = tpu.memref_squeeze %dma_wait3A_66 : memref<1x512xf32, #tpu.memory_space<hbm>> -> memref<512xf32, #tpu.memory_space<hbm>>
      %dma_wait3A_68 = arith.constant 6656 : i32
      %dma_wait3A_69 = tpu.memref_slice %arg8[%dma_wait3A_68] : memref<8192xf32, #tpu.memory_space<vmem>> -> memref<512xf32, #tpu.memory_space<vmem>>
      tpu.wait_dma2 semaphore(%run_scoped3A_55 : memref<!tpu.dma_semaphore, #tpu.memory_space<semaphore_mem>>) src(%dma_wait3A_69 : memref<512xf32, #tpu.memory_space<vmem>>) dst(%dma_wait3A_67 : memref<512xf32, #tpu.memory_space<hbm>>)
      tpu.yield
    }) : () -> ()
    %run_scoped3A_51 = arith.constant 14 : i32
    "tpu.region"() ({
      %run_scoped3A_55 = tpu.sem_alloc : memref<!tpu.dma_semaphore, #tpu.memory_space<semaphore_mem>>
      %dma_start3A = arith.constant 7168 : i32
      %dma_start3A_56 = tpu.memref_slice %arg11[%dma_start3A] : memref<8192xf32, #tpu.memory_space<vmem>> -> memref<512xf32, #tpu.memory_space<vmem>>
      %dma_start3A_57 = tpu.memref_slice %arg6[%run_scoped3A_51, %mul3A_2] : memref<16x16384xf32, #tpu.memory_space<hbm>> -> memref<1x512xf32, #tpu.memory_space<hbm>>
      %dma_start3A_58 = tpu.memref_squeeze %dma_start3A_57 : memref<1x512xf32, #tpu.memory_space<hbm>> -> memref<512xf32, #tpu.memory_space<hbm>>
      %dma_start3A_59 = tpu.memref_slice %arg6[%run_scoped3A_51, %mul3A_2] : memref<16x16384xf32, #tpu.memory_space<hbm>> -> memref<1x512xf32, #tpu.memory_space<hbm>>
      %dma_start3A_60 = tpu.memref_squeeze %dma_start3A_59 : memref<1x512xf32, #tpu.memory_space<hbm>> -> memref<512xf32, #tpu.memory_space<hbm>>
      %dma_start3A_61 = arith.constant 7168 : i32
      %dma_start3A_62 = tpu.memref_slice %arg11[%dma_start3A_61] : memref<8192xf32, #tpu.memory_space<vmem>> -> memref<512xf32, #tpu.memory_space<vmem>>
      tpu.enqueue_dma source(%dma_start3A_62 : memref<512xf32, #tpu.memory_space<vmem>>) target(%dma_start3A_60 : memref<512xf32, #tpu.memory_space<hbm>>) target_semaphore(%run_scoped3A_55 : memref<!tpu.dma_semaphore, #tpu.memory_space<semaphore_mem>>)
      %dma_wait3A = arith.constant 7168 : i32
      %dma_wait3A_63 = tpu.memref_slice %arg11[%dma_wait3A] : memref<8192xf32, #tpu.memory_space<vmem>> -> memref<512xf32, #tpu.memory_space<vmem>>
      %dma_wait3A_64 = tpu.memref_slice %arg6[%run_scoped3A_51, %mul3A_2] : memref<16x16384xf32, #tpu.memory_space<hbm>> -> memref<1x512xf32, #tpu.memory_space<hbm>>
      %dma_wait3A_65 = tpu.memref_squeeze %dma_wait3A_64 : memref<1x512xf32, #tpu.memory_space<hbm>> -> memref<512xf32, #tpu.memory_space<hbm>>
      %dma_wait3A_66 = tpu.memref_slice %arg6[%run_scoped3A_51, %mul3A_2] : memref<16x16384xf32, #tpu.memory_space<hbm>> -> memref<1x512xf32, #tpu.memory_space<hbm>>
      %dma_wait3A_67 = tpu.memref_squeeze %dma_wait3A_66 : memref<1x512xf32, #tpu.memory_space<hbm>> -> memref<512xf32, #tpu.memory_space<hbm>>
      %dma_wait3A_68 = arith.constant 7168 : i32
      %dma_wait3A_69 = tpu.memref_slice %arg11[%dma_wait3A_68] : memref<8192xf32, #tpu.memory_space<vmem>> -> memref<512xf32, #tpu.memory_space<vmem>>
      tpu.wait_dma2 semaphore(%run_scoped3A_55 : memref<!tpu.dma_semaphore, #tpu.memory_space<semaphore_mem>>) src(%dma_wait3A_69 : memref<512xf32, #tpu.memory_space<vmem>>) dst(%dma_wait3A_67 : memref<512xf32, #tpu.memory_space<hbm>>)
      tpu.yield
    }) : () -> ()
    %run_scoped3A_52 = arith.constant 14 : i32
    "tpu.region"() ({
      %run_scoped3A_55 = tpu.sem_alloc : memref<!tpu.dma_semaphore, #tpu.memory_space<semaphore_mem>>
      %dma_start3A = arith.constant 7168 : i32
      %dma_start3A_56 = tpu.memref_slice %arg8[%dma_start3A] : memref<8192xf32, #tpu.memory_space<vmem>> -> memref<512xf32, #tpu.memory_space<vmem>>
      %dma_start3A_57 = tpu.memref_slice %arg3[%run_scoped3A_52, %mul3A_2] : memref<16x16384xf32, #tpu.memory_space<hbm>> -> memref<1x512xf32, #tpu.memory_space<hbm>>
      %dma_start3A_58 = tpu.memref_squeeze %dma_start3A_57 : memref<1x512xf32, #tpu.memory_space<hbm>> -> memref<512xf32, #tpu.memory_space<hbm>>
      %dma_start3A_59 = tpu.memref_slice %arg3[%run_scoped3A_52, %mul3A_2] : memref<16x16384xf32, #tpu.memory_space<hbm>> -> memref<1x512xf32, #tpu.memory_space<hbm>>
      %dma_start3A_60 = tpu.memref_squeeze %dma_start3A_59 : memref<1x512xf32, #tpu.memory_space<hbm>> -> memref<512xf32, #tpu.memory_space<hbm>>
      %dma_start3A_61 = arith.constant 7168 : i32
      %dma_start3A_62 = tpu.memref_slice %arg8[%dma_start3A_61] : memref<8192xf32, #tpu.memory_space<vmem>> -> memref<512xf32, #tpu.memory_space<vmem>>
      tpu.enqueue_dma source(%dma_start3A_62 : memref<512xf32, #tpu.memory_space<vmem>>) target(%dma_start3A_60 : memref<512xf32, #tpu.memory_space<hbm>>) target_semaphore(%run_scoped3A_55 : memref<!tpu.dma_semaphore, #tpu.memory_space<semaphore_mem>>)
      %dma_wait3A = arith.constant 7168 : i32
      %dma_wait3A_63 = tpu.memref_slice %arg8[%dma_wait3A] : memref<8192xf32, #tpu.memory_space<vmem>> -> memref<512xf32, #tpu.memory_space<vmem>>
      %dma_wait3A_64 = tpu.memref_slice %arg3[%run_scoped3A_52, %mul3A_2] : memref<16x16384xf32, #tpu.memory_space<hbm>> -> memref<1x512xf32, #tpu.memory_space<hbm>>
      %dma_wait3A_65 = tpu.memref_squeeze %dma_wait3A_64 : memref<1x512xf32, #tpu.memory_space<hbm>> -> memref<512xf32, #tpu.memory_space<hbm>>
      %dma_wait3A_66 = tpu.memref_slice %arg3[%run_scoped3A_52, %mul3A_2] : memref<16x16384xf32, #tpu.memory_space<hbm>> -> memref<1x512xf32, #tpu.memory_space<hbm>>
      %dma_wait3A_67 = tpu.memref_squeeze %dma_wait3A_66 : memref<1x512xf32, #tpu.memory_space<hbm>> -> memref<512xf32, #tpu.memory_space<hbm>>
      %dma_wait3A_68 = arith.constant 7168 : i32
      %dma_wait3A_69 = tpu.memref_slice %arg8[%dma_wait3A_68] : memref<8192xf32, #tpu.memory_space<vmem>> -> memref<512xf32, #tpu.memory_space<vmem>>
      tpu.wait_dma2 semaphore(%run_scoped3A_55 : memref<!tpu.dma_semaphore, #tpu.memory_space<semaphore_mem>>) src(%dma_wait3A_69 : memref<512xf32, #tpu.memory_space<vmem>>) dst(%dma_wait3A_67 : memref<512xf32, #tpu.memory_space<hbm>>)
      tpu.yield
    }) : () -> ()
    %run_scoped3A_53 = arith.constant 15 : i32
    "tpu.region"() ({
      %run_scoped3A_55 = tpu.sem_alloc : memref<!tpu.dma_semaphore, #tpu.memory_space<semaphore_mem>>
      %dma_start3A = arith.constant 7680 : i32
      %dma_start3A_56 = tpu.memref_slice %arg11[%dma_start3A] : memref<8192xf32, #tpu.memory_space<vmem>> -> memref<512xf32, #tpu.memory_space<vmem>>
      %dma_start3A_57 = tpu.memref_slice %arg6[%run_scoped3A_53, %mul3A_2] : memref<16x16384xf32, #tpu.memory_space<hbm>> -> memref<1x512xf32, #tpu.memory_space<hbm>>
      %dma_start3A_58 = tpu.memref_squeeze %dma_start3A_57 : memref<1x512xf32, #tpu.memory_space<hbm>> -> memref<512xf32, #tpu.memory_space<hbm>>
      %dma_start3A_59 = tpu.memref_slice %arg6[%run_scoped3A_53, %mul3A_2] : memref<16x16384xf32, #tpu.memory_space<hbm>> -> memref<1x512xf32, #tpu.memory_space<hbm>>
      %dma_start3A_60 = tpu.memref_squeeze %dma_start3A_59 : memref<1x512xf32, #tpu.memory_space<hbm>> -> memref<512xf32, #tpu.memory_space<hbm>>
      %dma_start3A_61 = arith.constant 7680 : i32
      %dma_start3A_62 = tpu.memref_slice %arg11[%dma_start3A_61] : memref<8192xf32, #tpu.memory_space<vmem>> -> memref<512xf32, #tpu.memory_space<vmem>>
      tpu.enqueue_dma source(%dma_start3A_62 : memref<512xf32, #tpu.memory_space<vmem>>) target(%dma_start3A_60 : memref<512xf32, #tpu.memory_space<hbm>>) target_semaphore(%run_scoped3A_55 : memref<!tpu.dma_semaphore, #tpu.memory_space<semaphore_mem>>)
      %dma_wait3A = arith.constant 7680 : i32
      %dma_wait3A_63 = tpu.memref_slice %arg11[%dma_wait3A] : memref<8192xf32, #tpu.memory_space<vmem>> -> memref<512xf32, #tpu.memory_space<vmem>>
      %dma_wait3A_64 = tpu.memref_slice %arg6[%run_scoped3A_53, %mul3A_2] : memref<16x16384xf32, #tpu.memory_space<hbm>> -> memref<1x512xf32, #tpu.memory_space<hbm>>
      %dma_wait3A_65 = tpu.memref_squeeze %dma_wait3A_64 : memref<1x512xf32, #tpu.memory_space<hbm>> -> memref<512xf32, #tpu.memory_space<hbm>>
      %dma_wait3A_66 = tpu.memref_slice %arg6[%run_scoped3A_53, %mul3A_2] : memref<16x16384xf32, #tpu.memory_space<hbm>> -> memref<1x512xf32, #tpu.memory_space<hbm>>
      %dma_wait3A_67 = tpu.memref_squeeze %dma_wait3A_66 : memref<1x512xf32, #tpu.memory_space<hbm>> -> memref<512xf32, #tpu.memory_space<hbm>>
      %dma_wait3A_68 = arith.constant 7680 : i32
      %dma_wait3A_69 = tpu.memref_slice %arg11[%dma_wait3A_68] : memref<8192xf32, #tpu.memory_space<vmem>> -> memref<512xf32, #tpu.memory_space<vmem>>
      tpu.wait_dma2 semaphore(%run_scoped3A_55 : memref<!tpu.dma_semaphore, #tpu.memory_space<semaphore_mem>>) src(%dma_wait3A_69 : memref<512xf32, #tpu.memory_space<vmem>>) dst(%dma_wait3A_67 : memref<512xf32, #tpu.memory_space<hbm>>)
      tpu.yield
    }) : () -> ()
    %run_scoped3A_54 = arith.constant 15 : i32
    "tpu.region"() ({
      %run_scoped3A_55 = tpu.sem_alloc : memref<!tpu.dma_semaphore, #tpu.memory_space<semaphore_mem>>
      %dma_start3A = arith.constant 7680 : i32
      %dma_start3A_56 = tpu.memref_slice %arg8[%dma_start3A] : memref<8192xf32, #tpu.memory_space<vmem>> -> memref<512xf32, #tpu.memory_space<vmem>>
      %dma_start3A_57 = tpu.memref_slice %arg3[%run_scoped3A_54, %mul3A_2] : memref<16x16384xf32, #tpu.memory_space<hbm>> -> memref<1x512xf32, #tpu.memory_space<hbm>>
      %dma_start3A_58 = tpu.memref_squeeze %dma_start3A_57 : memref<1x512xf32, #tpu.memory_space<hbm>> -> memref<512xf32, #tpu.memory_space<hbm>>
      %dma_start3A_59 = tpu.memref_slice %arg3[%run_scoped3A_54, %mul3A_2] : memref<16x16384xf32, #tpu.memory_space<hbm>> -> memref<1x512xf32, #tpu.memory_space<hbm>>
      %dma_start3A_60 = tpu.memref_squeeze %dma_start3A_59 : memref<1x512xf32, #tpu.memory_space<hbm>> -> memref<512xf32, #tpu.memory_space<hbm>>
      %dma_start3A_61 = arith.constant 7680 : i32
      %dma_start3A_62 = tpu.memref_slice %arg8[%dma_start3A_61] : memref<8192xf32, #tpu.memory_space<vmem>> -> memref<512xf32, #tpu.memory_space<vmem>>
      tpu.enqueue_dma source(%dma_start3A_62 : memref<512xf32, #tpu.memory_space<vmem>>) target(%dma_start3A_60 : memref<512xf32, #tpu.memory_space<hbm>>) target_semaphore(%run_scoped3A_55 : memref<!tpu.dma_semaphore, #tpu.memory_space<semaphore_mem>>)
      %dma_wait3A = arith.constant 7680 : i32
      %dma_wait3A_63 = tpu.memref_slice %arg8[%dma_wait3A] : memref<8192xf32, #tpu.memory_space<vmem>> -> memref<512xf32, #tpu.memory_space<vmem>>
      %dma_wait3A_64 = tpu.memref_slice %arg3[%run_scoped3A_54, %mul3A_2] : memref<16x16384xf32, #tpu.memory_space<hbm>> -> memref<1x512xf32, #tpu.memory_space<hbm>>
      %dma_wait3A_65 = tpu.memref_squeeze %dma_wait3A_64 : memref<1x512xf32, #tpu.memory_space<hbm>> -> memref<512xf32, #tpu.memory_space<hbm>>
      %dma_wait3A_66 = tpu.memref_slice %arg3[%run_scoped3A_54, %mul3A_2] : memref<16x16384xf32, #tpu.memory_space<hbm>> -> memref<1x512xf32, #tpu.memory_space<hbm>>
      %dma_wait3A_67 = tpu.memref_squeeze %dma_wait3A_66 : memref<1x512xf32, #tpu.memory_space<hbm>> -> memref<512xf32, #tpu.memory_space<hbm>>
      %dma_wait3A_68 = arith.constant 7680 : i32
      %dma_wait3A_69 = tpu.memref_slice %arg8[%dma_wait3A_68] : memref<8192xf32, #tpu.memory_space<vmem>> -> memref<512xf32, #tpu.memory_space<vmem>>
      tpu.wait_dma2 semaphore(%run_scoped3A_55 : memref<!tpu.dma_semaphore, #tpu.memory_space<semaphore_mem>>) src(%dma_wait3A_69 : memref<512xf32, #tpu.memory_space<vmem>>) dst(%dma_wait3A_67 : memref<512xf32, #tpu.memory_space<hbm>>)
      tpu.yield
    }) : () -> ()
    "tpu.region"() ({
      %run_scoped3A_55 = tpu.sem_alloc : memref<!tpu.dma_semaphore, #tpu.memory_space<semaphore_mem>>
      %dma_start3A = tpu.memref_slice %arg4[%mul3A_2] : memref<16384xi32, #tpu.memory_space<hbm>> -> memref<512xi32, #tpu.memory_space<hbm>>
      %dma_start3A_56 = tpu.memref_slice %arg4[%mul3A_2] : memref<16384xi32, #tpu.memory_space<hbm>> -> memref<512xi32, #tpu.memory_space<hbm>>
      tpu.enqueue_dma source(%arg9 : memref<512xi32, #tpu.memory_space<vmem>>) target(%dma_start3A_56 : memref<512xi32, #tpu.memory_space<hbm>>) target_semaphore(%run_scoped3A_55 : memref<!tpu.dma_semaphore, #tpu.memory_space<semaphore_mem>>)
      %dma_wait3A = tpu.memref_slice %arg4[%mul3A_2] : memref<16384xi32, #tpu.memory_space<hbm>> -> memref<512xi32, #tpu.memory_space<hbm>>
      %dma_wait3A_57 = tpu.memref_slice %arg4[%mul3A_2] : memref<16384xi32, #tpu.memory_space<hbm>> -> memref<512xi32, #tpu.memory_space<hbm>>
      tpu.wait_dma2 semaphore(%run_scoped3A_55 : memref<!tpu.dma_semaphore, #tpu.memory_space<semaphore_mem>>) src(%arg9 : memref<512xi32, #tpu.memory_space<vmem>>) dst(%dma_wait3A_57 : memref<512xi32, #tpu.memory_space<hbm>>)
      tpu.yield
    }) : () -> ()
    "tpu.region"() ({
      %run_scoped3A_55 = tpu.sem_alloc : memref<!tpu.dma_semaphore, #tpu.memory_space<semaphore_mem>>
      %dma_start3A = tpu.memref_slice %arg5[%mul3A_2] : memref<16384xi32, #tpu.memory_space<hbm>> -> memref<512xi32, #tpu.memory_space<hbm>>
      %dma_start3A_56 = tpu.memref_slice %arg5[%mul3A_2] : memref<16384xi32, #tpu.memory_space<hbm>> -> memref<512xi32, #tpu.memory_space<hbm>>
      tpu.enqueue_dma source(%arg10 : memref<512xi32, #tpu.memory_space<vmem>>) target(%dma_start3A_56 : memref<512xi32, #tpu.memory_space<hbm>>) target_semaphore(%run_scoped3A_55 : memref<!tpu.dma_semaphore, #tpu.memory_space<semaphore_mem>>)
      %dma_wait3A = tpu.memref_slice %arg5[%mul3A_2] : memref<16384xi32, #tpu.memory_space<hbm>> -> memref<512xi32, #tpu.memory_space<hbm>>
      %dma_wait3A_57 = tpu.memref_slice %arg5[%mul3A_2] : memref<16384xi32, #tpu.memory_space<hbm>> -> memref<512xi32, #tpu.memory_space<hbm>>
      tpu.wait_dma2 semaphore(%run_scoped3A_55 : memref<!tpu.dma_semaphore, #tpu.memory_space<semaphore_mem>>) src(%arg10 : memref<512xi32, #tpu.memory_space<vmem>>) dst(%dma_wait3A_57 : memref<512xi32, #tpu.memory_space<hbm>>)
      tpu.yield
    }) : () -> ()
    return
  }
}

module attributes {stable_mosaic.version = 14 : i64} {
  func.func @_logits_krn(%arg0: i32, %arg1: memref<1024x2048xf32, #tpu.memory_space<vmem>>, %arg2: memref<2048x32xf32, #tpu.memory_space<vmem>>, %arg3: memref<32x1xf32, #tpu.memory_space<vmem>>, %arg4: memref<16x1024xf32, #tpu.memory_space<vmem>>, %arg5: memref<16x1024xf32, #tpu.memory_space<vmem>>) attributes {dimension_semantics = [#tpu.dimension_semantics<parallel>], iteration_bounds = array<i64: 16>, scalar_prefetch = 0 : i64, scratch_operands = 0 : i64, tpu.core_type = #tpu.core_type<tc>, window_params = [{transform_indices = @transform_0, window_bounds = array<i64: 1024, 2048>}, {pipeline_mode = #tpu.pipeline_mode<synchronous>, transform_indices = @transform_1, window_bounds = array<i64: 2048, 32>}, {pipeline_mode = #tpu.pipeline_mode<synchronous>, transform_indices = @transform_2, window_bounds = array<i64: 32, 1>}, {transform_indices = @transform_3, window_bounds = array<i64: 16, 1024>}, {transform_indices = @transform_4, window_bounds = array<i64: 16, 1024>}]} {
    %get3A = arith.constant 0 : index
    %get3A_0 = arith.constant 0 : index
    %get3A_1 = vector.load %arg1[%get3A, %get3A_0] : memref<1024x2048xf32, #tpu.memory_space<vmem>>, vector<1024x2048xf32>
    %get3A_2 = arith.constant 0 : index
    %get3A_3 = arith.constant 0 : index
    %get3A_4 = vector.load %arg2[%get3A_2, %get3A_3] : memref<2048x32xf32, #tpu.memory_space<vmem>>, vector<2048x32xf32>
    %dot_general3A = arith.constant dense<0.000000e+00> : vector<1024x32xf32>
    %dot_general3A_5 = tpu.matmul %get3A_1, %get3A_4, %dot_general3A {dimension_numbers = #tpu.dot_dimension_numbers<[1], [0], [0], [1], [0, 0, 1, 1], [], []>, transpose_lhs_hint = false} : vector<1024x2048xf32>, vector<2048x32xf32>, vector<1024x32xf32> -> vector<1024x32xf32>
    %transpose3A = tpu.transpose %dot_general3A_5, [1, 0] : vector<1024x32xf32> -> vector<32x1024xf32>
    %get3A_6 = arith.constant 0 : index
    %get3A_7 = arith.constant 0 : index
    %get3A_8 = vector.load %arg3[%get3A_6, %get3A_7] : memref<32x1xf32, #tpu.memory_space<vmem>>, vector<32x1xf32>
    %add3A = vector.broadcast %get3A_8 : vector<32x1xf32> to vector<32x1024xf32>
    %add3A_9 = arith.addf %transpose3A, %add3A : vector<32x1024xf32>
    %slice3A = vector.extract_strided_slice %add3A_9 {offsets = [0, 0], sizes = [16, 1024], strides = [1, 1]} : vector<32x1024xf32> to vector<16x1024xf32>
    %slice3A_10 = vector.extract_strided_slice %add3A_9 {offsets = [16, 0], sizes = [16, 1024], strides = [1, 1]} : vector<32x1024xf32> to vector<16x1024xf32>
    %get3A_11 = arith.constant 0 : index
    %get3A_12 = arith.constant 0 : index
    %get3A_13 = vector.load %arg4[%get3A_11, %get3A_12] : memref<16x1024xf32, #tpu.memory_space<vmem>>, vector<16x1024xf32>
    %custom_jvp_call3A = arith.constant 0.000000e+00 : f32
    %max3A = vector.broadcast %custom_jvp_call3A : f32 to vector<16x1024xf32>
    %max3A_14 = arith.maximumf %slice3A_10, %max3A : vector<16x1024xf32>
    %sub3A = vector.broadcast %custom_jvp_call3A : f32 to vector<16x1024xf32>
    %sub3A_15 = arith.subf %slice3A_10, %sub3A : vector<16x1024xf32>
    %ne3A = arith.cmpf one, %sub3A_15, %sub3A_15 : vector<16x1024xf32>
    %add3A_16 = vector.broadcast %custom_jvp_call3A : f32 to vector<16x1024xf32>
    %add3A_17 = arith.addf %slice3A_10, %add3A_16 : vector<16x1024xf32>
    %abs3A = math.absf %sub3A_15 : vector<16x1024xf32>
    %neg3A = arith.constant 0.000000e+00 : f32
    %neg3A_18 = vector.broadcast %neg3A : f32 to vector<16x1024xf32>
    %neg3A_19 = arith.subf %neg3A_18, %abs3A : vector<16x1024xf32>
    %exp3A = math.exp %neg3A_19 : vector<16x1024xf32>
    %log1p3A = math.log1p %exp3A : vector<16x1024xf32>
    %add3A_20 = arith.addf %max3A_14, %log1p3A : vector<16x1024xf32>
    %select_n3A = arith.select %ne3A, %add3A_17, %add3A_20 : vector<16x1024xi1>, vector<16x1024xf32>
    %mul3A = arith.mulf %get3A_13, %select_n3A : vector<16x1024xf32>
    %add3A_21 = arith.addf %slice3A, %mul3A : vector<16x1024xf32>
    %swap3A = arith.constant 0 : index
    %swap3A_22 = arith.constant 0 : index
    %swap3A_23 = vector.load %arg5[%swap3A, %swap3A_22] : memref<16x1024xf32, #tpu.memory_space<vmem>>, vector<16x1024xf32>
    tpu.vector_store %arg5[%swap3A, %swap3A_22], %add3A_21 {strides = array<i32>} : memref<16x1024xf32, #tpu.memory_space<vmem>>, vector<16x1024xf32>,
    return
  }
  func.func @transform_0(%arg0: i32) -> (i32, i32) {
    %c0_i32 = arith.constant 0 : i32
    %c0_i32_0 = arith.constant 0 : i32
    return %arg0, %c0_i32 : i32, i32
  }
  func.func @transform_1(%arg0: i32) -> (i32, i32) {
    %c0_i32 = arith.constant 0 : i32
    %c0_i32_0 = arith.constant 0 : i32
    %c0_i32_1 = arith.constant 0 : i32
    return %c0_i32, %c0_i32_0 : i32, i32
  }
  func.func @transform_2(%arg0: i32) -> (i32, i32) {
    %c0_i32 = arith.constant 0 : i32
    %c0_i32_0 = arith.constant 0 : i32
    %c0_i32_1 = arith.constant 0 : i32
    return %c0_i32, %c0_i32_0 : i32, i32
  }
  func.func @transform_3(%arg0: i32) -> (i32, i32) {
    %c0_i32 = arith.constant 0 : i32
    %c0_i32_0 = arith.constant 0 : i32
    return %c0_i32, %arg0 : i32, i32
  }
  func.func @transform_4(%arg0: i32) -> (i32, i32) {
    %c0_i32 = arith.constant 0 : i32
    %c0_i32_0 = arith.constant 0 : i32
    return %c0_i32, %arg0 : i32, i32
  }
}

</mosaic_0001>

<sc_bundles>
// kernel: kernel.4.cloned.1.call-start
scs
__scs_entry_jumppad:
0x0: {  	(pc) =	sbr.rel $0x88, $3  }
0x1: {  	(tag) =	ssettag $0x0;
	lr =	simm.s32 $0x1  }
0x2: {  	[smem:$0x3F9B] =	sst lr;
	_ =	strace $0xD0000000  }
0x3: {  	_ = 	snop  }
0x4: {  	_ = 	snop  }
0x5: {  	_ = 	snop  }
0x6: {  	_ = 	snop  }
0x7: {  	_ = 	snop  }
__scs_overlays_trampoline_lowered:
0x8: {  	[smem:$0x3FAA] =	sst s0  }
0x9: {  	[smem:$0x3FAB] =	sst s1  }
0xa: {  	[smem:$0x3FAC] =	sst s2  }
0xb: {  	[smem:$0x3FAD] =	sst s3  }
0xc: {  	[smem:$0x3FAE] =	sst s4  }
0xd: {  	[smem:$0x3FAF] =	sst s5  }
0xe: {  	[smem:$0x3FB0] =	sst s6  }
0xf: {  	[smem:$0x3FB1] =	sst s7  }
0x10: {  	[smem:$0x3FB2] =	sst s8  }
0x11: {  	[smem:$0x3FB3] =	sst s9;
	s0 =	simm.s32 @!p0 $0x0  }
0x12: {  	s1 =	sld [smem:$0x3F99];
	s0 =	simm.s32 @p0 $0x1  }
0x13: {  	[smem:$0x3FB4] =	sst s0;
	s0 =	simm.s32 @!p1 $0x0  }
0x14: {  	s2 =	sld [smem:$0x3F98];
	s0 =	simm.s32 @p1 $0x1  }
0x15: {  	[smem:$0x3FB5] =	sst s0;
	s0 =	simm.s32 @!p2 $0x0  }
0x16: {  	s3 =	sld [smem:$0x3FDB];
	s0 =	simm.s32 @p2 $0x1  }
0x17: {  	s4 =	simm.s32 $0x1BF5;
	[smem:$0x3FB7] =	sst s0  }
0x18: {  	s0 =	sld [smem:$0x3F9A];
	_ =	swait.ge [sflag:s4], $0x0  }
0x19: {  	s7 =	sld [smem:$0x3F9B]  }
0x1a: {  	s8 =	sadd.s32 $0xFFFFE003, lr  }
0x1b: {  	s9 =	sadd.s32 $0xFFFFFEF7, lr;
	s5 =	simm.s32 $0xFFFFFFFF;
	p2 =	slt.u32 s8, $0xFFFFF086  }
0x1c: {  	p1 =	slt.u32 s9, $0xF7A;
	s5 =	simm.s32 @!p2 $0x0  }
0x1d: {  	s5 =	simm.s32 @p1 $0x1;
	p0 =	seq.s32 s7, s2  }
0x1e: {  	s7 =	smul.u32 @!p0 $0xF7A, s2;
	p2 =	seq.s32 @!p0 s5, $0x0  }
0x1f: {  	s9 =	smul.u32 $0xF7A, s1;
	s8 =	simm.s32 @!p0 $0x1BF5;
	p2 =	por !p2, p0  }
0x20: {  	[sflag:s8] =	ssyncset.s32 @!p0 $0xFFFFF086;
	s6 =	sadd.s32 @!p0 s3, s7;
	s7 =	simm.s32 @!p0 $0x108  }
0x21: {  	s3 =	sadd.s32 s3, s9;
	s6 =	sadd.s32 @!p0 $0x88, s6;
	s7 =	simm.s32 @p2 $0x1082  }
0x22: {  	[simem:s7], [sflag:s8] =	dma.local @!p0 [hbm:s6], $0xF7A  }
0x23: {  	s9 =	sor.u32 $0xD0000000, s2;
	s6 =	simm.s32 $0x108;
	_ =	swait.ge @!p0 [sflag:s8], $0x0  }
0x24: {  	s3 =	sadd.s32 $0x88, s3;
	s6 =	simm.s32 @!p1 $0x1082;
	[sflag:s4] =	ssyncset.s32 $0xFFFFF086  }
0x25: {  	[simem:s6], [sflag:s4] =	dma.local [hbm:s3], $0xF7A  }
0x26: {  	[smem:$0x3F9B] =	sst s1;
	(tag) =	ssettag s2;
	_ =	strace s9  }
0x27: {  	s1 =	sld [smem:$0x3FAB]  }
0x28: {  	s2 =	sld [smem:$0x3FAC]  }
0x29: {  	s4 =	sld [smem:$0x3FAE]  }
0x2a: {  	p0 =	seq.s32 s5, $0x0;
	s5 =	sld [smem:$0x3FAF]  }
0x2b: {  	s6 =	sld [smem:$0x3FB0]  }
0x2c: {  	s7 =	sld [smem:$0x3FB1]  }
0x2d: {  	s3 =	simm.s32 $0x108;
	s8 =	sld [smem:$0x3FB2]  }
0x2e: {  	s3 =	simm.s32 @!p0 $0x1082;
	s9 =	sld [smem:$0x3FB3]  }
0x2f: {  	lr =	sadd.s32 s0, s3;
	s0 =	sld [smem:$0x3FAA]  }
0x30: {  	s3 =	sld [smem:$0x3FAD]  }
0x31: {  	[smem:$0x3FB6] =	sst s10  }
0x32: {  	s10 =	sld [smem:$0x3FB4];
	_ =	sdelay $0x3  }
0x33: {  	p0 =	seq.s32 s10, $0x1;
	s10 =	sld [smem:$0x3FB6];
	_ =	sdelay $0x3  }
0x34: {  	[smem:$0x3FB6] =	sst s10  }
0x35: {  	s10 =	sld [smem:$0x3FB5];
	_ =	sdelay $0x3  }
0x36: {  	p1 =	seq.s32 s10, $0x1;
	s10 =	sld [smem:$0x3FB6];
	_ =	sdelay $0x3  }
0x37: {  	[smem:$0x3FB6] =	sst s10  }
0x38: {  	s10 =	sld [smem:$0x3FB7]  }
0x39: {  	_ = 	snop;
	(pc) =	sbr.ind lr, $3  }
0x3a: {  	_ = 	snop  }
0x3b: {  	_ = 	snop  }
0x3c: {  	p2 =	seq.s32 s10, $0x1;
	s10 =	sld [smem:$0x3FB6]  }
0x3d: {  	_ =	shalt  }
0x3e: {  	_ =	shalt  }
0x3f: {  	_ =	shalt  }
0x40: {  	_ =	shalt  }
0x41: {  	_ =	shalt  }
0x42: {  	_ =	shalt  }
0x43: {  	_ =	shalt  }
0x44: {  	_ =	shalt  }
0x45: {  	_ =	shalt  }
0x46: {  	_ =	shalt  }
0x47: {  	_ =	shalt  }
0x48: {  	_ =	shalt  }
0x49: {  	_ =	shalt  }
0x4a: {  	_ =	shalt  }
0x4b: {  	_ =	shalt  }
0x4c: {  	_ =	shalt  }
0x4d: {  	_ =	shalt  }
0x4e: {  	_ =	shalt  }
0x4f: {  	_ =	shalt  }
0x50: {  	_ =	shalt  }
0x51: {  	_ =	shalt  }
0x52: {  	_ =	shalt  }
0x53: {  	_ =	shalt  }
0x54: {  	_ =	shalt  }
0x55: {  	_ =	shalt  }
0x56: {  	_ =	shalt  }
0x57: {  	_ =	shalt  }
0x58: {  	_ =	shalt  }
0x59: {  	_ =	shalt  }
0x5a: {  	_ =	shalt  }
0x5b: {  	_ =	shalt  }
0x5c: {  	_ =	shalt  }
0x5d: {  	_ =	shalt  }
0x5e: {  	_ =	shalt  }
0x5f: {  	_ =	shalt  }
0x60: {  	_ =	shalt  }
0x61: {  	_ =	shalt  }
0x62: {  	_ =	shalt  }
0x63: {  	_ =	shalt  }
0x64: {  	_ =	shalt  }
0x65: {  	_ =	shalt  }
0x66: {  	_ =	shalt  }
0x67: {  	_ =	shalt  }
0x68: {  	_ =	shalt  }
0x69: {  	_ =	shalt  }
0x6a: {  	_ =	shalt  }
0x6b: {  	_ =	shalt  }
0x6c: {  	_ =	shalt  }
0x6d: {  	_ =	shalt  }
0x6e: {  	_ =	shalt  }
0x6f: {  	_ =	shalt  }
0x70: {  	_ =	shalt  }
0x71: {  	_ =	shalt  }
0x72: {  	_ =	shalt  }
0x73: {  	_ =	shalt  }
0x74: {  	_ =	shalt  }
0x75: {  	_ =	shalt  }
0x76: {  	_ =	shalt  }
0x77: {  	_ =	shalt  }
0x78: {  	_ =	shalt  }
0x79: {  	_ =	shalt  }
0x7a: {  	_ =	shalt  }
0x7b: {  	_ =	shalt  }
0x7c: {  	_ =	shalt  }
0x7d: {  	_ =	shalt  }
0x7e: {  	_ =	shalt  }
0x7f: {  	_ =	shalt  }
0x80: {  	_ =	shalt  }
0x81: {  	_ =	shalt  }
0x82: {  	_ =	shalt  }
0x83: {  	_ =	shalt  }
0x84: {  	_ =	shalt  }
0x85: {  	_ =	shalt  }
0x86: {  	_ =	shalt  }
0x87: {  	_ =	shalt  }
.Lfunc_end0:
.L_simem_size_0:
called_computation_lowered:
.L_overlay_start_0:
0x88: {  	s2 =	sld [smem:$0x3FD9]  }
0x89: {  	s3 =	sld [smem:$0x3FFE];
	_ =	sdelay $0x1  }
0x8a: {  	s1 =	srdreg.scid  }
0x8b: {  	s0 =	sand.u32 $0x1, s1  }
0x8c: {  	s14 =	sshll.u32 s0, $0xA;
	s2 =	sadd.s32 s3, s2  }
0x8d: {  	s2 =	sadd.s32 s2, s14  }
0x8e: {  	[smem:$0x3FC2] =	sst s2  }
0x8f: {  	_ = 	snop  }
0x90: {  	s2 =	sld [smem:$0x3FD0];
	_ =	sdelay $0x2  }
0x91: {  	s15 =	simm.s32 $0xA;
	s4 =	simm.s32 $0x10  }
0x92: {  	[smem:s4], [sflag:s15] =	dma.local [hbm:s2], $0x1  }
0x93: {  	_ =	swait.eq [sflag:s15], $0x1  }
0x94: {  	[sflag:s15] =	ssyncset.done $0x0  }
0x95: {  	s16 =	sld [smem:$0x10];
	[sflag:s15] =	ssyncadd.s32 $0xFFFFFFFF  }
0x96: {  	s17 =	sld [smem:$0x12];
	(tm) =	ssettm $0x1  }
0x97: {  	s18 =	sld [smem:$0x3FFB];
	_ =	sdelay $0x3  }
0x98: {  	_ =	strace s18  }
0x99: {  	s4 =	sld [smem:$0x3FFC];
	_ =	sdelay $0x3  }
0x9a: {  	_ =	strace s4  }
0x9b: {  	s4 =	sld [smem:$0x3FFD];
	_ =	sdelay $0x3  }
0x9c: {  	_ =	strace s4  }
0x9d: {  	_ =	strace $0x8FFFFFFF  }
0x9e: {  	s19 =	sld [smem:$0x3FDB];
	_ =	sdelay $0x1  }
0x9f: {  	s5 =	simm.s32 $_scs_section_size  }
0xa0: {  	s6 =	simm.s32 $_size__tile_overlayer_lowered;
	s7 =	simm.s32 $_tile_overlayer_lowered  }
0xa1: {  	s22 =	simm.s32 $0x1BFF;
	s21 =	sshll.u32 s7, $0x1;
	s4 =	sadd.s32 s5, s19  }
0xa2: {  	s8 =	simm.s32 $0x0;
	s20 =	sshll.u32 s6, $0x1;
	s6 =	sadd.s32 s21, s4  }
0xa3: {  	[timem:s8], [sflag:s22] =	dma.local [hbm:s6], s20  }
0xa4: {  	_ =	swait.ge [sflag:s22], s20  }
0xa5: {  	s5 =	ssub.s32 $0x0, s20;
	[sflag:s22] =	ssyncset.done $0x0  }
0xa6: {  	[sflag:s22] =	ssyncadd.s32 s5;
	_ =	sdelay $0x1  }
0xa7: {  	s23 =	simm.s32 $0x1B8B  }
0xa8: {  	_ =	swait.ge [sflag:s23], $0x1  }
0xa9: {  	[sflag:s23] =	ssyncset.done $0x0  }
0xaa: {  	s25 =	simm.s32 $0x1B8E;
	s24 =	sld [smem:$0x3FFE];
	[sflag:s23] =	ssyncadd.s32 $0xFFFFFFFF  }
0xab: {  	s26 =	simm.s32 $execute0_lowered;
	[smem:$0x3FD2] =	sst s25  }
0xac: {  	s6 =	sshll.u32 s26, $0x1;
	_ =	strace $0x80000046;
	[dreg:$0x1] =	wrdreg $0xFFFFFFFF  }
0xad: {  	s28 =	simm.s32 $_size_execute0_lowered;
	s4 =	sadd.s32 s4, s6;
	[dreg:$0x0] =	wrdreg $0x0  }
0xae: {  	s6 =	sshll.u32 s28, $0x1;
	[dreg:$0x2] =	wrdreg s4  }
0xaf: {  	[dreg:$0x3] =	wrdreg s6  }
0xb0: {  	[dreg:$0x4] =	wrdreg $0xC0  }
0xb1: {  	_ =	task [dreg:s8], $0x5FFFF  }
0xb2: {  	[dreg:$0x1] =	wrdreg $0xFFFFFFFF  }
0xb3: {  	[dreg:$0x0] =	wrdreg $0x60  }
0xb4: {  	[dreg:$0x2] =	wrdreg s24  }
0xb5: {  	[dreg:$0x3] =	wrdreg s16  }
0xb6: {  	[dreg:$0x4] =	wrdreg s17  }
0xb7: {  	[dreg:$0x5] =	wrdreg $0x9  }
0xb8: {  	_ =	task.clear_ibuf [dreg:s8], $0x6FFFF;
	_ =	strace $0x90000046  }
0xb9: {  	s29 =	simm.s32 $0x9;
	_ =	strace $0x80000048  }
0xba: {  	_ =	swait.ge [sflag:s29], $0x1  }
0xbb: {  	[sflag:s29] =	ssyncadd.s32 $0xFFFFFFFF  }
0xbc: {  	_ =	strace $0x90000048  }
0xbd: {  	_ =	sfence  }
0xbe: {  	s30 =	sld [smem:$0x0];
	_ =	sdelay $0x2  }
0xbf: {  	s31 =	sshll.u32 s1, $0xD;
	s1 =	sshrl.u32 s1, $0x2  }
0xc0: {  	s3 =	sand.u32 $0x4000, s31;
	s1 =	sadd.s32 s1, s30  }
0xc1: {  	s0 =	sor.u32 s3, s0;
	s1 =	sshll.u32 s1, $0x11  }
0xc2: {  	s0 =	sor.u32 s1, s0  }
0xc3: {  	s0 =	sadd.s32 $0x8F2B, s0  }
0xc4: {  	[sflag:s0] =	ssyncadd.remote.s32 $0x1  }
0xc5: {  	_ =	sfence.sel $0xFFFF  }
0xc6: {  	[dreg:$0x0] =	wrdreg $0xFFFFFFFF;
	(pc) =	sbr.abs _section_cstart, $3  }
0xc7: {  	[dreg:$0x1] =	wrdreg $0xFFFFFFFF  }
0xc8: {  	_ =	task.clear_ibuf [dreg:s8], $0x2FFFF;
	_ =	strace $0x9FFFFFFF  }
0xc9: {  	(tm) =	ssettm $0x7FFFFFFF  }
tec
execute0_lowered:
.L_overlay_start_1:
0x0: {  	(tag) =	ssettag $0x1  }
0x1: {  	s0 =	rddreg [dreg:$0x0]  }
0x2: {  	s1 =	srdreg.scid;
	s19 =	rddreg [dreg:$0x1]  }
0x3: {  	s3 =	stileid.u32;
	s18 =	rddreg [dreg:$0x2]  }
0x4: {  	s2 =	sand.u32 $0x1, s1;
	s3 =	sshll.u32 s3, $0xA;
	s1 =	simm.s32 $0x0  }
0x5: {  	s6 =	sadd.s32 $0xC00, s0;
	s4 =	sshll.u32 s2, $0x9;
	s2 =	ssub.s32 $0x2, s2  }
0x6: {  	[smem:$0x7FF] =	sst s1;
	s3 =	sor.u32 s4, s3;
	s5 =	sshrl.u32 s2, $0x1  }
0x7: {  	s4 =	sshrl.u32 s3, $0x3;
	s22 =	ssub.s32 s2, s5;
	s17 =	sadd.s32 s6, s3  }
0x8: {  	s2 =	sor.u32 $0x20, s3;
	s30 =	sadd.s32 s18, s3;
	[dreg:$0x4] =	wrdreg s17  }
0x9: {  	s5 =	sor.u32 $0x40, s3;
	s23 =	sadd.s32 s6, s2;
	[dreg:$0x14] =	wrdreg s30  }
0xa: {  	s7 =	sor.u32 $0x50, s3;
	s8 =	sadd.s32 s6, s5;
	[dreg:$0x6] =	wrdreg s23  }
0xb: {  	s10 =	sor.u32 $0x4000, s3;
	s25 =	sadd.s32 s6, s7;
	[dreg:$0x8] =	wrdreg s8  }
0xc: {  	s13 =	sor.u32 $0x4030, s3;
	s26 =	sadd.s32 s6, s10;
	[dreg:$0x9] =	wrdreg s25  }
0xd: {  	s21 =	sadd.s32 s4, s0;
	s28 =	sadd.s32 s6, s13;
	[dreg:$0xc] =	wrdreg s26  }
0xe: {  	s0 =	sor.u32 $0x10, s3;
	s30 =	sadd.s32 s19, s7;
	[dreg:$0xf] =	wrdreg s28  }
0xf: {  	s4 =	sor.u32 $0x30, s3;
	s20 =	sadd.s32 s6, s0;
	[dreg:$0x1f] =	wrdreg s30  }
0x10: {  	s17 =	sor.u32 $0x4060, s3;
	s24 =	sadd.s32 s6, s4;
	[dreg:$0x5] =	wrdreg s20  }
0x11: {  	s22 =	smax.u32 s22, $0x1;
	s29 =	sadd.s32 s6, s17;
	[dreg:$0x7] =	wrdreg s24  }
0x12: {  	s8 =	sor.u32 $0x60, s3;
	s23 =	sadd.s32 s19, s2;
	[dreg:$0x12] =	wrdreg s29  }
0x13: {  	s25 =	sadd.s32 s19, s4;
	s26 =	sadd.s32 s18, s5;
	[dreg:$0x19] =	wrdreg s23  }
0x14: {  	s28 =	sadd.s32 s19, s5;
	s9 =	sadd.s32 s6, s8;
	[dreg:$0x1b] =	wrdreg s25  }
0x15: {  	s5 =	sadd.s32 s19, s10;
	[dreg:$0xa] =	wrdreg s9;
	s9 =	sor.u32 $0x70, s3  }
0x16: {  	s20 =	sor.u32 $0x4070, s3;
	[dreg:$0x1c] =	wrdreg s26;
	s11 =	sadd.s32 s6, s9  }
0x17: {  	s24 =	sadd.s32 s18, s4;
	[dreg:$0xb] =	wrdreg s11;
	s11 =	sor.u32 $0x4010, s3  }
0x18: {  	[dreg:$0x1d] =	wrdreg s28;
	s29 =	sadd.s32 s18, s7;
	s12 =	sadd.s32 s6, s11  }
0x19: {  	s31 =	sadd.s32 s18, s8;
	[dreg:$0xd] =	wrdreg s12;
	s12 =	sor.u32 $0x4020, s3  }
0x1a: {  	s4 =	sadd.s32 s18, s10;
	[dreg:$0x1a] =	wrdreg s24;
	s14 =	sadd.s32 s6, s12  }
0x1b: {  	s10 =	sadd.s32 s18, s13;
	[dreg:$0xe] =	wrdreg s14;
	s14 =	sor.u32 $0x4040, s3  }
0x1c: {  	s23 =	simm.s32 $0x80;
	[dreg:$0x1e] =	wrdreg s29;
	s15 =	sadd.s32 s6, s14  }
0x1d: {  	[dreg:$0x10] =	wrdreg s15;
	s15 =	sor.u32 $0x4050, s3;
	s3 =	sadd.s32 s19, s3  }
0x1e: {  	s25 =	simm.s32 $0x1;
	s16 =	sadd.s32 s6, s15;
	[dreg:$0x15] =	wrdreg s3  }
0x1f: {  	s26 =	simm.s32 $0x0;
	s6 =	sadd.s32 s6, s20;
	[dreg:$0x11] =	wrdreg s16  }
0x20: {  	s24 =	simm.s32 $0x400;
	[dreg:$0x13] =	wrdreg s6;
	s6 =	sadd.s32 s18, s0  }
0x21: {  	s7 =	sadd.s32 s19, s11;
	s0 =	sadd.s32 s19, s0;
	[dreg:$0x16] =	wrdreg s6  }
0x22: {  	s3 =	sadd.s32 s19, s9;
	s16 =	sadd.s32 s18, s2;
	[dreg:$0x17] =	wrdreg s0  }
0x23: {  	s2 =	sadd.s32 s18, s9;
	s9 =	sadd.s32 s19, s12;
	[dreg:$0x18] =	wrdreg s16  }
0x24: {  	s0 =	sadd.s32 s19, s8;
	s6 =	sadd.s32 s18, s11;
	s8 =	sadd.s32 s18, s12  }
0x25: {  	s11 =	sadd.s32 s19, s13;
	s12 =	sadd.s32 s18, s14;
	s13 =	sadd.s32 s19, s14  }
0x26: {  	s14 =	sadd.s32 s18, s15;
	s15 =	sadd.s32 s19, s15;
	s16 =	sadd.s32 s18, s17  }
0x27: {  	s17 =	sadd.s32 s19, s17;
	s18 =	sadd.s32 s18, s20;
	s19 =	sadd.s32 s19, s20  }
0x28: {  	v0 =	vimm.s32 $0xF;
	s20 =	sadd.s32 $0x8C00, s21;
	s21 =	sadd.s32 $0x9400, s21;
	_ =	strace $0x80000047  }
.LBB2_1:
0x29: {  	s28 =	rddreg [dreg:$0x4]  }
0x2a: {  	[tilespmem:s1], [sflag:$0x1] =	stream.strided.gather [hbm4b:s28+s23], $0x200, s24, s23, $0x38;
	[tilespmem:$0x6400] =	vst v63  }
0x2b: {  	_ =	swait.ge [sflag:s25], $0x200  }
0x2c: {  	[sflag:s25] =	ssyncset.done $0x0  }
0x2d: {  	s29 =	simm.s32 $0x200;
	s28 =	rddreg [dreg:$0x5];
	[sflag:s25] =	ssyncadd.s32 $0xFFFFFE00  }
0x2e: {  	[tilespmem:s29], [sflag:$0x1] =	stream.strided.gather [hbm4b:s28+s23], $0x200, s24, s23, $0x38;
	[tilespmem:$0x6400] =	vst v63  }
0x2f: {  	_ =	swait.ge [sflag:s25], $0x200  }
0x30: {  	[sflag:s25] =	ssyncset.done $0x0  }
0x31: {  	s28 =	rddreg [dreg:$0x6];
	[sflag:s25] =	ssyncadd.s32 $0xFFFFFE00  }
0x32: {  	[tilespmem:s24], [sflag:$0x1] =	stream.strided.gather [hbm4b:s28+s23], $0x200, s24, s23, $0x38;
	[tilespmem:$0x6400] =	vst v63  }
0x33: {  	_ =	swait.ge [sflag:s25], $0x200  }
0x34: {  	[sflag:s25] =	ssyncset.done $0x0  }
0x35: {  	s29 =	simm.s32 $0x600;
	s28 =	rddreg [dreg:$0x7];
	[sflag:s25] =	ssyncadd.s32 $0xFFFFFE00  }
0x36: {  	[tilespmem:s29], [sflag:$0x1] =	stream.strided.gather [hbm4b:s28+s23], $0x200, s24, s23, $0x38;
	[tilespmem:$0x6400] =	vst v63  }
0x37: {  	_ =	swait.ge [sflag:s25], $0x200  }
0x38: {  	[sflag:s25] =	ssyncset.done $0x0  }
0x39: {  	s29 =	simm.s32 $0x800;
	s28 =	rddreg [dreg:$0x8];
	[sflag:s25] =	ssyncadd.s32 $0xFFFFFE00  }
0x3a: {  	[tilespmem:s29], [sflag:$0x1] =	stream.strided.gather [hbm4b:s28+s23], $0x200, s24, s23, $0x38;
	[tilespmem:$0x6400] =	vst v63  }
0x3b: {  	_ =	swait.ge [sflag:s25], $0x200  }
0x3c: {  	[sflag:s25] =	ssyncset.done $0x0  }
0x3d: {  	s29 =	simm.s32 $0xA00;
	s28 =	rddreg [dreg:$0x9];
	[sflag:s25] =	ssyncadd.s32 $0xFFFFFE00  }
0x3e: {  	[tilespmem:s29], [sflag:$0x1] =	stream.strided.gather [hbm4b:s28+s23], $0x200, s24, s23, $0x38;
	[tilespmem:$0x6400] =	vst v63  }
0x3f: {  	_ =	swait.ge [sflag:s25], $0x200  }
0x40: {  	[sflag:s25] =	ssyncset.done $0x0  }
0x41: {  	s29 =	simm.s32 $0xC00;
	s28 =	rddreg [dreg:$0xa];
	[sflag:s25] =	ssyncadd.s32 $0xFFFFFE00  }
0x42: {  	[tilespmem:s29], [sflag:$0x1] =	stream.strided.gather [hbm4b:s28+s23], $0x200, s24, s23, $0x38;
	[tilespmem:$0x6400] =	vst v63  }
0x43: {  	_ =	swait.ge [sflag:s25], $0x200  }
0x44: {  	[sflag:s25] =	ssyncset.done $0x0  }
0x45: {  	s29 =	simm.s32 $0xE00;
	s28 =	rddreg [dreg:$0xb];
	[sflag:s25] =	ssyncadd.s32 $0xFFFFFE00  }
0x46: {  	[tilespmem:s29], [sflag:$0x1] =	stream.strided.gather [hbm4b:s28+s23], $0x200, s24, s23, $0x38;
	[tilespmem:$0x6400] =	vst v63  }
0x47: {  	_ =	swait.ge [sflag:s25], $0x200  }
0x48: {  	[sflag:s25] =	ssyncset.done $0x0  }
0x49: {  	s29 =	simm.s32 $0x1000;
	s28 =	rddreg [dreg:$0xc];
	[sflag:s25] =	ssyncadd.s32 $0xFFFFFE00  }
0x4a: {  	[tilespmem:s29], [sflag:$0x1] =	stream.strided.gather [hbm4b:s28+s23], $0x200, s24, s23, $0x38;
	[tilespmem:$0x6400] =	vst v63  }
0x4b: {  	_ =	swait.ge [sflag:s25], $0x200  }
0x4c: {  	[sflag:s25] =	ssyncset.done $0x0  }
0x4d: {  	s29 =	simm.s32 $0x1200;
	s28 =	rddreg [dreg:$0xd];
	[sflag:s25] =	ssyncadd.s32 $0xFFFFFE00  }
0x4e: {  	[tilespmem:s29], [sflag:$0x1] =	stream.strided.gather [hbm4b:s28+s23], $0x200, s24, s23, $0x38;
	[tilespmem:$0x6400] =	vst v63  }
0x4f: {  	_ =	swait.ge [sflag:s25], $0x200  }
0x50: {  	[sflag:s25] =	ssyncset.done $0x0  }
0x51: {  	s29 =	simm.s32 $0x1400;
	s28 =	rddreg [dreg:$0xe];
	[sflag:s25] =	ssyncadd.s32 $0xFFFFFE00  }
0x52: {  	[tilespmem:s29], [sflag:$0x1] =	stream.strided.gather [hbm4b:s28+s23], $0x200, s24, s23, $0x38;
	[tilespmem:$0x6400] =	vst v63  }
0x53: {  	_ =	swait.ge [sflag:s25], $0x200  }
0x54: {  	[sflag:s25] =	ssyncset.done $0x0  }
0x55: {  	s29 =	simm.s32 $0x1600;
	s28 =	rddreg [dreg:$0xf];
	[sflag:s25] =	ssyncadd.s32 $0xFFFFFE00  }
0x56: {  	[tilespmem:s29], [sflag:$0x1] =	stream.strided.gather [hbm4b:s28+s23], $0x200, s24, s23, $0x38;
	[tilespmem:$0x6400] =	vst v63  }
0x57: {  	_ =	swait.ge [sflag:s25], $0x200  }
0x58: {  	[sflag:s25] =	ssyncset.done $0x0  }
0x59: {  	s29 =	simm.s32 $0x1800;
	s28 =	rddreg [dreg:$0x10];
	[sflag:s25] =	ssyncadd.s32 $0xFFFFFE00  }
0x5a: {  	[tilespmem:s29], [sflag:$0x1] =	stream.strided.gather [hbm4b:s28+s23], $0x200, s24, s23, $0x38;
	[tilespmem:$0x6400] =	vst v63  }
0x5b: {  	_ =	swait.ge [sflag:s25], $0x200  }
0x5c: {  	[sflag:s25] =	ssyncset.done $0x0  }
0x5d: {  	s29 =	simm.s32 $0x1A00;
	s28 =	rddreg [dreg:$0x11];
	[sflag:s25] =	ssyncadd.s32 $0xFFFFFE00  }
0x5e: {  	[tilespmem:s29], [sflag:$0x1] =	stream.strided.gather [hbm4b:s28+s23], $0x200, s24, s23, $0x38;
	[tilespmem:$0x6400] =	vst v63  }
0x5f: {  	_ =	swait.ge [sflag:s25], $0x200  }
0x60: {  	[sflag:s25] =	ssyncset.done $0x0  }
0x61: {  	s29 =	simm.s32 $0x1C00;
	s28 =	rddreg [dreg:$0x12];
	[sflag:s25] =	ssyncadd.s32 $0xFFFFFE00  }
0x62: {  	[tilespmem:s29], [sflag:$0x1] =	stream.strided.gather [hbm4b:s28+s23], $0x200, s24, s23, $0x38;
	[tilespmem:$0x6400] =	vst v63  }
0x63: {  	_ =	swait.ge [sflag:s25], $0x200  }
0x64: {  	[sflag:s25] =	ssyncset.done $0x0  }
0x65: {  	s29 =	simm.s32 $0x1E00;
	s28 =	rddreg [dreg:$0x13];
	[sflag:s25] =	ssyncadd.s32 $0xFFFFFE00  }
0x66: {  	[tilespmem:s29], [sflag:$0x1] =	stream.strided.gather [hbm4b:s28+s23], $0x200, s24, s23, $0x38;
	[tilespmem:$0x6400] =	vst v63  }
0x67: {  	_ =	swait.ge [sflag:s25], $0x200  }
0x68: {  	[sflag:s25] =	ssyncset.done $0x0  }
0x69: {  	s28 =	simm.s32 $0x0;
	[sflag:s25] =	ssyncadd.s32 $0xFFFFFE00  }
0x6a: {  	v1 =	vld [tilespmem:s28+$0x0]  }
0x6b: {  	v5 =	vld [tilespmem:s28+$0x200]  }
0x6c: {  	v6 =	vld [tilespmem:s28+$0x400]  }
0x6d: {  	v9 =	vld [tilespmem:s28+$0x600]  }
0x6e: {  	v11 =	vld [tilespmem:s28+$0x800]  }
0x6f: {  	v15 =	vld [tilespmem:s28+$0xA00]  }
0x70: {  	v23 =	vld [tilespmem:s28+$0xC00];
	v2 =	vmax.f32 v1, v5  }
0x71: {  	v24 =	vld [tilespmem:s28+$0xE00];
	v3 =	vmax.f32 v2, v6  }
0x72: {  	v22 =	vld [tilespmem:s28+$0x1000];
	v3 =	vmax.f32 v3, v9  }
0x73: {  	v7 =	vld [tilespmem:s28+$0x1200];
	v3 =	vmax.f32 v3, v11  }
0x74: {  	v10 =	vld [tilespmem:s28+$0x1400];
	v3 =	vmax.f32 v3, v15  }
0x75: {  	v13 =	vld [tilespmem:s28+$0x1600];
	v3 =	vmax.f32 v3, v23  }
0x76: {  	v16 =	vld [tilespmem:s28+$0x1800];
	v3 =	vmax.f32 v3, v24  }
0x77: {  	v4 =	vld [tilespmem:s28+$0x1A00];
	v3 =	vmax.f32 v3, v22  }
0x78: {  	v14 =	vld [tilespmem:s28+$0x1C00];
	v3 =	vmax.f32 v3, v7  }
0x79: {  	v8 =	vld [tilespmem:s28+$0x1E00];
	v3 =	vmax.f32 v3, v10  }
0x7a: {  	v3 =	vmax.f32 v3, v13  }
0x7b: {  	v3 =	vmax.f32 v3, v16  }
0x7c: {  	v3 =	vmax.f32 v3, v4  }
0x7d: {  	v3 =	vmax.f32 v3, v14  }
0x7e: {  	v12 =	vmax.f32 v3, v8  }
0x7f: {  	vm0 =	veq.f32 v14, v12  }
0x80: {  	v3 =	vsel vm0, $0xE, v0;
	vm0 =	veq.f32 v4, v12  }
0x81: {  	v3 =	vsel vm0, $0xD, v3;
	vm0 =	veq.f32 v16, v12  }
0x82: {  	v3 =	vsel vm0, $0xC, v3;
	vm0 =	veq.f32 v13, v12  }
0x83: {  	v3 =	vsel vm0, $0xB, v3;
	vm0 =	veq.f32 v10, v12  }
0x84: {  	v3 =	vsel vm0, $0xA, v3;
	vm0 =	veq.f32 v7, v12  }
0x85: {  	v3 =	vsel vm0, $0x9, v3;
	vm0 =	veq.f32 v22, v12  }
0x86: {  	v3 =	vsel vm0, $0x8, v3;
	vm0 =	veq.f32 v24, v12  }
0x87: {  	v3 =	vsel vm0, $0x7, v3;
	vm0 =	veq.f32 v23, v12  }
0x88: {  	v3 =	vsel vm0, $0x6, v3;
	vm0 =	veq.f32 v15, v12  }
0x89: {  	v3 =	vsel vm0, $0x5, v3;
	vm0 =	veq.f32 v11, v12  }
0x8a: {  	v3 =	vsel vm0, $0x4, v3;
	vm0 =	veq.f32 v9, v12  }
0x8b: {  	v3 =	vsel vm0, $0x3, v3;
	vm0 =	veq.f32 v6, v12  }
0x8c: {  	v3 =	vsel vm0, $0x2, v3;
	vm0 =	veq.f32 v5, v12  }
0x8d: {  	v3 =	vsel vm0, $0x1, v3;
	vm0 =	veq.f32 v1, v12  }
0x8e: {  	v31 =	vsel vm0, $0x0, v3  }
0x8f: {  	vm14 =	veq.s32 v31, $0x1  }
0x90: {  	vm6 =	veq.s32 v31, $0x0;
	v3 =	vsel vm14, v1, v2  }
0x91: {  	v3 =	vsel vm6, v5, v3  }
0x92: {  	v17 =	vimm.s32 $0x0;
	vm0 =	veq.s32 v31, $0x2;
	v3 =	vmax.f32 v3, v6  }
0x93: {  	v17 =	vsel vm0, $0xFFFFFFFF, v17;
	v2 =	vsel vm0, v2, v3  }
0x94: {  	[tilespmem:$0x1FF30] =	vst v17;
	v17 =	vimm.s32 $0x0;
	vm0 =	veq.s32 v31, $0x3;
	v2 =	vmax.f32 v2, v9  }
0x95: {  	v17 =	vsel vm0, $0xFFFFFFFF, v17;
	v3 =	vsel vm0, v3, v2  }
0x96: {  	[tilespmem:$0x1FF40] =	vst v17;
	vm0 =	veq.s32 v31, $0x4;
	v17 =	vimm.s32 $0x0;
	v3 =	vmax.f32 v3, v11  }
0x97: {  	v17 =	vsel vm0, $0xFFFFFFFF, v17;
	v2 =	vsel vm0, v2, v3  }
0x98: {  	[tilespmem:$0x1FF50] =	vst v17;
	vm0 =	veq.s32 v31, $0x5;
	v17 =	vimm.s32 $0x0;
	v2 =	vmax.f32 v2, v15  }
0x99: {  	v17 =	vsel vm0, $0xFFFFFFFF, v17;
	v3 =	vsel vm0, v3, v2  }
0x9a: {  	[tilespmem:$0x1FF60] =	vst v17;
	vm0 =	veq.s32 v31, $0x6;
	v17 =	vimm.s32 $0x0;
	v3 =	vmax.f32 v3, v23  }
0x9b: {  	v17 =	vsel vm0, $0xFFFFFFFF, v17;
	v2 =	vsel vm0, v2, v3  }
0x9c: {  	[tilespmem:$0x1FF70] =	vst v17;
	vm0 =	veq.s32 v31, $0x7;
	v17 =	vimm.s32 $0x0;
	v2 =	vmax.f32 v2, v24  }
0x9d: {  	v17 =	vsel vm0, $0xFFFFFFFF, v17;
	v3 =	vsel vm0, v3, v2  }
0x9e: {  	[tilespmem:$0x1FF80] =	vst v17;
	vm0 =	veq.s32 v31, $0x8;
	v17 =	vimm.s32 $0x0;
	v3 =	vmax.f32 v3, v22  }
0x9f: {  	v18 =	vimm.s32 $0x0;
	v17 =	vsel vm0, $0xFFFFFFFF, v17;
	v2 =	vsel vm0, v2, v3  }
0xa0: {  	[tilespmem:$0x1FF90] =	vst v17;
	vm0 =	veq.s32 v31, $0x9;
	v17 =	vimm.s32 $0x0;
	v2 =	vmax.f32 v2, v7  }
0xa1: {  	v19 =	vimm.s32 $0x0;
	v17 =	vsel vm0, $0xFFFFFFFF, v17;
	v3 =	vsel vm0, v3, v2  }
0xa2: {  	[tilespmem:$0x1FFA0] =	vst v17;
	vm0 =	veq.s32 v31, $0xA;
	v17 =	vimm.s32 $0x0;
	v3 =	vmax.f32 v3, v10  }
0xa3: {  	v17 =	vsel vm0, $0xFFFFFFFF, v17;
	v2 =	vsel vm0, v2, v3;
	vm0 =	veq.s32 v31, $0xB  }
0xa4: {  	[tilespmem:$0x1FFB0] =	vst v17;
	v17 =	vsub.f32 v1, v12;
	v2 =	vmax.f32 v2, v13;
	v18 =	vsel vm0, $0xFFFFFFFF, v18  }
0xa5: {  	[tilespmem:$0x1FFC0] =	vst v18;
	v3 =	vsel vm0, v3, v2;
	v18 =	vsub.f32 v5, v12;
	vm0 =	veq.s32 v31, $0xC  }
0xa6: {  	v17 =	vmul.f32 $1.442695020e+00, v17;
	v3 =	vmax.f32 v3, v16;
	v19 =	vsel vm0, $0xFFFFFFFF, v19  }
0xa7: {  	v2 =	vsel vm0, v2, v3;
	v18 =	vmul.f32 $1.442695020e+00, v18;
	vm0 =	veq.s32 v31, $0xD  }
0xa8: {  	(erf) = vpow2.f32 v17;
	v17 =	vimm.s32 $0x0;
	v2 =	vmax.f32 v2, v4  }
0xa9: {  	v17 =	vsel vm0, $0xFFFFFFFF, v17;
	v3 =	vsel vm0, v3, v2  }
0xaa: {  	(erf) = vpow2.f32 v18;
	vm0 =	veq.s32 v31, $0xE;
	v18 =	vimm.s32 $0x0  }
0xab: {  	v20 =	vsub.f32 v23, v12;
	[tilespmem:$0x1FFE0] =	vst v17;
	v3 =	vmax.f32 v3, v14;
	v18 =	vsel vm0, $0xFFFFFFFF, v18  }
0xac: {  	v17 =	vsub.f32 v6, v12;
	[tilespmem:$0x1FFF0] =	vst v18;
	v2 =	vsel vm0, v2, v3;
	v18 =	vsub.f32 v9, v12  }
0xad: {  	v26 =	vsub.f32 v22, v12;
	vm0 =	veq.s32 v31, $0xF;
	v2 =	vmax.f32 v2, v8  }
0xae: {  	v17 =	vmul.f32 $1.442695020e+00, v17;
	v25 =	vsel vm0, v3, v2;
	v3 =	vmul.f32 $1.442695020e+00, v18  }
0xaf: {  	v20 =	vmul.f32 $1.442695020e+00, v20;
	vm2 =	vne.s32 v31, $0xE;
	v2 =	vsub.f32 v11, v12  }
0xb0: {  	[tilespmem:$0x1FFD0] =	vst v19;
	v19 =	vsub.f32 v15, v12;
	(erf) = vpow2.f32 v17;
	vm1 =	veq.f32 v14, v25  }
0xb1: {  	v14 =	vsub.f32 v14, v12;
	vm1 =	vmand vm2, vm1;
	v18 =	vmul.f32 $1.442695020e+00, v2  }
0xb2: {  	vm2 =	veq.f32 v4, v25;
	(erf) = vpow2.f32 v3;
	v17 =	vsel vm1, $0xE, v0;
	v3 =	vpop (erf)  }
0xb3: {  	(erf) = vpow2.f32 v18;
	v18 =	vmul.f32 $1.442695020e+00, v19;
	v19 =	vsub.f32 v24, v12;
	v2 =	vpop (erf)  }
0xb4: {  	vm1 =	vne.s32 v31, $0xD;
	v14 =	vmul.f32 $1.442695020e+00, v14;
	v21 =	vadd.f32 v2, v3  }
0xb5: {  	(erf) = vpow2.f32 v18;
	v18 =	vmul.f32 $1.442695020e+00, v19;
	v19 =	vsub.f32 v7, v12  }
0xb6: {  	(erf) = vpow2.f32 v20;
	v20 =	vmul.f32 $1.442695020e+00, v26;
	v26 =	vsub.f32 v10, v12  }
0xb7: {  	(erf) = vpow2.f32 v18;
	v18 =	vmul.f32 $1.442695020e+00, v19;
	v19 =	vsub.f32 v13, v12  }
0xb8: {  	(erf) = vpow2.f32 v20;
	v20 =	vmul.f32 $1.442695020e+00, v26;
	v26 =	vsub.f32 v16, v12  }
0xb9: {  	(erf) = vpow2.f32 v18;
	v18 =	vmul.f32 $1.442695020e+00, v19;
	v19 =	vsub.f32 v4, v12  }
0xba: {  	vm1 =	vmand vm1, vm2;
	v4 =	vpop (erf);
	(erf) = vpow2.f32 v20;
	v20 =	vmul.f32 $1.442695020e+00, v26  }
0xbb: {  	v21 =	vadd.f32 v21, v4;
	(erf) = vpow2.f32 v18;
	v18 =	vmul.f32 $1.442695020e+00, v19  }
0xbc: {  	v19 =	vsub.f32 v8, v12;
	v8 =	vpop (erf);
	(erf) = vpow2.f32 v20;
	v20 =	vsel vm1, $0xD, v17  }
0xbd: {  	v17 =	vsub.f32 v25, v12;
	(erf) = vpow2.f32 v18;
	v18 =	vadd.f32 v21, v8  }
0xbe: {  	vm2 =	veq.f32 v16, v25;
	v12 =	vpop (erf);
	vm1 =	vne.s32 v31, $0xC;
	v19 =	vmul.f32 $1.442695020e+00, v19  }
0xbf: {  	(erf) = vpow2.f32 v14;
	v21 =	vmul.f32 $1.442695020e+00, v17;
	v26 =	vadd.f32 v18, v12  }
0xc0: {  	vm3 =	veq.f32 v13, v25;
	vm1 =	vmand vm1, vm2;
	v14 =	vpop (erf);
	(erf) = vpow2.f32 v19  }
0xc1: {  	vm2 =	vne.s32 v31, $0xB;
	v17 =	vpop (erf);
	(erf) = vpow2.f32 v21;
	v21 =	vadd.f32 v26, v14  }
0xc2: {  	v13 =	vsel vm1, $0xC, v20;
	vm1 =	vmand vm2, vm3;
	vm2 =	veq.f32 v10, v25;
	v16 =	vpop (erf)  }
0xc3: {  	v13 =	vsel vm1, $0xB, v13;
	vm1 =	vne.s32 v31, $0xA;
	v18 =	vpop (erf);
	v26 =	vadd.f32 v21, v17  }
0xc4: {  	vm3 =	veq.f32 v7, v25;
	vm1 =	vmand vm1, vm2;
	v19 =	vpop (erf)  }
0xc5: {  	vm2 =	vne.s32 v31, $0x9;
	v10 =	vsel vm1, $0xA, v13;
	v20 =	vpop (erf);
	v13 =	vadd.f32 v26, v16  }
0xc6: {  	vm1 =	vmand vm2, vm3;
	vm2 =	veq.f32 v22, v25;
	v21 =	vpop (erf)  }
0xc7: {  	v26 =	vsel vm1, $0x9, v10;
	vm1 =	vne.s32 v31, $0x8;
	v7 =	vpop (erf);
	v27 =	vadd.f32 v13, v18  }
0xc8: {  	vm3 =	veq.f32 v24, v25;
	vm1 =	vmand vm1, vm2;
	vm2 =	vne.s32 v31, $0x7;
	v10 =	vpop (erf)  }
0xc9: {  	v24 =	vsel vm1, $0x8, v26;
	vm1 =	vmand vm2, vm3;
	v13 =	vpop (erf)  }
0xca: {  	vm2 =	vne.s32 v31, $0x6;
	vm3 =	veq.f32 v23, v25;
	v26 =	vadd.f32 v27, v19;
	v22 =	vpop (erf)  }
0xcb: {  	v23 =	vsel vm1, $0x7, v24;
	vm1 =	vmand vm2, vm3;
	vm2 =	vne.s32 v31, $0x5;
	v27 =	vpop (erf)  }
0xcc: {  	vm3 =	veq.f32 v15, v25;
	v24 =	vadd.f32 v26, v20;
	v27 =	vadd.f32 $1.000000000e+00, v27  }
0xcd: {  	v15 =	vsel vm1, $0x6, v23;
	vm1 =	vmand vm2, vm3  }
0xce: {  	vm2 =	veq.f32 v11, v25;
	v23 =	vadd.f32 v24, v21;
	(erf) = vrcp.f32 v27  }
0xcf: {  	vm3 =	veq.f32 v9, v25;
	v15 =	vsel vm1, $0x5, v15;
	vm1 =	vne.s32 v31, $0x4  }
0xd0: {  	vm1 =	vmand vm1, vm2;
	vm2 =	vne.s32 v31, $0x3;
	v23 =	vadd.f32 v23, v7  }
0xd1: {  	v9 =	vsel vm1, $0x4, v15;
	vm1 =	vmand vm2, vm3;
	vm2 =	veq.f32 v6, v25  }
0xd2: {  	v9 =	vsel vm1, $0x3, v9;
	vm1 =	vne.s32 v31, $0x2;
	v11 =	vadd.f32 v23, v10  }
0xd3: {  	vm3 =	veq.f32 v5, v25;
	vm1 =	vmand vm1, vm2;
	vm2 =	vne.s32 v31, $0x1  }
0xd4: {  	v5 =	vsel vm1, $0x2, v9;
	vm1 =	vmand vm2, vm3;
	v11 =	vadd.f32 v11, v13  }
0xd5: {  	vm2 =	veq.f32 v1, v25;
	v5 =	vsel vm1, $0x1, v5;
	vm1 =	vne.s32 v31, $0x0  }
0xd6: {  	vm1 =	vmand vm1, vm2;
	v6 =	vadd.f32 v11, v22  }
0xd7: {  	v30 =	vsel vm1, $0x0, v5;
	v34 =	vpop (erf)  }
0xd8: {  	vm1 =	veq.s32 v30, $0xF;
	(erf) = vrcp.f32 v6;
	v9 =	vmul.f32 v34, v22  }
0xd9: {  	vm15 =	veq.s32 v30, $0x0;
	v29 =	vmul.f32 v34, v3;
	v27 =	vmul.f32 v34, v2  }
0xda: {  	vm2 =	veq.s32 v30, $0x3;
	v28 =	vmul.f32 v34, v4;
	v25 =	vmul.f32 v34, v8  }
0xdb: {  	[tilespmem:s28+$0x4000] =	vst v31;
	vm0 =	vmor vm0, vm1;
	v26 =	vmul.f32 v34, v12;
	v24 =	vmul.f32 v34, v14  }
0xdc: {  	[tilespmem:s28+$0x4200] =	vst v30;
	v23 =	vmul.f32 v34, v17;
	v15 =	vmul.f32 v34, v16;
	v1 =	vnsel vm0, $0x0, v9  }
0xdd: {  	s29 =	simm.s32 $0x10;
	vm1 =	veq.s32 v30, $0x2;
	v11 =	vmul.f32 v34, v18;
	v6 =	vmul.f32 v34, v20;
	[tilespmem:s28+$0x3E00] =	vst v1  }
0xde: {  	s30 =	simm.s32 $0x80;
	v5 =	vmul.f32 v34, v21;
	v9 =	vmul.f32 v34, v19;
	vm0 =	veq.s32 v30, $0x1;
	v1 =	vld [tilespmem:s29+$0x0]  }
.LBB2_2:
0xdf: {  	v33 =	vld [tilespmem:s29+$0x200]  }
0xe0: {  	v35 =	vld [tilespmem:s29+$0x400]  }
0xe1: {  	v40 =	vmul.f32 v34, v7;
	v38 =	vld [tilespmem:$0x1FF30]  }
0xe2: {  	v31 =	vmul.f32 v34, v10;
	v32 =	vmul.f32 v34, v13;
	v34 =	vld [tilespmem:s29+$0x600]  }
0xe3: {  	vm8 =	veq.s32 v30, $0x4;
	vm9 =	veq.s32 v30, $0x5;
	vm10 =	veq.s32 v30, $0x6;
	v58 =	vld [tilespmem:$0x1FF40]  }
0xe4: {  	vm11 =	veq.s32 v30, $0x7;
	vm12 =	veq.s32 v30, $0x8;
	vm3 =	veq.s32 v30, $0x9;
	v36 =	vld [tilespmem:s29+$0x800]  }
0xe5: {  	vm13 =	veq.s32 v30, $0xA;
	vm4 =	veq.s32 v30, $0xB;
	vm5 =	veq.s32 v30, $0xC;
	v60 =	vld [tilespmem:$0x1FF50]  }
0xe6: {  	v37 =	vld [tilespmem:s29+$0xA00];
	vm15 =	vmor vm6, vm15;
	vm0 =	vmor vm14, vm0;
	vm14 =	vnez.u8 v38  }
0xe7: {  	vm6 =	veq.s32 v30, $0xD;
	v57 =	vimm.s32 $0x0;
	v42 =	vld [tilespmem:$0x1FF60];
	vm1 =	vmor vm14, vm1  }
0xe8: {  	vm7 =	veq.s32 v30, $0xE;
	v30 =	vld [tilespmem:s29+$0xC00];
	v38 =	vsel vm1, $0xFFFFFFFF, v57;
	vm1 =	vnez.u8 v58  }
0xe9: {  	v59 =	vimm.s32 $0x0;
	v63 =	vld [tilespmem:$0x1FF70];
	vm1 =	vmor vm1, vm2  }
0xea: {  	v44 =	vld [tilespmem:$0x1FF80];
	[tilespmem:$0x1FE80] =	vst v38;
	v38 =	vsel vm1, $0xFFFFFFFF, v59;
	vm1 =	vnez.u8 v60  }
0xeb: {  	v61 =	vimm.s32 $0x0;
	v45 =	vld [tilespmem:$0x1FF90];
	vm1 =	vmor vm1, vm8  }
0xec: {  	v46 =	vld [tilespmem:$0x1FFA0];
	[tilespmem:$0x1FE90] =	vst v38;
	v38 =	vsel vm1, $0xFFFFFFFF, v61;
	vm1 =	vnez.u8 v42  }
0xed: {  	v62 =	vimm.s32 $0x0;
	v47 =	vld [tilespmem:$0x1FFB0];
	vm1 =	vmor vm1, vm9  }
0xee: {  	v48 =	vld [tilespmem:$0x1FFC0];
	v53 =	vimm.s32 $0x0;
	v42 =	vsel vm1, $0xFFFFFFFF, v62;
	vm1 =	vnez.u8 v63  }
0xef: {  	v51 =	vld [tilespmem:$0x1FFD0];
	v55 =	vimm.s32 $0x0;
	vm14 =	vmor vm1, vm10;
	vm1 =	vnez.u8 v44  }
0xf0: {  	v52 =	vld [tilespmem:$0x1FFE0];
	v29 =	vnsel vm15, $0x0, v29;
	vm9 =	vmor vm1, vm11;
	vm1 =	vnez.u8 v45  }
0xf1: {  	v41 =	vld [tilespmem:s29+$0xE00];
	v49 =	vmax.f32 v1, v33;
	vm8 =	vmor vm1, vm12;
	vm1 =	vnez.u8 v46  }
0xf2: {  	v54 =	vld [tilespmem:$0x1FFF0];
	v39 =	vmax.f32 v49, v35;
	vm10 =	vmor vm1, vm3;
	vm1 =	vnez.u8 v47  }
0xf3: {  	v39 =	vmax.f32 v39, v34;
	vm3 =	vmor vm1, vm13;
	vm1 =	vnez.u8 v48  }
0xf4: {  	v56 =	vld [tilespmem:s29+$0x1E00];
	v43 =	vmax.f32 v39, v36;
	vm4 =	vmor vm1, vm4;
	vm1 =	vnez.u8 v51  }
0xf5: {  	[tilespmem:$0x1FEA0] =	vst v38;
	v38 =	vld [tilespmem:s29+$0x1000];
	v44 =	vmax.f32 v43, v37;
	vm2 =	vmor vm1, vm5;
	vm1 =	vnez.u8 v52  }
0xf6: {  	v27 =	vnsel vm0, $0x0, v27;
	[tilespmem:$0x1FEB0] =	vst v42;
	v42 =	vld [tilespmem:s29+$0x1200];
	v45 =	vmax.f32 v44, v30;
	vm1 =	vmor vm1, vm6  }
0xf7: {  	v50 =	vpop (erf);
	v39 =	vld [tilespmem:s29+$0x1400];
	v46 =	vmax.f32 v45, v41;
	v45 =	vsel vm1, $0xFFFFFFFF, v53;
	vm1 =	vnez.u8 v54  }
0xf8: {  	v3 =	vmul.f32 v50, v3;
	v2 =	vmul.f32 v50, v2;
	v43 =	vld [tilespmem:s29+$0x1600];
	vm1 =	vmor vm1, vm7  }
0xf9: {  	v4 =	vmul.f32 v50, v4;
	v8 =	vmul.f32 v50, v8;
	v44 =	vld [tilespmem:s29+$0x1800];
	[tilespmem:$0x1FF00] =	vst v45;
	v45 =	vsel vm1, $0xFFFFFFFF, v55  }
0xfa: {  	v16 =	vmul.f32 v50, v16;
	v59 =	vimm.s32 $0x0;
	v47 =	vmax.f32 v46, v38;
	[tilespmem:$0x1FF10] =	vst v45;
	v45 =	vld [tilespmem:s29+$0x1A00]  }
0xfb: {  	v63 =	vimm.s32 $0x0;
	v46 =	vld [tilespmem:s29+$0x1C00];
	v48 =	vmax.f32 v47, v42;
	v51 =	vimm.s32 $0x0;
	[tilespmem:s28+$0x4400] =	vst v3  }
0xfc: {  	v48 =	vmax.f32 v48, v39;
	v3 =	vmul.f32 v50, v12;
	v12 =	vmul.f32 v50, v14;
	[tilespmem:s28+$0x4600] =	vst v2  }
0xfd: {  	v14 =	vmax.f32 v48, v43;
	v2 =	vmul.f32 v50, v17;
	[tilespmem:s28+$0x4800] =	vst v4;
	v4 =	vmul.f32 v50, v18  }
0xfe: {  	v17 =	vmul.f32 v50, v19;
	[tilespmem:s28+$0x4A00] =	vst v8;
	v8 =	vmul.f32 v50, v20;
	v14 =	vmax.f32 v14, v44  }
0xff: {  	v18 =	vmul.f32 v50, v21;
	[tilespmem:s28+$0x5200] =	vst v16;
	v16 =	vimm.s32 $0x0;
	v14 =	vmax.f32 v14, v45  }
0x100: {  	v20 =	vimm.s32 $0x0;
	[tilespmem:s28+$0x4C00] =	vst v3;
	v3 =	vmul.f32 v50, v7;
	v14 =	vmax.f32 v14, v46  }
0x101: {  	v7 =	vmul.f32 v50, v10;
	[tilespmem:s28+$0x4E00] =	vst v12;
	v10 =	vmul.f32 v50, v13;
	v57 =	vmax.f32 v14, v56  }
0x102: {  	v12 =	vmul.f32 v50, v22;
	[tilespmem:s28+$0x5A00] =	vst v18;
	v18 =	vimm.s32 $0x0;
	v13 =	vsub.f32 v1, v57  }
0x103: {  	[tilespmem:s28+$0x5000] =	vst v2;
	vm1 =	veq.f32 v46, v57;
	v14 =	vsub.f32 v33, v57;
	v19 =	vsub.f32 v35, v57  }
0x104: {  	[tilespmem:s28+$0x5C00] =	vst v3;
	v3 =	vsub.f32 v34, v57;
	v2 =	vsel vm1, $0xE, v0;
	vm1 =	veq.f32 v45, v57  }
0x105: {  	v2 =	vsel vm1, $0xD, v2;
	vm1 =	veq.f32 v44, v57;
	v13 =	vmul.f32 $1.442695020e+00, v13  }
0x106: {  	[tilespmem:s28+$0x5400] =	vst v4;
	v4 =	vmul.f32 $1.442695020e+00, v14;
	v2 =	vsel vm1, $0xC, v2;
	vm1 =	veq.f32 v43, v57  }
0x107: {  	v2 =	vsel vm1, $0xB, v2;
	vm1 =	veq.f32 v39, v57;
	(erf) = vpow2.f32 v13  }
0x108: {  	v2 =	vsel vm1, $0xA, v2;
	vm1 =	veq.f32 v42, v57;
	(erf) = vpow2.f32 v4  }
0x109: {  	v4 =	vmul.f32 $1.442695020e+00, v19;
	v2 =	vsel vm1, $0x9, v2;
	vm1 =	veq.f32 v38, v57  }
0x10a: {  	[tilespmem:s28+$0x5E00] =	vst v7;
	v7 =	vsub.f32 v37, v57;
	v2 =	vsel vm1, $0x8, v2;
	vm1 =	veq.f32 v41, v57  }
0x10b: {  	(erf) = vpow2.f32 v4;
	v2 =	vsel vm1, $0x7, v2;
	vm1 =	veq.f32 v30, v57  }
0x10c: {  	v3 =	vmul.f32 $1.442695020e+00, v3;
	v2 =	vsel vm1, $0x6, v2;
	vm1 =	veq.f32 v37, v57  }
0x10d: {  	v7 =	vmul.f32 $1.442695020e+00, v7;
	v2 =	vsel vm1, $0x5, v2;
	vm1 =	veq.f32 v36, v57  }
0x10e: {  	v4 =	vsub.f32 v36, v57;
	v2 =	vsel vm1, $0x4, v2;
	vm1 =	veq.f32 v34, v57  }
0x10f: {  	[tilespmem:s28+$0x6200] =	vst v12;
	(erf) = vpow2.f32 v3;
	v12 =	vsel vm1, $0x3, v2;
	vm1 =	veq.f32 v35, v57  }
0x110: {  	[tilespmem:s28+$0x6000] =	vst v10;
	v4 =	vmul.f32 $1.442695020e+00, v4;
	v10 =	vsel vm1, $0x2, v12;
	vm1 =	veq.f32 v33, v57  }
0x111: {  	[tilespmem:s28+$0x5800] =	vst v8;
	v3 =	vpop (erf);
	v12 =	vsub.f32 v41, v57;
	v8 =	vsel vm1, $0x1, v10;
	vm1 =	veq.f32 v1, v57  }
0x112: {  	v19 =	vimm.s32 $0x0;
	v2 =	vpop (erf);
	(erf) = vpow2.f32 v4;
	v22 =	vsel vm1, $0x0, v8  }
0x113: {  	[tilespmem:s28+$0x5600] =	vst v17;
	v8 =	vsub.f32 v30, v57;
	v10 =	vadd.f32 v2, v3;
	v12 =	vmul.f32 $1.442695020e+00, v12  }
0x114: {  	vm5 =	veq.s32 v22, $0x1;
	[tilespmem:s29+$0x4000] =	vst v22;
	vm1 =	veq.s32 v22, $0x0;
	v4 =	vpop (erf);
	(erf) = vpow2.f32 v7  }
0x115: {  	v17 =	vsel vm5, $0xFFFFFFFF, v18;
	v14 =	vsel vm1, $0xFFFFFFFF, v16;
	v13 =	vsel vm5, v1, v49;
	[tilespmem:s28+$0x2000] =	vst v29  }
0x116: {  	v18 =	vimm.s32 $0x0;
	v10 =	vadd.f32 v10, v4;
	v29 =	vimm.s32 $0x0;
	[tilespmem:s28+$0x2200] =	vst v27  }
0x117: {  	[tilespmem:$0x1FEC0] =	vst v17;
	v7 =	vsel vm1, v33, v13;
	v13 =	vmul.f32 $1.442695020e+00, v8;
	vm1 =	veq.s32 v22, $0x2  }
0x118: {  	v27 =	vld [tilespmem:$0x1FE80];
	[tilespmem:$0x1FED0] =	vst v14;
	v14 =	vsub.f32 v38, v57;
	v7 =	vmax.f32 v7, v35;
	v17 =	vsel vm1, $0xFFFFFFFF, v18  }
0x119: {  	v8 =	vpop (erf);
	v18 =	vimm.s32 $0x0;
	v16 =	vsel vm1, v49, v7;
	(erf) = vpow2.f32 v13  }
0x11a: {  	vm1 =	veq.s32 v22, $0x3;
	v14 =	vmul.f32 $1.442695020e+00, v14;
	v10 =	vadd.f32 v10, v8  }
0x11b: {  	[tilespmem:$0x1FF30] =	vst v17;
	v13 =	vmax.f32 v16, v34;
	(erf) = vpow2.f32 v12;
	v17 =	vsel vm1, $0xFFFFFFFF, v18  }
0x11c: {  	v16 =	vsub.f32 v42, v57;
	v7 =	vsel vm1, v7, v13;
	vm1 =	veq.s32 v22, $0x4  }
0x11d: {  	[tilespmem:$0x1FF40] =	vst v17;
	v17 =	vimm.s32 $0x0;
	vm0 =	vnez.u8 v27;
	v7 =	vmax.f32 v7, v36  }
0x11e: {  	v12 =	vpop (erf);
	v17 =	vsel vm1, $0xFFFFFFFF, v17;
	v16 =	vmul.f32 $1.442695020e+00, v16;
	(erf) = vpow2.f32 v14  }
0x11f: {  	v27 =	vnsel vm0, $0x0, v28;
	vm0 =	veq.s32 v22, $0xE;
	v13 =	vsel vm1, v13, v7  }
0x120: {  	[tilespmem:$0x1FF50] =	vst v17;
	vm1 =	veq.s32 v22, $0x5;
	v17 =	vsub.f32 v39, v57;
	v10 =	vadd.f32 v10, v12  }
0x121: {  	v13 =	vmax.f32 v13, v37;
	v18 =	vsel vm1, $0xFFFFFFFF, v19;
	v14 =	vpop (erf);
	(erf) = vpow2.f32 v16  }
0x122: {  	v7 =	vsel vm1, v7, v13;
	vm1 =	veq.s32 v22, $0x6;
	v58 =	vmul.f32 $1.442695020e+00, v17  }
0x123: {  	[tilespmem:$0x1FF60] =	vst v18;
	v10 =	vadd.f32 v10, v14;
	v18 =	vsub.f32 v43, v57;
	v7 =	vmax.f32 v7, v30  }
0x124: {  	v19 =	vsel vm1, $0xFFFFFFFF, v20;
	v13 =	vsel vm1, v13, v7;
	vm1 =	veq.s32 v22, $0x7  }
0x125: {  	[tilespmem:$0x1FF70] =	vst v19;
	v21 =	vmul.f32 $1.442695020e+00, v18;
	v19 =	vsub.f32 v44, v57;
	v13 =	vmax.f32 v13, v41  }
0x126: {  	v17 =	vpop (erf);
	(erf) = vpow2.f32 v58;
	v20 =	vsel vm1, $0xFFFFFFFF, v59;
	v7 =	vsel vm1, v7, v13  }
0x127: {  	[tilespmem:$0x1FF80] =	vst v20;
	vm1 =	veq.s32 v22, $0x8;
	v10 =	vadd.f32 v10, v17;
	v20 =	vimm.s32 $0x0  }
0x128: {  	v16 =	vpop (erf);
	v60 =	vmul.f32 $1.442695020e+00, v19;
	(erf) = vpow2.f32 v21;
	v7 =	vmax.f32 v7, v38  }
0x129: {  	v21 =	vimm.s32 $0x0;
	v20 =	vsel vm1, $0xFFFFFFFF, v20;
	v13 =	vsel vm1, v13, v7  }
0x12a: {  	[tilespmem:$0x1FF90] =	vst v20;
	vm1 =	veq.s32 v22, $0x9;
	v20 =	vsub.f32 v45, v57;
	v10 =	vadd.f32 v10, v16  }
0x12b: {  	v18 =	vpop (erf);
	(erf) = vpow2.f32 v60;
	v13 =	vmax.f32 v13, v42;
	v21 =	vsel vm1, $0xFFFFFFFF, v21  }
0x12c: {  	[tilespmem:$0x1FFA0] =	vst v21;
	v7 =	vsel vm1, v7, v13;
	vm1 =	veq.s32 v22, $0xA;
	v21 =	vimm.s32 $0x0  }
0x12d: {  	v10 =	vadd.f32 v10, v18;
	v7 =	vmax.f32 v7, v39;
	v21 =	vsel vm1, $0xFFFFFFFF, v21  }
0x12e: {  	v52 =	vmul.f32 $1.442695020e+00, v20;
	v19 =	vpop (erf);
	[tilespmem:$0x1FFB0] =	vst v21;
	v13 =	vsel vm1, v13, v7;
	v21 =	vsub.f32 v46, v57  }
0x12f: {  	[tilespmem:s28+$0x2400] =	vst v27;
	v27 =	vld [tilespmem:$0x1FE90];
	vm1 =	veq.s32 v22, $0xB;
	v10 =	vadd.f32 v10, v19;
	v13 =	vmax.f32 v13, v43  }
0x130: {  	v61 =	vsel vm1, $0xFFFFFFFF, v51;
	v7 =	vsel vm1, v7, v13;
	v62 =	vmul.f32 $1.442695020e+00, v21;
	v20 =	vpop (erf)  }
0x131: {  	vm1 =	veq.s32 v22, $0xC;
	v7 =	vmax.f32 v7, v44;
	v10 =	vadd.f32 v10, v20  }
0x132: {  	v49 =	vsel vm1, $0xFFFFFFFF, v63;
	v13 =	vsel vm1, v13, v7;
	vm1 =	veq.s32 v22, $0xD;
	v21 =	vpop (erf)  }
0x133: {  	v13 =	vmax.f32 v13, v45;
	v29 =	vsel vm1, $0xFFFFFFFF, v29;
	v10 =	vadd.f32 v10, v21  }
0x134: {  	[tilespmem:$0x1FFE0] =	vst v29;
	v29 =	vsel vm1, v7, v13;
	vm1 =	vnez.u8 v27;
	v27 =	vimm.s32 $0x0  }
0x135: {  	v7 =	vpop (erf);
	v27 =	vsel vm0, $0xFFFFFFFF, v27  }
0x136: {  	[tilespmem:$0x1FFF0] =	vst v27;
	v27 =	vadd.f32 v10, v7;
	v10 =	vld [tilespmem:$0x1FEA0];
	_ =	sdelay $0x2  }
0x137: {  	(erf) = vpow2.f32 v52  }
0x138: {  	(erf) = vpow2.f32 v62;
	v28 =	vmax.f32 v29, v46  }
0x139: {  	v25 =	vnsel vm1, $0x0, v25;
	v13 =	vsel vm0, v13, v28;
	vm0 =	vnez.u8 v10  }
0x13a: {  	[tilespmem:s28+$0x2600] =	vst v25;
	v10 =	vnsel vm0, $0x0, v26  }
0x13b: {  	vm1 =	veq.s32 v22, $0xF;
	v25 =	vimm.s32 $0x0;
	[tilespmem:s28+$0x2800] =	vst v10;
	v10 =	vld [tilespmem:$0x1FEB0]  }
0x13c: {  	v25 =	vsel vm1, $0xFFFFFFFF, v25;
	v13 =	vmax.f32 v13, v56  }
0x13d: {  	v23 =	vnsel vm14, $0x0, v23;
	[tilespmem:$0x1FF20] =	vst v25;
	v25 =	vsel vm1, v28, v13;
	v28 =	vsub.f32 v56, v57  }
0x13e: {  	v15 =	vnsel vm9, $0x0, v15;
	v11 =	vnsel vm8, $0x0, v11;
	v26 =	vsub.f32 v25, v57  }
0x13f: {  	v6 =	vnsel vm3, $0x0, v6;
	v5 =	vnsel vm4, $0x0, v5;
	[tilespmem:s28+$0x2C00] =	vst v23;
	v23 =	vmul.f32 $1.442695020e+00, v28  }
0x140: {  	vm4 =	vne.s32 v22, $0x4;
	[tilespmem:s28+$0x2E00] =	vst v15;
	v15 =	vmul.f32 $1.442695020e+00, v26;
	vm0 =	vnez.u8 v10;
	v10 =	vpop (erf)  }
0x141: {  	vm3 =	vne.s32 v22, $0x3;
	vm15 =	vne.s32 v22, $0x2;
	v13 =	vpop (erf);
	(erf) = vpow2.f32 v23  }
0x142: {  	vm7 =	vne.s32 v22, $0x7;
	vm6 =	vne.s32 v22, $0x6;
	(erf) = vpow2.f32 v15  }
0x143: {  	vm11 =	vne.s32 v22, $0xA;
	vm9 =	vne.s32 v22, $0x9;
	vm8 =	vne.s32 v22, $0x8  }
0x144: {  	v24 =	vnsel vm0, $0x0, v24;
	vm0 =	vne.s32 v22, $0x1;
	v23 =	vimm.s32 $0x0  }
0x145: {  	vm12 =	vne.s32 v22, $0xD;
	vm13 =	vne.s32 v22, $0xC;
	[tilespmem:s28+$0x3400] =	vst v6;
	v23 =	vsel vm0, $0xFFFFFFFF, v23  }
0x146: {  	vm14 =	vne.s32 v22, $0xB;
	v6 =	vld [tilespmem:$0x1FEC0];
	vm0 =	vne.s32 v22, $0x0;
	[tilespmem:$0x1FEE0] =	vst v23;
	v23 =	vimm.s32 $0x0  }
0x147: {  	vm1 =	veq.f32 v46, v25;
	v23 =	vsel vm0, $0xFFFFFFFF, v23;
	vm0 =	vne.s32 v22, $0xE  }
0x148: {  	vm5 =	vne.s32 v22, $0x5;
	vm0 =	vmand vm0, vm1;
	vm1 =	veq.f32 v45, v25  }
0x149: {  	[tilespmem:s28+$0x3600] =	vst v5;
	v5 =	vsel vm0, $0xE, v0;
	vm0 =	vmand vm12, vm1;
	vm1 =	veq.f32 v44, v25  }
0x14a: {  	v5 =	vsel vm0, $0xD, v5;
	vm0 =	vmand vm13, vm1;
	vm1 =	veq.f32 v43, v25;
	v22 =	vpop (erf)  }
0x14b: {  	v5 =	vsel vm0, $0xC, v5;
	vm0 =	vmand vm14, vm1;
	vm14 =	vnez.u8 v6;
	v6 =	vpop (erf)  }
0x14c: {  	v9 =	vnsel vm10, $0x0, v9;
	v6 =	vadd.f32 $1.000000000e+00, v6  }
0x14d: {  	[tilespmem:s28+$0x3200] =	vst v9;
	v9 =	vnsel vm2, $0x0, v40;
	vm2 =	veq.f32 v42, v25;
	vm1 =	veq.f32 v39, v25  }
0x14e: {  	v5 =	vsel vm0, $0xB, v5;
	vm0 =	vmand vm11, vm1;
	(erf) = vrcp.f32 v6;
	v6 =	vld [tilespmem:$0x1FED0]  }
0x14f: {  	vm1 =	veq.f32 v38, v25;
	v5 =	vsel vm0, $0xA, v5;
	vm0 =	vmand vm9, vm2  }
0x150: {  	vm10 =	veq.f32 v41, v25;
	v5 =	vsel vm0, $0x9, v5;
	vm0 =	vmand vm8, vm1  }
0x151: {  	v5 =	vsel vm0, $0x8, v5;
	vm0 =	vmand vm7, vm10  }
0x152: {  	vm1 =	veq.f32 v30, v25;
	v5 =	vsel vm0, $0x7, v5  }
0x153: {  	vm0 =	vmand vm6, vm1;
	vm1 =	veq.f32 v37, v25;
	vm6 =	vnez.u8 v6;
	v6 =	vld [tilespmem:$0x1FEE0]  }
0x154: {  	v5 =	vsel vm0, $0x6, v5;
	vm0 =	vmand vm5, vm1;
	vm1 =	veq.f32 v36, v25  }
0x155: {  	v5 =	vsel vm0, $0x5, v5;
	vm0 =	vmand vm4, vm1;
	vm1 =	veq.f32 v34, v25  }
0x156: {  	v5 =	vsel vm0, $0x4, v5;
	vm0 =	vmand vm3, vm1;
	vm1 =	veq.f32 v35, v25  }
0x157: {  	v5 =	vsel vm0, $0x3, v5;
	vm0 =	vmand vm15, vm1  }
0x158: {  	vm1 =	veq.f32 v33, v25;
	v5 =	vsel vm0, $0x2, v5;
	vm0 =	vnez.u8 v6  }
0x159: {  	[tilespmem:$0x1FEF0] =	vst v23;
	vm0 =	vmand vm0, vm1  }
0x15a: {  	vm1 =	veq.f32 v1, v25;
	v1 =	vsel vm0, $0x1, v5;
	v5 =	vld [tilespmem:$0x1FEF0];
	_ =	sdelay $0x4  }
0x15b: {  	vm0 =	vnez.u8 v5  }
0x15c: {  	vm0 =	vmand vm0, vm1  }
0x15d: {  	v30 =	vsel vm0, $0x0, v1;
	v1 =	vld [tilespmem:$0x1FF00];
	_ =	sdelay $0x4  }
0x15e: {  	[tilespmem:s28+$0x3800] =	vst v9;
	vm0 =	vnez.u8 v1  }
0x15f: {  	[tilespmem:s28+$0x2A00] =	vst v24;
	v34 =	vpop (erf);
	v6 =	vld [tilespmem:$0x1FF10];
	v1 =	vnsel vm0, $0x0, v31  }
0x160: {  	v24 =	vadd.f32 v27, v10;
	v9 =	vmul.f32 v34, v22;
	[tilespmem:s28+$0x3A00] =	vst v1;
	v1 =	vld [tilespmem:$0x1FF20]  }
0x161: {  	v29 =	vmul.f32 v34, v3;
	v27 =	vmul.f32 v34, v2  }
0x162: {  	[tilespmem:s28+$0x3000] =	vst v11;
	v11 =	vadd.f32 v24, v13;
	v28 =	vmul.f32 v34, v4;
	v26 =	vmul.f32 v34, v12  }
0x163: {  	v24 =	vmul.f32 v34, v14;
	v23 =	vmul.f32 v34, v17  }
0x164: {  	p0 =	sne.s32 s30, $0x7C0;
	v15 =	vmul.f32 v34, v16;
	v5 =	vadd.f32 v11, v22;
	vm0 =	vnez.u8 v6  }
.Ltmp0:
0x165: {  	[tilespmem:$0x1FFC0] =	vst v61;
	v6 =	vnsel vm0, $0x0, v32;
	vm0 =	veq.s32 v30, $0xF;
	vm1 =	vnez.u8 v1;
	(pc) =	sbr.rel @p0 .LBB2_2-.Ltmp0, $4  }
0x166: {  	v25 =	vmul.f32 v34, v8;
	v11 =	vmul.f32 v34, v18;
	[tilespmem:s28+$0x3C00] =	vst v6;
	s28 =	smov.u32 s29;
	vm0 =	vmor vm1, vm0  }
0x167: {  	(erf) = vrcp.f32 v5;
	v5 =	vmul.f32 v34, v21;
	[tilespmem:s28+$0x4200] =	vst v30;
	v1 =	vnsel vm0, $0x0, v9  }
0x168: {  	vm15 =	veq.s32 v30, $0x0;
	vm2 =	veq.s32 v30, $0x3;
	s29 =	sshra.s32 s30, $0x2;
	v6 =	vmul.f32 v34, v20;
	[tilespmem:s28+$0x3E00] =	vst v1  }
0x169: {  	[tilespmem:$0x1FFD0] =	vst v49;
	s30 =	sadd.s32 $0x40, s30;
	vm1 =	veq.s32 v30, $0x2;
	vm0 =	veq.s32 v30, $0x1;
	v9 =	vmul.f32 v34, v19;
	v1 =	vld [tilespmem:s29+$0x0]  }
0x16a: {  	v31 =	vld [tilespmem:s29+$0x200]  }
0x16b: {  	v32 =	vld [tilespmem:s29+$0x400]  }
0x16c: {  	v33 =	vld [tilespmem:s29+$0x600]  }
0x16d: {  	v35 =	vld [tilespmem:s29+$0x800]  }
0x16e: {  	v36 =	vld [tilespmem:s29+$0xA00]  }
0x16f: {  	v37 =	vld [tilespmem:s29+$0xC00];
	v49 =	vmax.f32 v1, v31  }
0x170: {  	v39 =	vld [tilespmem:s29+$0xE00];
	v38 =	vmax.f32 v49, v32  }
0x171: {  	v40 =	vld [tilespmem:s29+$0x1000];
	v38 =	vmax.f32 v38, v33  }
0x172: {  	v41 =	vld [tilespmem:s29+$0x1200];
	v38 =	vmax.f32 v38, v35  }
0x173: {  	v48 =	vld [tilespmem:s29+$0x1400];
	v38 =	vmax.f32 v38, v36  }
0x174: {  	v47 =	vld [tilespmem:s29+$0x1600];
	v38 =	vmax.f32 v38, v37  }
0x175: {  	v46 =	vld [tilespmem:s29+$0x1800];
	v38 =	vmax.f32 v38, v39  }
0x176: {  	v45 =	vld [tilespmem:s29+$0x1A00];
	v38 =	vmax.f32 v38, v40  }
0x177: {  	v44 =	vld [tilespmem:s29+$0x1C00];
	v38 =	vmax.f32 v38, v41  }
0x178: {  	v42 =	vld [tilespmem:s29+$0x1E00];
	v38 =	vmax.f32 v38, v48  }
0x179: {  	v38 =	vmax.f32 v38, v47  }
0x17a: {  	v38 =	vmax.f32 v38, v46  }
0x17b: {  	v38 =	vmax.f32 v38, v45  }
0x17c: {  	v38 =	vmax.f32 v38, v44  }
0x17d: {  	v43 =	vmax.f32 v38, v42  }
0x17e: {  	vm3 =	veq.f32 v44, v43  }
0x17f: {  	vm9 =	veq.f32 v45, v43;
	v55 =	vsel vm3, $0xE, v0  }
0x180: {  	vm10 =	veq.f32 v46, v43;
	v38 =	vsel vm9, $0xD, v55  }
0x181: {  	vm11 =	veq.f32 v47, v43;
	v38 =	vsel vm10, $0xC, v38  }
0x182: {  	vm12 =	veq.f32 v48, v43;
	v38 =	vsel vm11, $0xB, v38  }
0x183: {  	vm13 =	veq.f32 v41, v43;
	v38 =	vsel vm12, $0xA, v38  }
0x184: {  	vm7 =	veq.f32 v40, v43;
	v38 =	vsel vm13, $0x9, v38  }
0x185: {  	vm8 =	veq.f32 v39, v43;
	v38 =	vsel vm7, $0x8, v38  }
0x186: {  	v50 =	vimm.s32 $0x0;
	vm9 =	veq.f32 v37, v43;
	v38 =	vsel vm8, $0x7, v38  }
0x187: {  	v51 =	vimm.s32 $0x0;
	vm10 =	veq.f32 v36, v43;
	v38 =	vsel vm9, $0x6, v38  }
0x188: {  	v57 =	vimm.s32 $0x0;
	vm11 =	veq.f32 v35, v43;
	v38 =	vsel vm10, $0x5, v38  }
0x189: {  	v58 =	vimm.s32 $0x0;
	vm12 =	veq.f32 v33, v43;
	v38 =	vsel vm11, $0x4, v38  }
0x18a: {  	v59 =	vimm.s32 $0x0;
	vm13 =	veq.f32 v32, v43;
	v38 =	vsel vm12, $0x3, v38  }
0x18b: {  	v60 =	vimm.s32 $0x0;
	vm7 =	veq.f32 v31, v43;
	v38 =	vsel vm13, $0x2, v38  }
0x18c: {  	v61 =	vimm.s32 $0x0;
	vm8 =	veq.f32 v1, v43;
	v38 =	vsel vm7, $0x1, v38  }
0x18d: {  	v62 =	vimm.s32 $0x0;
	v63 =	vimm.s32 $0x0;
	v38 =	vsel vm8, $0x0, v38  }
0x18e: {  	vm4 =	vmor vm14, vm0;
	v53 =	vsub.f32 v32, v43;
	vm3 =	veq.s32 v38, $0x1  }
0x18f: {  	v54 =	vld [tilespmem:$0x1FF30];
	vm9 =	veq.s32 v38, $0x0;
	vm10 =	veq.s32 v38, $0x2;
	vm11 =	veq.s32 v38, $0x3  }
0x190: {  	vm12 =	veq.s32 v38, $0x4;
	vm13 =	veq.s32 v38, $0x5;
	vm7 =	veq.s32 v38, $0x6  }
0x191: {  	v55 =	vld [tilespmem:$0x1FF40];
	vm8 =	veq.s32 v38, $0x7;
	vm5 =	veq.s32 v38, $0x8;
	v50 =	vsel vm3, $0xFFFFFFFF, v50  }
0x192: {  	v56 =	vsel vm3, v1, v49;
	v51 =	vsel vm9, $0xFFFFFFFF, v51;
	vm3 =	vmor vm6, vm15;
	[tilespmem:$0x1FDC0] =	vst v50  }
0x193: {  	vm15 =	veq.s32 v30, $0x6;
	[tilespmem:$0x1FDB0] =	vst v51;
	v50 =	vsel vm9, v31, v56;
	v51 =	vsel vm10, $0xFFFFFFFF, v57  }
0x194: {  	vm9 =	vnez.u8 v54;
	v56 =	vimm.s32 $0x0;
	v50 =	vmax.f32 v50, v32  }
0x195: {  	[tilespmem:$0x1FDD0] =	vst v51;
	v51 =	vsel vm11, $0xFFFFFFFF, v58;
	vm1 =	vmor vm9, vm1;
	v49 =	vsel vm10, v49, v50  }
0x196: {  	v57 =	vld [tilespmem:$0x1FF50];
	[tilespmem:$0x1FDE0] =	vst v51;
	v51 =	vsel vm12, $0xFFFFFFFF, v59;
	vm10 =	vnez.u8 v55;
	v59 =	vimm.s32 $0x0  }
0x197: {  	v58 =	vld [tilespmem:$0x1FF60];
	v55 =	vimm.s32 $0x0;
	v49 =	vmax.f32 v49, v33;
	[tilespmem:$0x1FDF0] =	vst v51;
	v51 =	vsel vm13, $0xFFFFFFFF, v60  }
0x198: {  	vm2 =	vmor vm10, vm2;
	vm10 =	veq.s32 v30, $0x9;
	v50 =	vsel vm11, v50, v49  }
0x199: {  	[tilespmem:$0x1FE00] =	vst v51;
	v51 =	vsel vm7, $0xFFFFFFFF, v61;
	vm11 =	veq.s32 v30, $0x4;
	v50 =	vmax.f32 v50, v35  }
0x19a: {  	[tilespmem:$0x1FE10] =	vst v51;
	v51 =	vsel vm8, $0xFFFFFFFF, v62;
	v62 =	vimm.s32 $0x0;
	v49 =	vsel vm12, v49, v50  }
0x19b: {  	[tilespmem:$0x1FE20] =	vst v51;
	v51 =	vsel vm5, $0xFFFFFFFF, v63;
	vm12 =	veq.s32 v30, $0x5;
	v63 =	vld [tilespmem:$0x1FF90];
	v49 =	vmax.f32 v49, v36  }
0x19c: {  	vm14 =	vnez.u8 v58;
	v50 =	vsel vm13, v50, v49;
	vm13 =	vnez.u8 v57  }
0x19d: {  	v60 =	vld [tilespmem:$0x1FF70];
	v58 =	vimm.s32 $0x0;
	v50 =	vmax.f32 v50, v37;
	vm0 =	vmor vm13, vm11  }
0x19e: {  	v61 =	vld [tilespmem:$0x1FF80];
	vm13 =	veq.s32 v30, $0x7;
	v49 =	vsel vm7, v49, v50;
	vm7 =	veq.s32 v38, $0x9  }
0x19f: {  	[tilespmem:$0x1FE30] =	vst v51;
	vm11 =	veq.s32 v30, $0xB;
	v49 =	vmax.f32 v49, v39;
	v51 =	vsel vm7, $0xFFFFFFFF, v56  }
0x1a0: {  	v54 =	vld [tilespmem:$0x1FFA0];
	vm9 =	vnez.u8 v63;
	v50 =	vsel vm8, v50, v49;
	vm8 =	veq.s32 v38, $0xA  }
0x1a1: {  	v56 =	vld [tilespmem:$0x1FFB0];
	v63 =	vsub.f32 v1, v43;
	[tilespmem:$0x1FE40] =	vst v51;
	v50 =	vmax.f32 v50, v40;
	v51 =	vsel vm8, $0xFFFFFFFF, v59  }
0x1a2: {  	v49 =	vsel vm5, v49, v50;
	vm5 =	vmor vm14, vm12;
	vm12 =	vnez.u8 v60  }
0x1a3: {  	vm14 =	vnez.u8 v61;
	v49 =	vmax.f32 v49, v41;
	vm6 =	vmor vm12, vm15  }
0x1a4: {  	vm15 =	veq.s32 v38, $0xB;
	vm12 =	veq.s32 v30, $0x8;
	v50 =	vsel vm7, v50, v49  }
0x1a5: {  	[tilespmem:$0x1FE50] =	vst v51;
	vm7 =	vmor vm14, vm13;
	v51 =	vsel vm15, $0xFFFFFFFF, v62;
	vm9 =	vmor vm9, vm12  }
0x1a6: {  	v57 =	vld [tilespmem:$0x1FFC0];
	vm13 =	vnez.u8 v54;
	vm12 =	veq.s32 v38, $0xC;
	vm14 =	vnez.u8 v56  }
0x1a7: {  	v59 =	vld [tilespmem:$0x1FFD0];
	v56 =	vsub.f32 v31, v43;
	v54 =	vsub.f32 v37, v43;
	v50 =	vmax.f32 v50, v48  }
0x1a8: {  	[tilespmem:$0x1FE60] =	vst v51;
	v51 =	vsel vm12, $0xFFFFFFFF, v55;
	v15 =	vnsel vm7, $0x0, v15;
	vm7 =	vne.s32 v38, $0x5  }
0x1a9: {  	v60 =	vld [tilespmem:$0x1FFE0];
	v55 =	vpop (erf);
	v11 =	vnsel vm9, $0x0, v11;
	v49 =	vsel vm8, v49, v50;
	vm8 =	veq.s32 v30, $0xA  }
0x1aa: {  	v14 =	vmul.f32 v55, v14;
	v17 =	vmul.f32 v55, v17;
	v49 =	vmax.f32 v49, v47  }
0x1ab: {  	v16 =	vmul.f32 v55, v16;
	v50 =	vsel vm15, v50, v49;
	vm15 =	vmor vm13, vm10  }
0x1ac: {  	vm10 =	vmor vm14, vm8;
	vm13 =	vnez.u8 v57;
	vm14 =	vnez.u8 v59  }
0x1ad: {  	v59 =	vmul.f32 $1.442695020e+00, v53;
	v50 =	vmax.f32 v50, v46;
	vm8 =	vmor vm13, vm11  }
0x1ae: {  	[tilespmem:$0x1FE70] =	vst v51;
	vm13 =	vnez.u8 v60;
	v60 =	vsub.f32 v35, v43;
	v51 =	vsel vm8, $0xFFFFFFFF, v58  }
0x1af: {  	v49 =	vsel vm12, v49, v50;
	vm8 =	veq.s32 v30, $0xC;
	vm12 =	veq.s32 v38, $0xD  }
0x1b0: {  	v58 =	vsub.f32 v33, v43;
	v49 =	vmax.f32 v49, v45;
	vm11 =	vmor vm14, vm8  }
0x1b1: {  	[tilespmem:$0x1FDA0] =	vst v51;
	vm8 =	veq.s32 v30, $0xD;
	v51 =	vnsel vm3, $0x0, v29;
	v50 =	vsel vm12, v50, v49  }
0x1b2: {  	vm14 =	vmor vm13, vm8;
	vm13 =	veq.s32 v38, $0xE;
	v52 =	vmax.f32 v50, v44  }
0x1b3: {  	v61 =	vsel vm13, v49, v52;
	v49 =	vnsel vm2, $0x0, v25;
	v25 =	vmul.f32 $1.442695020e+00, v63  }
0x1b4: {  	v29 =	vnsel vm1, $0x0, v28;
	v28 =	vnsel vm5, $0x0, v24;
	v24 =	vmul.f32 $1.442695020e+00, v56  }
0x1b5: {  	v56 =	vsub.f32 v39, v43;
	vm8 =	veq.s32 v38, $0xF;
	(erf) = vpow2.f32 v25  }
0x1b6: {  	v50 =	vnsel vm4, $0x0, v27;
	v27 =	vnsel vm0, $0x0, v26;
	(erf) = vpow2.f32 v24  }
0x1b7: {  	vm4 =	vne.s32 v38, $0xE;
	v56 =	vmul.f32 $1.442695020e+00, v56;
	v62 =	vmax.f32 v61, v42  }
0x1b8: {  	v26 =	vsel vm8, v52, v62;
	v25 =	vmul.f32 $1.442695020e+00, v58;
	(erf) = vpow2.f32 v59  }
0x1b9: {  	v63 =	vmul.f32 $1.442695020e+00, v54;
	v62 =	vsub.f32 v36, v43;
	vm0 =	veq.f32 v44, v26  }
0x1ba: {  	vm5 =	veq.f32 v45, v26;
	v24 =	vmul.f32 $1.442695020e+00, v60;
	(erf) = vpow2.f32 v25  }
0x1bb: {  	v60 =	vsub.f32 v40, v43;
	vm0 =	vmand vm4, vm0;
	vm4 =	vne.s32 v38, $0xD  }
0x1bc: {  	v57 =	vsel vm0, $0xE, v0;
	v25 =	vmul.f32 $1.442695020e+00, v62;
	(erf) = vpow2.f32 v24  }
0x1bd: {  	vm0 =	vmand vm4, vm5;
	vm4 =	vne.s32 v38, $0xC;
	vm5 =	veq.f32 v46, v26  }
0x1be: {  	v52 =	vsel vm0, $0xD, v57;
	vm0 =	vmand vm4, vm5;
	(erf) = vpow2.f32 v25;
	v24 =	vpop (erf)  }
0x1bf: {  	vm4 =	vne.s32 v38, $0xB;
	v61 =	vsel vm0, $0xC, v52;
	v52 =	vnsel vm6, $0x0, v23;
	v23 =	vpop (erf)  }
0x1c0: {  	vm5 =	veq.f32 v47, v26;
	(erf) = vpow2.f32 v63;
	v58 =	vadd.f32 v23, v24  }
0x1c1: {  	v54 =	vmul.f32 $1.442695020e+00, v60;
	v57 =	vsub.f32 v41, v43;
	vm0 =	vmand vm4, vm5;
	v25 =	vpop (erf)  }
0x1c2: {  	vm5 =	veq.f32 v48, v26;
	(erf) = vpow2.f32 v56;
	v62 =	vadd.f32 v58, v25  }
0x1c3: {  	v48 =	vsub.f32 v48, v43;
	(erf) = vpow2.f32 v54;
	v54 =	vmul.f32 v55, v3;
	v3 =	vpop (erf)  }
0x1c4: {  	v53 =	vsel vm0, $0xB, v61;
	v61 =	vmul.f32 $1.442695020e+00, v57;
	v63 =	vadd.f32 v62, v3  }
0x1c5: {  	v18 =	vmul.f32 v55, v18;
	v47 =	vsub.f32 v47, v43;
	v56 =	vmul.f32 v55, v2;
	v2 =	vpop (erf)  }
0x1c6: {  	v48 =	vmul.f32 $1.442695020e+00, v48;
	(erf) = vpow2.f32 v61;
	v60 =	vadd.f32 v63, v2  }
0x1c7: {  	v19 =	vmul.f32 v55, v19;
	v46 =	vsub.f32 v46, v43;
	v58 =	vmul.f32 v55, v4;
	v4 =	vpop (erf)  }
0x1c8: {  	v47 =	vmul.f32 $1.442695020e+00, v47;
	(erf) = vpow2.f32 v48;
	v62 =	vadd.f32 v60, v4  }
0x1c9: {  	v20 =	vmul.f32 v55, v20;
	v45 =	vsub.f32 v45, v43;
	v48 =	vmul.f32 v55, v8;
	v8 =	vpop (erf)  }
0x1ca: {  	v61 =	vmul.f32 $1.442695020e+00, v46;
	[tilespmem:s28+$0x4400] =	vst v54;
	(erf) = vpow2.f32 v47;
	v54 =	vadd.f32 v62, v8  }
0x1cb: {  	v42 =	vsub.f32 v42, v43;
	v44 =	vsub.f32 v44, v43;
	v57 =	vmul.f32 v55, v12;
	v12 =	vpop (erf)  }
0x1cc: {  	(erf) = vpow2.f32 v61;
	v63 =	vmul.f32 $1.442695020e+00, v45;
	v45 =	vadd.f32 v54, v12  }
0x1cd: {  	v21 =	vmul.f32 v55, v21;
	[tilespmem:s28+$0x4E00] =	vst v14;
	v44 =	vmul.f32 $1.442695020e+00, v44;
	v43 =	vsub.f32 v26, v43;
	v14 =	vpop (erf)  }
0x1ce: {  	v42 =	vmul.f32 $1.442695020e+00, v42;
	[tilespmem:s28+$0x4C00] =	vst v57;
	(erf) = vpow2.f32 v63;
	v57 =	vadd.f32 v45, v14  }
0x1cf: {  	vm9 =	vne.s32 v38, $0x2;
	[tilespmem:s28+$0x5200] =	vst v16;
	v43 =	vmul.f32 $1.442695020e+00, v43;
	(erf) = vpow2.f32 v44;
	v16 =	vpop (erf)  }
0x1d0: {  	v22 =	vmul.f32 v55, v22;
	[tilespmem:s28+$0x4800] =	vst v58;
	(erf) = vpow2.f32 v42;
	v58 =	vadd.f32 v57, v16  }
0x1d1: {  	[tilespmem:s28+$0x5000] =	vst v17;
	vm4 =	vne.s32 v38, $0xA;
	vm6 =	vne.s32 v38, $0x9;
	(erf) = vpow2.f32 v43;
	v17 =	vpop (erf)  }
0x1d2: {  	[tilespmem:s28+$0x5400] =	vst v18;
	vm0 =	vmand vm4, vm5;
	vm4 =	veq.f32 v41, v26;
	v61 =	vadd.f32 v58, v17  }
0x1d3: {  	vm5 =	vne.s32 v38, $0x8;
	[tilespmem:s28+$0x4600] =	vst v56;
	v56 =	vsel vm0, $0xA, v53;
	vm0 =	vmand vm6, vm4;
	v18 =	vpop (erf)  }
0x1d4: {  	[tilespmem:s28+$0x5600] =	vst v19;
	vm6 =	veq.f32 v40, v26;
	vm4 =	vne.s32 v38, $0x7;
	v45 =	vadd.f32 v61, v18  }
0x1d5: {  	[tilespmem:s28+$0x5800] =	vst v20;
	v59 =	vsel vm0, $0x9, v56;
	vm0 =	vmand vm5, vm6;
	vm5 =	veq.f32 v39, v26;
	v19 =	vpop (erf)  }
0x1d6: {  	[tilespmem:s28+$0x5A00] =	vst v21;
	v46 =	vsel vm0, $0x8, v59;
	vm6 =	vmand vm4, vm5;
	v47 =	vadd.f32 v45, v19  }
0x1d7: {  	[tilespmem:s28+$0x6200] =	vst v22;
	vm4 =	vne.s32 v38, $0x6;
	vm5 =	veq.f32 v37, v26;
	v60 =	vmul.f32 v55, v7;
	v20 =	vpop (erf)  }
0x1d8: {  	[tilespmem:s28+$0x4A00] =	vst v48;
	v48 =	vsel vm6, $0x7, v46;
	v63 =	vmul.f32 v55, v13;
	v21 =	vpop (erf);
	v53 =	vadd.f32 v47, v20  }
0x1d9: {  	vm6 =	vmand vm4, vm5;
	vm4 =	veq.f32 v36, v26;
	v62 =	vmul.f32 v55, v10;
	[tilespmem:s28+$0x5C00] =	vst v60;
	v22 =	vpop (erf)  }
0x1da: {  	vm5 =	vmand vm7, vm4;
	vm7 =	veq.f32 v35, v26;
	[tilespmem:s28+$0x6000] =	vst v63;
	v54 =	vpop (erf);
	v39 =	vadd.f32 v53, v21  }
0x1db: {  	v55 =	vsel vm6, $0x6, v48;
	vm6 =	vne.s32 v38, $0x4;
	[tilespmem:s28+$0x5E00] =	vst v62;
	v56 =	vadd.f32 $1.000000000e+00, v54  }
0x1dc: {  	v9 =	vnsel vm15, $0x0, v9;
	vm4 =	vmand vm6, vm7;
	[tilespmem:s29+$0x4000] =	vst v38;
	v58 =	vadd.f32 v39, v22  }
0x1dd: {  	vm6 =	veq.f32 v33, v26;
	[tilespmem:s28+$0x2A00] =	vst v28;
	v28 =	vld [tilespmem:$0x1FFF0];
	v57 =	vsel vm5, $0x5, v55;
	(erf) = vrcp.f32 v56  }
0x1de: {  	vm5 =	vne.s32 v38, $0x3;
	v59 =	vsel vm4, $0x4, v57;
	(erf) = vrcp.f32 v58  }
0x1df: {  	v63 =	vld [tilespmem:$0x1FDA0];
	vm7 =	vmand vm5, vm6;
	vm4 =	veq.f32 v32, v26;
	vm6 =	vne.s32 v38, $0x1  }
0x1e0: {  	v60 =	vsel vm7, $0x3, v59;
	vm5 =	vmand vm9, vm4;
	vm7 =	veq.f32 v31, v26  }
0x1e1: {  	vm4 =	veq.f32 v1, v26;
	v1 =	vmul.f32 v34, v13;
	v62 =	vsel vm5, $0x2, v60  }
0x1e2: {  	vm9 =	vmand vm6, vm7;
	vm5 =	veq.s32 v30, $0xE;
	vm6 =	vnez.u8 v28  }
0x1e3: {  	v6 =	vnsel vm10, $0x0, v6;
	vm15 =	vne.s32 v38, $0x0;
	[tilespmem:s28+$0x2000] =	vst v51;
	vm1 =	vmor vm6, vm5  }
0x1e4: {  	[tilespmem:s28+$0x2800] =	vst v27;
	v27 =	vmul.f32 v34, v10;
	vm10 =	vnez.u8 v63;
	v1 =	vnsel vm1, $0x0, v1  }
0x1e5: {  	[tilespmem:s28+$0x2E00] =	vst v15;
	vm0 =	vmand vm15, vm4;
	v61 =	vmul.f32 v34, v7;
	v15 =	vsel vm9, $0x1, v62  }
0x1e6: {  	[tilespmem:s28+$0x2400] =	vst v29;
	v5 =	vnsel vm10, $0x0, v5;
	v29 =	vsel vm0, $0x0, v15;
	v31 =	vpop (erf)  }
0x1e7: {  	v30 =	vnsel vm14, $0x0, v27;
	v7 =	vnsel vm11, $0x0, v61;
	vm0 =	veq.s32 v29, $0xF;
	[tilespmem:s28+$0x3C00] =	vst v1;
	v1 =	vpop (erf)  }
0x1e8: {  	v43 =	vld [tilespmem:$0x1FDB0];
	[tilespmem:s28+$0x2200] =	vst v50;
	vm7 =	veq.s32 v29, $0x0;
	v34 =	vmul.f32 v1, v24;
	v35 =	vmul.f32 v1, v23  }
0x1e9: {  	[tilespmem:s28+$0x2600] =	vst v49;
	vm9 =	veq.s32 v29, $0x1;
	v45 =	vld [tilespmem:$0x1FDC0];
	v36 =	vmul.f32 v1, v25;
	v37 =	vmul.f32 v1, v3  }
0x1ea: {  	[tilespmem:s28+$0x2C00] =	vst v52;
	vm11 =	veq.s32 v29, $0x2;
	v47 =	vld [tilespmem:$0x1FDD0];
	v38 =	vmul.f32 v1, v2;
	v39 =	vmul.f32 v1, v4  }
0x1eb: {  	[tilespmem:s28+$0x3000] =	vst v11;
	v54 =	vld [tilespmem:$0x1FE00];
	vm15 =	veq.s32 v29, $0x3;
	v40 =	vmul.f32 v1, v8;
	v41 =	vmul.f32 v1, v12  }
0x1ec: {  	[tilespmem:s28+$0x3200] =	vst v9;
	vm0 =	vmor vm8, vm0;
	v42 =	vmul.f32 v1, v14;
	v44 =	vmul.f32 v1, v16  }
0x1ed: {  	[tilespmem:s28+$0x3400] =	vst v6;
	vm8 =	vnez.u8 v43;
	v56 =	vld [tilespmem:$0x1FE10];
	v46 =	vmul.f32 v1, v17;
	v48 =	vmul.f32 v1, v18  }
0x1ee: {  	v49 =	vld [tilespmem:$0x1FDE0];
	[tilespmem:s28+$0x3600] =	vst v5;
	vm10 =	vnez.u8 v45;
	v50 =	vmul.f32 v1, v19;
	v52 =	vmul.f32 v1, v20  }
0x1ef: {  	[tilespmem:s28+$0x3A00] =	vst v30;
	vm14 =	vnez.u8 v47;
	v55 =	vmul.f32 v1, v21;
	v1 =	vmul.f32 v1, v22  }
0x1f0: {  	v57 =	vld [tilespmem:$0x1FE20];
	[tilespmem:s28+$0x3800] =	vst v7;
	vm2 =	vmor vm14, vm11;
	vm11 =	veq.s32 v29, $0x5;
	vm14 =	vnez.u8 v54  }
0x1f1: {  	vm1 =	vmor vm10, vm9;
	vm5 =	vmor vm14, vm11;
	v32 =	vmul.f32 v31, v22;
	[tilespmem:s29+$0x6200] =	vst v1;
	v1 =	vld [tilespmem:$0x1FE30]  }
0x1f2: {  	vm14 =	vnez.u8 v56;
	v53 =	vmul.f32 v31, v24;
	v58 =	vmul.f32 v31, v23  }
0x1f3: {  	v33 =	vnsel vm0, $0x0, v32;
	vm0 =	vmor vm8, vm7;
	vm8 =	vnez.u8 v49  }
0x1f4: {  	v59 =	vmul.f32 v31, v25;
	vm3 =	vmor vm8, vm15;
	vm15 =	veq.s32 v29, $0x6  }
0x1f5: {  	[tilespmem:s29+$0x4200] =	vst v29;
	vm7 =	veq.s32 v29, $0x7;
	vm6 =	vmor vm14, vm15;
	vm15 =	vnez.u8 v57  }
0x1f6: {  	[tilespmem:s29+$0x3E00] =	vst v33;
	vm7 =	vmor vm15, vm7;
	vm15 =	vnez.u8 v1;
	v1 =	vnsel vm1, $0x0, v58  }
0x1f7: {  	v60 =	vnsel vm2, $0x0, v59;
	[tilespmem:s29+$0x2200] =	vst v1;
	v1 =	vld [tilespmem:$0x1FE40]  }
0x1f8: {  	v10 =	vnsel vm0, $0x0, v53;
	[tilespmem:s29+$0x2400] =	vst v60  }
0x1f9: {  	[tilespmem:s29+$0x2000] =	vst v10  }
0x1fa: {  	v3 =	vmul.f32 v31, v3;
	[tilespmem:s29+$0x4400] =	vst v34  }
0x1fb: {  	[tilespmem:s29+$0x4600] =	vst v35  }
0x1fc: {  	[tilespmem:s29+$0x4800] =	vst v36;
	vm11 =	vnez.u8 v1;
	v1 =	vnsel vm3, $0x0, v3  }
0x1fd: {  	[tilespmem:s29+$0x2600] =	vst v1;
	v1 =	vld [tilespmem:$0x1FE50]  }
0x1fe: {  	[tilespmem:s29+$0x4A00] =	vst v37  }
0x1ff: {  	[tilespmem:s29+$0x4C00] =	vst v38  }
0x200: {  	v51 =	vld [tilespmem:$0x1FDF0];
	[tilespmem:s29+$0x4E00] =	vst v39;
	v3 =	vmul.f32 v31, v4  }
0x201: {  	vm14 =	veq.s32 v29, $0x8;
	[tilespmem:s29+$0x5000] =	vst v40  }
0x202: {  	[tilespmem:s29+$0x5200] =	vst v41;
	vm0 =	vmor vm15, vm14;
	vm15 =	vnez.u8 v1;
	v1 =	vnsel vm5, $0x0, v3  }
0x203: {  	[tilespmem:s29+$0x2A00] =	vst v1;
	v1 =	vld [tilespmem:$0x1FE60]  }
0x204: {  	[tilespmem:s29+$0x5400] =	vst v42  }
0x205: {  	vm9 =	veq.s32 v29, $0x4;
	vm10 =	vnez.u8 v51;
	v2 =	vmul.f32 v31, v2;
	[tilespmem:s29+$0x5600] =	vst v44  }
0x206: {  	vm4 =	vmor vm10, vm9;
	[tilespmem:s29+$0x5800] =	vst v46;
	v3 =	vmul.f32 v31, v12  }
0x207: {  	[tilespmem:s29+$0x5A00] =	vst v48;
	v2 =	vnsel vm4, $0x0, v2  }
0x208: {  	[tilespmem:s29+$0x2800] =	vst v2;
	vm9 =	vnez.u8 v1;
	v1 =	vnsel vm7, $0x0, v3  }
0x209: {  	v61 =	vmul.f32 v31, v8;
	v2 =	vmul.f32 v31, v14;
	[tilespmem:s29+$0x2E00] =	vst v1;
	v1 =	vld [tilespmem:$0x1FE70]  }
0x20a: {  	vm10 =	veq.s32 v29, $0x9;
	v62 =	vmul.f32 v31, v17;
	v63 =	vmul.f32 v31, v21;
	[tilespmem:s29+$0x5C00] =	vst v50  }
0x20b: {  	vm8 =	veq.s32 v29, $0xB;
	[tilespmem:s29+$0x5E00] =	vst v52;
	vm14 =	veq.s32 v29, $0xA;
	v2 =	vnsel vm0, $0x0, v2  }
0x20c: {  	[tilespmem:s29+$0x3000] =	vst v2;
	v4 =	vnsel vm6, $0x0, v61;
	vm2 =	vmor vm15, vm14;
	v3 =	vmul.f32 v31, v16  }
0x20d: {  	v2 =	vmul.f32 v31, v19;
	vm1 =	vmor vm11, vm10;
	[tilespmem:s29+$0x2C00] =	vst v4;
	v4 =	vnsel vm2, $0x0, v62  }
0x20e: {  	[tilespmem:s29+$0x6000] =	vst v55;
	vm11 =	vnez.u8 v1;
	v1 =	vnsel vm1, $0x0, v3;
	v3 =	vmul.f32 v31, v18  }
0x20f: {  	vm10 =	veq.s32 v29, $0xC;
	vm14 =	veq.s32 v29, $0xD;
	[tilespmem:s29+$0x3400] =	vst v4;
	vm3 =	vmor vm9, vm8  }
0x210: {  	vm15 =	veq.s32 v29, $0xE;
	vm0 =	vmor vm11, vm10;
	[tilespmem:s29+$0x3200] =	vst v1;
	v1 =	vnsel vm3, $0x0, v3  }
0x211: {  	v3 =	vmul.f32 v31, v20;
	v2 =	vnsel vm0, $0x0, v2;
	vm0 =	vmor vm13, vm15;
	[tilespmem:s29+$0x3600] =	vst v1  }
0x212: {  	vm1 =	vmor vm12, vm14;
	[tilespmem:s29+$0x3800] =	vst v2;
	v2 =	vnsel vm0, $0x0, v63  }
0x213: {  	v1 =	vnsel vm1, $0x0, v3;
	[tilespmem:s29+$0x3C00] =	vst v2  }
0x214: {  	s30 =	simm.s32 $0x4400;
	s28 =	rddreg [dreg:$0x14];
	[tilespmem:s29+$0x3A00] =	vst v1  }
0x215: {  	[hbm4b:s28+s23] =	stream.strided.scatter [tilespmem:s30], [sflag:$0x1], $0x200, s24, s23, $0x38;
	[tilespmem:$0x6400] =	vst v63  }
0x216: {  	_ =	swait.ge [sflag:s25], $0x200  }
0x217: {  	[sflag:s25] =	ssyncset.done $0x0  }
0x218: {  	s30 =	simm.s32 $0x2000;
	s28 =	rddreg [dreg:$0x15];
	[sflag:s25] =	ssyncadd.s32 $0xFFFFFE00  }
0x219: {  	[hbm4b:s28+s23] =	stream.strided.scatter [tilespmem:s30], [sflag:$0x1], $0x200, s24, s23, $0x38;
	[tilespmem:$0x6400] =	vst v63  }
0x21a: {  	_ =	swait.ge [sflag:s25], $0x200  }
0x21b: {  	[sflag:s25] =	ssyncset.done $0x0  }
0x21c: {  	s30 =	simm.s32 $0x4600;
	s28 =	rddreg [dreg:$0x16];
	[sflag:s25] =	ssyncadd.s32 $0xFFFFFE00  }
0x21d: {  	[hbm4b:s28+s23] =	stream.strided.scatter [tilespmem:s30], [sflag:$0x1], $0x200, s24, s23, $0x38;
	[tilespmem:$0x6400] =	vst v63  }
0x21e: {  	_ =	swait.ge [sflag:s25], $0x200  }
0x21f: {  	[sflag:s25] =	ssyncset.done $0x0  }
0x220: {  	s30 =	simm.s32 $0x2200;
	s28 =	rddreg [dreg:$0x17];
	[sflag:s25] =	ssyncadd.s32 $0xFFFFFE00  }
0x221: {  	[hbm4b:s28+s23] =	stream.strided.scatter [tilespmem:s30], [sflag:$0x1], $0x200, s24, s23, $0x38;
	[tilespmem:$0x6400] =	vst v63  }
0x222: {  	_ =	swait.ge [sflag:s25], $0x200  }
0x223: {  	[sflag:s25] =	ssyncset.done $0x0  }
0x224: {  	s30 =	simm.s32 $0x4800;
	s28 =	rddreg [dreg:$0x18];
	[sflag:s25] =	ssyncadd.s32 $0xFFFFFE00  }
0x225: {  	[hbm4b:s28+s23] =	stream.strided.scatter [tilespmem:s30], [sflag:$0x1], $0x200, s24, s23, $0x38;
	[tilespmem:$0x6400] =	vst v63  }
0x226: {  	_ =	swait.ge [sflag:s25], $0x200  }
0x227: {  	[sflag:s25] =	ssyncset.done $0x0  }
0x228: {  	s30 =	simm.s32 $0x2400;
	s28 =	rddreg [dreg:$0x19];
	[sflag:s25] =	ssyncadd.s32 $0xFFFFFE00  }
0x229: {  	[hbm4b:s28+s23] =	stream.strided.scatter [tilespmem:s30], [sflag:$0x1], $0x200, s24, s23, $0x38;
	[tilespmem:$0x6400] =	vst v63  }
0x22a: {  	_ =	swait.ge [sflag:s25], $0x200  }
0x22b: {  	[sflag:s25] =	ssyncset.done $0x0  }
0x22c: {  	s30 =	simm.s32 $0x4A00;
	s28 =	rddreg [dreg:$0x1a];
	[sflag:s25] =	ssyncadd.s32 $0xFFFFFE00  }
0x22d: {  	[hbm4b:s28+s23] =	stream.strided.scatter [tilespmem:s30], [sflag:$0x1], $0x200, s24, s23, $0x38;
	[tilespmem:$0x6400] =	vst v63  }
0x22e: {  	_ =	swait.ge [sflag:s25], $0x200  }
0x22f: {  	[sflag:s25] =	ssyncset.done $0x0  }
0x230: {  	s30 =	simm.s32 $0x2600;
	s28 =	rddreg [dreg:$0x1b];
	[sflag:s25] =	ssyncadd.s32 $0xFFFFFE00  }
0x231: {  	[hbm4b:s28+s23] =	stream.strided.scatter [tilespmem:s30], [sflag:$0x1], $0x200, s24, s23, $0x38;
	[tilespmem:$0x6400] =	vst v63  }
0x232: {  	_ =	swait.ge [sflag:s25], $0x200  }
0x233: {  	[sflag:s25] =	ssyncset.done $0x0  }
0x234: {  	s30 =	simm.s32 $0x4C00;
	s28 =	rddreg [dreg:$0x1c];
	[sflag:s25] =	ssyncadd.s32 $0xFFFFFE00  }
0x235: {  	[hbm4b:s28+s23] =	stream.strided.scatter [tilespmem:s30], [sflag:$0x1], $0x200, s24, s23, $0x38;
	[tilespmem:$0x6400] =	vst v63  }
0x236: {  	_ =	swait.ge [sflag:s25], $0x200  }
0x237: {  	[sflag:s25] =	ssyncset.done $0x0  }
0x238: {  	s30 =	simm.s32 $0x2800;
	s28 =	rddreg [dreg:$0x1d];
	[sflag:s25] =	ssyncadd.s32 $0xFFFFFE00  }
0x239: {  	[hbm4b:s28+s23] =	stream.strided.scatter [tilespmem:s30], [sflag:$0x1], $0x200, s24, s23, $0x38;
	[tilespmem:$0x6400] =	vst v63  }
0x23a: {  	_ =	swait.ge [sflag:s25], $0x200  }
0x23b: {  	[sflag:s25] =	ssyncset.done $0x0  }
0x23c: {  	s30 =	simm.s32 $0x4E00;
	s28 =	rddreg [dreg:$0x1e];
	[sflag:s25] =	ssyncadd.s32 $0xFFFFFE00  }
0x23d: {  	[hbm4b:s28+s23] =	stream.strided.scatter [tilespmem:s30], [sflag:$0x1], $0x200, s24, s23, $0x38;
	[tilespmem:$0x6400] =	vst v63  }
0x23e: {  	_ =	swait.ge [sflag:s25], $0x200  }
0x23f: {  	[sflag:s25] =	ssyncset.done $0x0  }
0x240: {  	s30 =	simm.s32 $0x2A00;
	s28 =	rddreg [dreg:$0x1f];
	[sflag:s25] =	ssyncadd.s32 $0xFFFFFE00  }
0x241: {  	[hbm4b:s28+s23] =	stream.strided.scatter [tilespmem:s30], [sflag:$0x1], $0x200, s24, s23, $0x38;
	[tilespmem:$0x6400] =	vst v63  }
0x242: {  	_ =	swait.ge [sflag:s25], $0x200  }
0x243: {  	[sflag:s25] =	ssyncset.done $0x0  }
0x244: {  	s29 =	simm.s32 $0x5000;
	[sflag:s25] =	ssyncadd.s32 $0xFFFFFE00  }
0x245: {  	[hbm4b:s31+s23] =	stream.strided.scatter [tilespmem:s29], [sflag:$0x1], $0x200, s24, s23, $0x38;
	[tilespmem:$0x6400] =	vst v63  }
0x246: {  	_ =	swait.ge [sflag:s25], $0x200  }
0x247: {  	[sflag:s25] =	ssyncset.done $0x0  }
0x248: {  	s30 =	simm.s32 $0x2C00;
	[sflag:s25] =	ssyncadd.s32 $0xFFFFFE00  }
0x249: {  	[hbm4b:s0+s23] =	stream.strided.scatter [tilespmem:s30], [sflag:$0x1], $0x200, s24, s23, $0x38;
	[tilespmem:$0x6400] =	vst v63  }
0x24a: {  	_ =	swait.ge [sflag:s25], $0x200  }
0x24b: {  	[sflag:s25] =	ssyncset.done $0x0  }
0x24c: {  	s29 =	simm.s32 $0x5200;
	[sflag:s25] =	ssyncadd.s32 $0xFFFFFE00  }
0x24d: {  	[hbm4b:s2+s23] =	stream.strided.scatter [tilespmem:s29], [sflag:$0x1], $0x200, s24, s23, $0x38;
	[tilespmem:$0x6400] =	vst v63  }
0x24e: {  	_ =	swait.ge [sflag:s25], $0x200  }
0x24f: {  	[sflag:s25] =	ssyncset.done $0x0  }
0x250: {  	s30 =	simm.s32 $0x2E00;
	[sflag:s25] =	ssyncadd.s32 $0xFFFFFE00  }
0x251: {  	[hbm4b:s3+s23] =	stream.strided.scatter [tilespmem:s30], [sflag:$0x1], $0x200, s24, s23, $0x38;
	[tilespmem:$0x6400] =	vst v63  }
0x252: {  	_ =	swait.ge [sflag:s25], $0x200  }
0x253: {  	[sflag:s25] =	ssyncset.done $0x0  }
0x254: {  	s29 =	simm.s32 $0x5400;
	[sflag:s25] =	ssyncadd.s32 $0xFFFFFE00  }
0x255: {  	[hbm4b:s4+s23] =	stream.strided.scatter [tilespmem:s29], [sflag:$0x1], $0x200, s24, s23, $0x38;
	[tilespmem:$0x6400] =	vst v63  }
0x256: {  	_ =	swait.ge [sflag:s25], $0x200  }
0x257: {  	[sflag:s25] =	ssyncset.done $0x0  }
0x258: {  	s30 =	simm.s32 $0x3000;
	[sflag:s25] =	ssyncadd.s32 $0xFFFFFE00  }
0x259: {  	[hbm4b:s5+s23] =	stream.strided.scatter [tilespmem:s30], [sflag:$0x1], $0x200, s24, s23, $0x38;
	[tilespmem:$0x6400] =	vst v63  }
0x25a: {  	_ =	swait.ge [sflag:s25], $0x200  }
0x25b: {  	[sflag:s25] =	ssyncset.done $0x0  }
0x25c: {  	s29 =	simm.s32 $0x5600;
	[sflag:s25] =	ssyncadd.s32 $0xFFFFFE00  }
0x25d: {  	[hbm4b:s6+s23] =	stream.strided.scatter [tilespmem:s29], [sflag:$0x1], $0x200, s24, s23, $0x38;
	[tilespmem:$0x6400] =	vst v63  }
0x25e: {  	_ =	swait.ge [sflag:s25], $0x200  }
0x25f: {  	[sflag:s25] =	ssyncset.done $0x0  }
0x260: {  	s30 =	simm.s32 $0x3200;
	[sflag:s25] =	ssyncadd.s32 $0xFFFFFE00  }
0x261: {  	[hbm4b:s7+s23] =	stream.strided.scatter [tilespmem:s30], [sflag:$0x1], $0x200, s24, s23, $0x38;
	[tilespmem:$0x6400] =	vst v63  }
0x262: {  	_ =	swait.ge [sflag:s25], $0x200  }
0x263: {  	[sflag:s25] =	ssyncset.done $0x0  }
0x264: {  	s29 =	simm.s32 $0x5800;
	[sflag:s25] =	ssyncadd.s32 $0xFFFFFE00  }
0x265: {  	[hbm4b:s8+s23] =	stream.strided.scatter [tilespmem:s29], [sflag:$0x1], $0x200, s24, s23, $0x38;
	[tilespmem:$0x6400] =	vst v63  }
0x266: {  	_ =	swait.ge [sflag:s25], $0x200  }
0x267: {  	[sflag:s25] =	ssyncset.done $0x0  }
0x268: {  	s30 =	simm.s32 $0x3400;
	[sflag:s25] =	ssyncadd.s32 $0xFFFFFE00  }
0x269: {  	[hbm4b:s9+s23] =	stream.strided.scatter [tilespmem:s30], [sflag:$0x1], $0x200, s24, s23, $0x38;
	[tilespmem:$0x6400] =	vst v63  }
0x26a: {  	_ =	swait.ge [sflag:s25], $0x200  }
0x26b: {  	[sflag:s25] =	ssyncset.done $0x0  }
0x26c: {  	s29 =	simm.s32 $0x5A00;
	[sflag:s25] =	ssyncadd.s32 $0xFFFFFE00  }
0x26d: {  	[hbm4b:s10+s23] =	stream.strided.scatter [tilespmem:s29], [sflag:$0x1], $0x200, s24, s23, $0x38;
	[tilespmem:$0x6400] =	vst v63  }
0x26e: {  	_ =	swait.ge [sflag:s25], $0x200  }
0x26f: {  	[sflag:s25] =	ssyncset.done $0x0  }
0x270: {  	s30 =	simm.s32 $0x3600;
	[sflag:s25] =	ssyncadd.s32 $0xFFFFFE00  }
0x271: {  	[hbm4b:s11+s23] =	stream.strided.scatter [tilespmem:s30], [sflag:$0x1], $0x200, s24, s23, $0x38;
	[tilespmem:$0x6400] =	vst v63  }
0x272: {  	_ =	swait.ge [sflag:s25], $0x200  }
0x273: {  	[sflag:s25] =	ssyncset.done $0x0  }
0x274: {  	s29 =	simm.s32 $0x5C00;
	[sflag:s25] =	ssyncadd.s32 $0xFFFFFE00  }
0x275: {  	[hbm4b:s12+s23] =	stream.strided.scatter [tilespmem:s29], [sflag:$0x1], $0x200, s24, s23, $0x38;
	[tilespmem:$0x6400] =	vst v63  }
0x276: {  	_ =	swait.ge [sflag:s25], $0x200  }
0x277: {  	[sflag:s25] =	ssyncset.done $0x0  }
0x278: {  	s30 =	simm.s32 $0x3800;
	[sflag:s25] =	ssyncadd.s32 $0xFFFFFE00  }
0x279: {  	[hbm4b:s13+s23] =	stream.strided.scatter [tilespmem:s30], [sflag:$0x1], $0x200, s24, s23, $0x38;
	[tilespmem:$0x6400] =	vst v63  }
0x27a: {  	_ =	swait.ge [sflag:s25], $0x200  }
0x27b: {  	[sflag:s25] =	ssyncset.done $0x0  }
0x27c: {  	s29 =	simm.s32 $0x5E00;
	[sflag:s25] =	ssyncadd.s32 $0xFFFFFE00  }
0x27d: {  	[hbm4b:s14+s23] =	stream.strided.scatter [tilespmem:s29], [sflag:$0x1], $0x200, s24, s23, $0x38;
	[tilespmem:$0x6400] =	vst v63  }
0x27e: {  	_ =	swait.ge [sflag:s25], $0x200  }
0x27f: {  	[sflag:s25] =	ssyncset.done $0x0  }
0x280: {  	s30 =	simm.s32 $0x3A00;
	[sflag:s25] =	ssyncadd.s32 $0xFFFFFE00  }
0x281: {  	[hbm4b:s15+s23] =	stream.strided.scatter [tilespmem:s30], [sflag:$0x1], $0x200, s24, s23, $0x38;
	[tilespmem:$0x6400] =	vst v63  }
0x282: {  	_ =	swait.ge [sflag:s25], $0x200  }
0x283: {  	[sflag:s25] =	ssyncset.done $0x0  }
0x284: {  	s29 =	simm.s32 $0x6000;
	[sflag:s25] =	ssyncadd.s32 $0xFFFFFE00  }
0x285: {  	[hbm4b:s16+s23] =	stream.strided.scatter [tilespmem:s29], [sflag:$0x1], $0x200, s24, s23, $0x38;
	[tilespmem:$0x6400] =	vst v63  }
0x286: {  	_ =	swait.ge [sflag:s25], $0x200  }
0x287: {  	[sflag:s25] =	ssyncset.done $0x0  }
0x288: {  	s30 =	simm.s32 $0x3C00;
	[sflag:s25] =	ssyncadd.s32 $0xFFFFFE00  }
0x289: {  	[hbm4b:s17+s23] =	stream.strided.scatter [tilespmem:s30], [sflag:$0x1], $0x200, s24, s23, $0x38;
	[tilespmem:$0x6400] =	vst v63  }
0x28a: {  	_ =	swait.ge [sflag:s25], $0x200  }
0x28b: {  	[sflag:s25] =	ssyncset.done $0x0  }
0x28c: {  	s29 =	simm.s32 $0x6200;
	[sflag:s25] =	ssyncadd.s32 $0xFFFFFE00  }
0x28d: {  	[hbm4b:s18+s23] =	stream.strided.scatter [tilespmem:s29], [sflag:$0x1], $0x200, s24, s23, $0x38;
	[tilespmem:$0x6400] =	vst v63  }
0x28e: {  	_ =	swait.ge [sflag:s25], $0x200  }
0x28f: {  	[sflag:s25] =	ssyncset.done $0x0  }
0x290: {  	s30 =	simm.s32 $0x3E00;
	[sflag:s25] =	ssyncadd.s32 $0xFFFFFE00  }
0x291: {  	[hbm4b:s19+s23] =	stream.strided.scatter [tilespmem:s30], [sflag:$0x1], $0x200, s24, s23, $0x38;
	[tilespmem:$0x6400] =	vst v63  }
0x292: {  	_ =	swait.ge [sflag:s25], $0x200  }
0x293: {  	[sflag:s25] =	ssyncset.done $0x0  }
0x294: {  	s29 =	simm.s32 $0x4000;
	[sflag:s25] =	ssyncadd.s32 $0xFFFFFE00  }
0x295: {  	[hbm4b:s20+s1] =	stream.linear.scatter [tilespmem:s29], [sflag:$0x1], $0x200, $0x38;
	[tilespmem:$0x6400] =	vst v63  }
0x296: {  	s26 =	sadd.s32 $0x1, s26;
	_ =	swait.ge [sflag:s25], $0x200  }
0x297: {  	p0 =	sne.s32 s26, s22;
	[sflag:s25] =	ssyncset.done $0x0  }
.Ltmp1:
0x298: {  	s30 =	simm.s32 $0x4200;
	[sflag:s25] =	ssyncadd.s32 $0xFFFFFE00;
	(pc) =	sbr.rel @p0 .LBB2_1-.Ltmp1, $4  }
0x299: {  	[hbm4b:s21+s1] =	stream.linear.scatter [tilespmem:s30], [sflag:$0x1], $0x200, $0x38;
	[tilespmem:$0x6400] =	vst v63  }
0x29a: {  	_ =	swait.ge [sflag:s25], $0x200  }
0x29b: {  	[sflag:s25] =	ssyncset.done $0x0  }
0x29c: {  	[sflag:s25] =	ssyncadd.s32 $0xFFFFFE00  }
0x29d: {  	_ =	sfence.sel $0x180000  }
0x29e: {  	[bflag:$0x0] =	sbarrier.arrive $0xFFFF  }
0x29f: {  	_ =	strace $0x90000047  }
0x2a0: {  	s0 =	stileid.u32;
	[bflag:$0x2] =	sbarrier.arrive $0xFFFF  }
0x2a1: {  	p0 =	sne.s32 s0, $0x0;
	s0 =	rddreg [dreg:$0x3]  }
0x2a2: {  	s0 =	sadd.s32 @!p0 $0x100000, s0  }
0x2a3: {  	[sflag:s0] =	ssyncadd.tile.s32 @!p0 $0x1;
	_ =	shalt  }
.Lfunc_end2:
_tile_overlayer_lowered:
.L_overlay_start_2:
0x2a4: {  	(tag) =	ssettag $0x2  }
0x2a5: {  	s0 =	rddreg [dreg:$0x0];
	s2 =	stileid.u32  }
0x2a6: {  	s1 =	rddreg [dreg:$0x1];
	p0 =	sne.s32 s2, $0x0  }
0x2a7: {  	s3 =	rddreg [dreg:$0x2];
	[bflag:$0x3] =	sbarrier.arrive $0xFFFF;
	s2 =	simm.s32 @!p0 $0x1C01  }
0x2a8: {  	[timem:s3], [sflag:s2] =	dma.local @!p0 [hbm:s0], s1  }
0x2a9: {  	s0 =	simm.s32 @!p0 $0x1  }
0x2aa: {  	_ =	swait.ge @!p0 [sflag:s0], s1  }
0x2ab: {  	s1 =	ssub.s32 @!p0 $0x0, s1;
	[sflag:s0] =	ssyncset.done @!p0 $0x0  }
0x2ac: {  	[sflag:s0] =	ssyncadd.s32 @!p0 s1  }
0x2ad: {  	[bflag:$0x3] =	sbarrier.arrive $0xFFFF  }
0x2ae: {  	_ =	shalt  }

</sc_bundles>
